<compile_context>
chip_gen: v7x
topology: tpu7x:2x2x1
jax: 0.10.2.dev20260603
libtpu: 0.0.44.dev20260713+nightly
codegen_flags: <defaults>
</compile_context>

<pallas_src>
import functools

import jax
import jax.numpy as jnp
from jax import lax
from jax.experimental import pallas as pl
from jax.experimental.pallas import tpu as pltpu
from jax.experimental.pallas import tpu_sc as plsc

B = 512
P = 196
H = 768
M = 512
NC = 2
NS = 16
NW = NC * NS
L = 16
BPW = B // NW
HCH = 128
NCHUNK = H // HCH
JBLK = HCH // L
RUNROLL = 7
NJ = H // L
INV_P = 1.0 / P

_mesh = plsc.VectorSubcoreMesh(core_axis_name="c", subcore_axis_name="s")


@functools.partial(
    pl.kernel,
    mesh=_mesh,
    out_type=[
        jax.ShapeDtypeStruct((M, H), jnp.float32),
        jax.ShapeDtypeStruct((B,), jnp.int32),
    ],
    scratch_types=[
        pltpu.VMEM((P, HCH), jnp.float32),
        pltpu.VMEM((P, HCH), jnp.float32),
        pltpu.VMEM((H,), jnp.float32),
        pltpu.VMEM((BPW,), jnp.int32),
        pltpu.SemaphoreType.DMA,
        pltpu.SemaphoreType.DMA,
    ],
)
def _sc_mean(states_hbm, ts_hbm, mem_hbm, ts_out_hbm,
             buf0, buf1, outbuf, tsbuf, sem0, sem1):
    wid = lax.axis_index("s") * NC + lax.axis_index("c")
    base = wid * BPW

    pltpu.sync_copy(ts_hbm.at[pl.ds(base, BPW)], tsbuf)
    pltpu.sync_copy(tsbuf, ts_out_hbm.at[pl.ds(base, BPW)])

    bufs = (buf0, buf1)
    sems = (sem0, sem1)

    def chunk_src(b, c):
        return states_hbm.at[base + b, pl.ds(0, P), pl.ds(c * HCH, HCH)]

    pltpu.make_async_copy(chunk_src(0, 0), bufs[0], sems[0]).start()

    def state_body(b, _):
        for c in range(NCHUNK):
            pc = c % 2
            pn = (c + 1) % 2
            pltpu.make_async_copy(chunk_src(b, c), bufs[pc], sems[pc]).wait()
            if c < NCHUNK - 1:
                pltpu.make_async_copy(
                    chunk_src(b, c + 1), bufs[pn], sems[pn]).start()
            else:
                @pl.when(b < BPW - 1)
                def _():
                    pltpu.make_async_copy(
                        chunk_src(b + 1, 0), bufs[pn], sems[pn]).start()

            buf = bufs[pc]

            def row_body(r7, accs):
                for dr in range(RUNROLL):
                    r = r7 * RUNROLL + dr
                    accs = tuple(
                        accs[k] + buf[r, pl.ds(k * L, L)]
                        for k in range(JBLK)
                    )
                return accs

            accs = lax.fori_loop(
                0, P // RUNROLL, row_body,
                tuple(jnp.zeros((L,), jnp.float32) for _ in range(JBLK)),
            )
            for k in range(JBLK):
                outbuf[pl.ds(c * HCH + k * L, L)] = accs[k] * INV_P

        pltpu.sync_copy(outbuf, mem_hbm.at[base + b])
        return 0

    lax.fori_loop(0, BPW, state_body, 0)


def kernel(states, timestamp, memory_states, memory_timestamps):
    new_mem, new_ts = _sc_mean(states, timestamp.astype(jnp.int32))
    new_ts = new_ts.astype(memory_timestamps.dtype)
    new_valid = jnp.ones((M,), dtype=jnp.bool_)
    new_ptr = jnp.full((1,), B % M, dtype=jnp.int32)
    new_count = jnp.full((1,), min(B, M), dtype=jnp.int32)
    return (new_mem, new_ts, new_valid, new_ptr, new_count)

# --- scband reference (transcript-rebuilt; emitter-appended) ---
"""Pipeline reference for scband-fifomemory-bank-88235808129517 (READ-ONLY COPY).

The authoritative reference and input builder live on the scoring server;
editing this copy changes nothing except your own understanding.
"""

import jax, jax.numpy as jnp
import numpy as np

B = 512
P = 196
H = 768
M = 512  # max_memory_size


def setup_inputs(seed: int = 0) -> dict:
    key = jax.random.key(seed)
    k1, k2 = jax.random.split(key)
    states = jax.random.normal(k1, (B, P, H), dtype=jnp.float32)
    timestamp = jax.random.randint(k2, (B,), 0, 100000, dtype=jnp.int32)
    # module buffers (FIFO memory bank state), ptr starts at 0 on a fresh module
    memory_states = jnp.zeros((M, H), dtype=jnp.float32)
    memory_timestamps = jnp.zeros((M,), dtype=jnp.int32)
    return {
        "states": states,
        "timestamp": timestamp,
        "memory_states": memory_states,
        "memory_timestamps": memory_timestamps,
    }


def reference(states, timestamp, memory_states, memory_timestamps):
    # FIFOMemoryBank.add_memory semantics:
    # 1) states: [B, P, H] -> mean over patches -> [B, H]
    # 2) sequential FIFO writes: slot b -> (ptr + b) % M, ptr = 0 initially.
    #    With B == M every slot is written exactly once, so the python loop
    #    is equivalent to a single vectorized scatter-overwrite.
    s = jnp.mean(states, axis=1)  # [B, H]
    idx = jnp.arange(states.shape[0], dtype=jnp.int32) % memory_states.shape[0]
    new_mem = memory_states.at[idx].set(s)
    new_ts = memory_timestamps.at[idx].set(timestamp.astype(memory_timestamps.dtype))
    new_valid = jnp.zeros((memory_states.shape[0],), dtype=jnp.bool_).at[idx].set(True)
    new_ptr = jnp.asarray([(idx.shape[0]) % memory_states.shape[0]], dtype=jnp.int32)
    new_count = jnp.asarray([min(idx.shape[0], memory_states.shape[0])], dtype=jnp.int32)
    return (new_mem, new_ts, new_valid, new_ptr, new_count)

if __name__ == "__main__":
    import jax
    _d = setup_inputs()
    print(jax.jit(kernel)(*tuple(_d.values())))

</pallas_src>

<mosaic_0001>
#map = affine_map<(d0, d1) -> (0, 0, 0)>
#map1 = affine_map<(d0, d1) -> (0)>
#map2 = affine_map<(d0, d1) -> (0, 0)>
module attributes {stable_mosaic.version = 14 : i64} {
  func.func @_sc_mean(%arg0: i32, %arg1: i32, %arg2: memref<512x196x768xf32, #tpu.memory_space<hbm>>, %arg3: memref<512xi32, #tpu.memory_space<hbm>>, %arg4: memref<512x768xf32, #tpu.memory_space<hbm>>, %arg5: memref<512xi32, #tpu.memory_space<hbm>>, %arg6: memref<196x128xf32, #tpu.memory_space<vmem>>, %arg7: memref<196x128xf32, #tpu.memory_space<vmem>>, %arg8: memref<768xf32, #tpu.memory_space<vmem>>, %arg9: memref<16xi32, #tpu.memory_space<vmem>>, %arg10: memref<!tpu.dma_semaphore, #tpu.memory_space<semaphore_mem>>, %arg11: memref<!tpu.dma_semaphore, #tpu.memory_space<semaphore_mem>>) attributes {dimension_semantics = [#tpu.dimension_semantics<core_parallel>, #tpu.dimension_semantics<subcore_parallel>], iteration_bounds = array<i64: 2, 16>, scalar_prefetch = 0 : i64, scratch_operands = 6 : i64, tpu.core_type = #tpu.core_type<sc_vector_subcore>, window_params = [{transform_indices = #map}, {transform_indices = #map1}, {transform_indices = #map2}, {transform_indices = #map1}]} {
    %mul3A = arith.constant 2 : i32
    %mul3A_0 = arith.muli %arg1, %mul3A : i32
    %add3A = arith.addi %mul3A_0, %arg0 : i32
    %mul3A_1 = arith.constant 16 : i32
    %mul3A_2 = arith.muli %add3A, %mul3A_1 : i32
    "tpu.region"() ({
      %run_scoped3A = tpu.sem_alloc : memref<!tpu.dma_semaphore, #tpu.memory_space<semaphore_mem>>
      %dma_start3A_18 = tpu.memref_slice %arg3[%mul3A_2] : memref<512xi32, #tpu.memory_space<hbm>> -> memref<16xi32, #tpu.memory_space<hbm>>
      %dma_start3A_19 = tpu.memref_slice %arg3[%mul3A_2] : memref<512xi32, #tpu.memory_space<hbm>> -> memref<16xi32, #tpu.memory_space<hbm>>
      tpu.enqueue_dma source(%dma_start3A_19 : memref<16xi32, #tpu.memory_space<hbm>>) target(%arg9 : memref<16xi32, #tpu.memory_space<vmem>>) target_semaphore(%run_scoped3A : memref<!tpu.dma_semaphore, #tpu.memory_space<semaphore_mem>>)
      %dma_wait3A = tpu.memref_slice %arg3[%mul3A_2] : memref<512xi32, #tpu.memory_space<hbm>> -> memref<16xi32, #tpu.memory_space<hbm>>
      %dma_wait3A_20 = tpu.memref_slice %arg3[%mul3A_2] : memref<512xi32, #tpu.memory_space<hbm>> -> memref<16xi32, #tpu.memory_space<hbm>>
      tpu.wait_dma2 semaphore(%run_scoped3A : memref<!tpu.dma_semaphore, #tpu.memory_space<semaphore_mem>>) src(%dma_wait3A_20 : memref<16xi32, #tpu.memory_space<hbm>>) dst(%arg9 : memref<16xi32, #tpu.memory_space<vmem>>)
      tpu.yield
    }) : () -> ()
    "tpu.region"() ({
      %run_scoped3A = tpu.sem_alloc : memref<!tpu.dma_semaphore, #tpu.memory_space<semaphore_mem>>
      %dma_start3A_18 = tpu.memref_slice %arg5[%mul3A_2] : memref<512xi32, #tpu.memory_space<hbm>> -> memref<16xi32, #tpu.memory_space<hbm>>
      %dma_start3A_19 = tpu.memref_slice %arg5[%mul3A_2] : memref<512xi32, #tpu.memory_space<hbm>> -> memref<16xi32, #tpu.memory_space<hbm>>
      tpu.enqueue_dma source(%arg9 : memref<16xi32, #tpu.memory_space<vmem>>) target(%dma_start3A_19 : memref<16xi32, #tpu.memory_space<hbm>>) target_semaphore(%run_scoped3A : memref<!tpu.dma_semaphore, #tpu.memory_space<semaphore_mem>>)
      %dma_wait3A = tpu.memref_slice %arg5[%mul3A_2] : memref<512xi32, #tpu.memory_space<hbm>> -> memref<16xi32, #tpu.memory_space<hbm>>
      %dma_wait3A_20 = tpu.memref_slice %arg5[%mul3A_2] : memref<512xi32, #tpu.memory_space<hbm>> -> memref<16xi32, #tpu.memory_space<hbm>>
      tpu.wait_dma2 semaphore(%run_scoped3A : memref<!tpu.dma_semaphore, #tpu.memory_space<semaphore_mem>>) src(%arg9 : memref<16xi32, #tpu.memory_space<vmem>>) dst(%dma_wait3A_20 : memref<16xi32, #tpu.memory_space<hbm>>)
      tpu.yield
    }) : () -> ()
    %add3A_3 = arith.constant 0 : i32
    %add3A_4 = arith.addi %mul3A_2, %add3A_3 : i32
    %dma_start3A = arith.constant 0 : i32
    %dma_start3A_5 = arith.constant 0 : i32
    %dma_start3A_6 = tpu.memref_slice %arg2[%add3A_4, %dma_start3A, %dma_start3A_5] : memref<512x196x768xf32, #tpu.memory_space<hbm>> -> memref<1x196x128xf32, #tpu.memory_space<hbm>>
    %dma_start3A_7 = tpu.memref_squeeze %dma_start3A_6 : memref<1x196x128xf32, #tpu.memory_space<hbm>> -> memref<196x128xf32, #tpu.memory_space<hbm>>
    %dma_start3A_8 = arith.constant 0 : i32
    %dma_start3A_9 = arith.constant 0 : i32
    %dma_start3A_10 = tpu.memref_slice %arg2[%add3A_4, %dma_start3A_8, %dma_start3A_9] : memref<512x196x768xf32, #tpu.memory_space<hbm>> -> memref<1x196x128xf32, #tpu.memory_space<hbm>>
    %dma_start3A_11 = tpu.memref_squeeze %dma_start3A_10 : memref<1x196x128xf32, #tpu.memory_space<hbm>> -> memref<196x128xf32, #tpu.memory_space<hbm>>
    tpu.enqueue_dma source(%dma_start3A_11 : memref<196x128xf32, #tpu.memory_space<hbm>>) target(%arg6 : memref<196x128xf32, #tpu.memory_space<vmem>>) target_semaphore(%arg10 : memref<!tpu.dma_semaphore, #tpu.memory_space<semaphore_mem>>)
    %scan3A = arith.constant 0 : i32
    %scan3A_12 = arith.constant 0 : i32
    %scan3A_13 = arith.constant 16 : i32
    %scan3A_14 = arith.addi %scan3A_12, %scan3A_13 : i32
    %scan3A_15 = arith.constant 1 : i32
    %scan3A_16 = scf.for %scan3A_18 = %scan3A_12 to %scan3A_14 step %scan3A_15 iter_args(%scan3A_19 = %scan3A) -> (i32)  : i32 {
      %add3A_20 = arith.addi %mul3A_2, %scan3A_18 : i32
      %dma_wait3A = arith.constant 0 : i32
      %dma_wait3A_21 = arith.constant 0 : i32
      %dma_wait3A_22 = tpu.memref_slice %arg2[%add3A_20, %dma_wait3A, %dma_wait3A_21] : memref<512x196x768xf32, #tpu.memory_space<hbm>> -> memref<1x196x128xf32, #tpu.memory_space<hbm>>
      %dma_wait3A_23 = tpu.memref_squeeze %dma_wait3A_22 : memref<1x196x128xf32, #tpu.memory_space<hbm>> -> memref<196x128xf32, #tpu.memory_space<hbm>>
      %dma_wait3A_24 = arith.constant 0 : i32
      %dma_wait3A_25 = arith.constant 0 : i32
      %dma_wait3A_26 = tpu.memref_slice %arg2[%add3A_20, %dma_wait3A_24, %dma_wait3A_25] : memref<512x196x768xf32, #tpu.memory_space<hbm>> -> memref<1x196x128xf32, #tpu.memory_space<hbm>>
      %dma_wait3A_27 = tpu.memref_squeeze %dma_wait3A_26 : memref<1x196x128xf32, #tpu.memory_space<hbm>> -> memref<196x128xf32, #tpu.memory_space<hbm>>
      tpu.wait_dma2 semaphore(%arg10 : memref<!tpu.dma_semaphore, #tpu.memory_space<semaphore_mem>>) src(%dma_wait3A_27 : memref<196x128xf32, #tpu.memory_space<hbm>>) dst(%arg6 : memref<196x128xf32, #tpu.memory_space<vmem>>)
      %add3A_28 = arith.addi %mul3A_2, %scan3A_18 : i32
      %dma_start3A_29 = arith.constant 0 : i32
      %dma_start3A_30 = arith.constant 128 : i32
      %dma_start3A_31 = tpu.memref_slice %arg2[%add3A_28, %dma_start3A_29, %dma_start3A_30] : memref<512x196x768xf32, #tpu.memory_space<hbm>> -> memref<1x196x128xf32, #tpu.memory_space<hbm>>
      %dma_start3A_32 = tpu.memref_squeeze %dma_start3A_31 : memref<1x196x128xf32, #tpu.memory_space<hbm>> -> memref<196x128xf32, #tpu.memory_space<hbm>>
      %dma_start3A_33 = arith.constant 0 : i32
      %dma_start3A_34 = arith.constant 128 : i32
      %dma_start3A_35 = tpu.memref_slice %arg2[%add3A_28, %dma_start3A_33, %dma_start3A_34] : memref<512x196x768xf32, #tpu.memory_space<hbm>> -> memref<1x196x128xf32, #tpu.memory_space<hbm>>
      %dma_start3A_36 = tpu.memref_squeeze %dma_start3A_35 : memref<1x196x128xf32, #tpu.memory_space<hbm>> -> memref<196x128xf32, #tpu.memory_space<hbm>>
      tpu.enqueue_dma source(%dma_start3A_36 : memref<196x128xf32, #tpu.memory_space<hbm>>) target(%arg7 : memref<196x128xf32, #tpu.memory_space<vmem>>) target_semaphore(%arg11 : memref<!tpu.dma_semaphore, #tpu.memory_space<semaphore_mem>>)
      %broadcast_in_dim3A = arith.constant 0.000000e+00 : f32
      %broadcast_in_dim3A_37 = vector.broadcast %broadcast_in_dim3A : f32 to vector<16xf32>
      %broadcast_in_dim3A_38 = arith.constant 0.000000e+00 : f32
      %broadcast_in_dim3A_39 = vector.broadcast %broadcast_in_dim3A_38 : f32 to vector<16xf32>
      %broadcast_in_dim3A_40 = arith.constant 0.000000e+00 : f32
      %broadcast_in_dim3A_41 = vector.broadcast %broadcast_in_dim3A_40 : f32 to vector<16xf32>
      %broadcast_in_dim3A_42 = arith.constant 0.000000e+00 : f32
      %broadcast_in_dim3A_43 = vector.broadcast %broadcast_in_dim3A_42 : f32 to vector<16xf32>
      %broadcast_in_dim3A_44 = arith.constant 0.000000e+00 : f32
      %broadcast_in_dim3A_45 = vector.broadcast %broadcast_in_dim3A_44 : f32 to vector<16xf32>
      %broadcast_in_dim3A_46 = arith.constant 0.000000e+00 : f32
      %broadcast_in_dim3A_47 = vector.broadcast %broadcast_in_dim3A_46 : f32 to vector<16xf32>
      %broadcast_in_dim3A_48 = arith.constant 0.000000e+00 : f32
      %broadcast_in_dim3A_49 = vector.broadcast %broadcast_in_dim3A_48 : f32 to vector<16xf32>
      %broadcast_in_dim3A_50 = arith.constant 0.000000e+00 : f32
      %broadcast_in_dim3A_51 = vector.broadcast %broadcast_in_dim3A_50 : f32 to vector<16xf32>
      %scan3A_52 = arith.constant 0 : i32
      %scan3A_53 = arith.constant 28 : i32
      %scan3A_54 = arith.addi %scan3A_52, %scan3A_53 : i32
      %scan3A_55 = arith.constant 1 : i32
      %scan3A_56:8 = scf.for %scan3A_588 = %scan3A_52 to %scan3A_54 step %scan3A_55 iter_args(%scan3A_589 = %broadcast_in_dim3A_37, %scan3A_590 = %broadcast_in_dim3A_39, %scan3A_591 = %broadcast_in_dim3A_41, %scan3A_592 = %broadcast_in_dim3A_43, %scan3A_593 = %broadcast_in_dim3A_45, %scan3A_594 = %broadcast_in_dim3A_47, %scan3A_595 = %broadcast_in_dim3A_49, %scan3A_596 = %broadcast_in_dim3A_51) -> (vector<16xf32>, vector<16xf32>, vector<16xf32>, vector<16xf32>, vector<16xf32>, vector<16xf32>, vector<16xf32>, vector<16xf32>)  : i32 {
        %mul3A_597 = arith.constant 7 : i32
        %mul3A_598 = arith.muli %scan3A_588, %mul3A_597 : i32
        %add3A_599 = arith.constant 0 : i32
        %add3A_600 = arith.addi %mul3A_598, %add3A_599 : i32
        %get3A = arith.index_cast %add3A_600 : i32 to index
        %get3A_601 = arith.constant 0 : index
        %get3A_602 = tpu.vector_load %arg6[%get3A, %get3A_601] {strides = array<i32>} : memref<196x128xf32, #tpu.memory_space<vmem>>, vector<1x16xf32>,
        %get3A_603 = vector.shape_cast %get3A_602 : vector<1x16xf32> to vector<16xf32>
        %add3A_604 = arith.addf %scan3A_589, %get3A_603 : vector<16xf32>
        %get3A_605 = arith.index_cast %add3A_600 : i32 to index
        %get3A_606 = arith.constant 16 : index
        %get3A_607 = tpu.vector_load %arg6[%get3A_605, %get3A_606] {strides = array<i32>} : memref<196x128xf32, #tpu.memory_space<vmem>>, vector<1x16xf32>,
        %get3A_608 = vector.shape_cast %get3A_607 : vector<1x16xf32> to vector<16xf32>
        %add3A_609 = arith.addf %scan3A_590, %get3A_608 : vector<16xf32>
        %get3A_610 = arith.index_cast %add3A_600 : i32 to index
        %get3A_611 = arith.constant 32 : index
        %get3A_612 = tpu.vector_load %arg6[%get3A_610, %get3A_611] {strides = array<i32>} : memref<196x128xf32, #tpu.memory_space<vmem>>, vector<1x16xf32>,
        %get3A_613 = vector.shape_cast %get3A_612 : vector<1x16xf32> to vector<16xf32>
        %add3A_614 = arith.addf %scan3A_591, %get3A_613 : vector<16xf32>
        %get3A_615 = arith.index_cast %add3A_600 : i32 to index
        %get3A_616 = arith.constant 48 : index
        %get3A_617 = tpu.vector_load %arg6[%get3A_615, %get3A_616] {strides = array<i32>} : memref<196x128xf32, #tpu.memory_space<vmem>>, vector<1x16xf32>,
        %get3A_618 = vector.shape_cast %get3A_617 : vector<1x16xf32> to vector<16xf32>
        %add3A_619 = arith.addf %scan3A_592, %get3A_618 : vector<16xf32>
        %get3A_620 = arith.index_cast %add3A_600 : i32 to index
        %get3A_621 = arith.constant 64 : index
        %get3A_622 = tpu.vector_load %arg6[%get3A_620, %get3A_621] {strides = array<i32>} : memref<196x128xf32, #tpu.memory_space<vmem>>, vector<1x16xf32>,
        %get3A_623 = vector.shape_cast %get3A_622 : vector<1x16xf32> to vector<16xf32>
        %add3A_624 = arith.addf %scan3A_593, %get3A_623 : vector<16xf32>
        %get3A_625 = arith.index_cast %add3A_600 : i32 to index
        %get3A_626 = arith.constant 80 : index
        %get3A_627 = tpu.vector_load %arg6[%get3A_625, %get3A_626] {strides = array<i32>} : memref<196x128xf32, #tpu.memory_space<vmem>>, vector<1x16xf32>,
        %get3A_628 = vector.shape_cast %get3A_627 : vector<1x16xf32> to vector<16xf32>
        %add3A_629 = arith.addf %scan3A_594, %get3A_628 : vector<16xf32>
        %get3A_630 = arith.index_cast %add3A_600 : i32 to index
        %get3A_631 = arith.constant 96 : index
        %get3A_632 = tpu.vector_load %arg6[%get3A_630, %get3A_631] {strides = array<i32>} : memref<196x128xf32, #tpu.memory_space<vmem>>, vector<1x16xf32>,
        %get3A_633 = vector.shape_cast %get3A_632 : vector<1x16xf32> to vector<16xf32>
        %add3A_634 = arith.addf %scan3A_595, %get3A_633 : vector<16xf32>
        %get3A_635 = arith.index_cast %add3A_600 : i32 to index
        %get3A_636 = arith.constant 112 : index
        %get3A_637 = tpu.vector_load %arg6[%get3A_635, %get3A_636] {strides = array<i32>} : memref<196x128xf32, #tpu.memory_space<vmem>>, vector<1x16xf32>,
        %get3A_638 = vector.shape_cast %get3A_637 : vector<1x16xf32> to vector<16xf32>
        %add3A_639 = arith.addf %scan3A_596, %get3A_638 : vector<16xf32>
        %mul3A_640 = arith.constant 7 : i32
        %mul3A_641 = arith.muli %scan3A_588, %mul3A_640 : i32
        %add3A_642 = arith.constant 1 : i32
        %add3A_643 = arith.addi %mul3A_641, %add3A_642 : i32
        %get3A_644 = arith.index_cast %add3A_643 : i32 to index
        %get3A_645 = arith.constant 0 : index
        %get3A_646 = tpu.vector_load %arg6[%get3A_644, %get3A_645] {strides = array<i32>} : memref<196x128xf32, #tpu.memory_space<vmem>>, vector<1x16xf32>,
        %get3A_647 = vector.shape_cast %get3A_646 : vector<1x16xf32> to vector<16xf32>
        %add3A_648 = arith.addf %add3A_604, %get3A_647 : vector<16xf32>
        %get3A_649 = arith.index_cast %add3A_643 : i32 to index
        %get3A_650 = arith.constant 16 : index
        %get3A_651 = tpu.vector_load %arg6[%get3A_649, %get3A_650] {strides = array<i32>} : memref<196x128xf32, #tpu.memory_space<vmem>>, vector<1x16xf32>,
        %get3A_652 = vector.shape_cast %get3A_651 : vector<1x16xf32> to vector<16xf32>
        %add3A_653 = arith.addf %add3A_609, %get3A_652 : vector<16xf32>
        %get3A_654 = arith.index_cast %add3A_643 : i32 to index
        %get3A_655 = arith.constant 32 : index
        %get3A_656 = tpu.vector_load %arg6[%get3A_654, %get3A_655] {strides = array<i32>} : memref<196x128xf32, #tpu.memory_space<vmem>>, vector<1x16xf32>,
        %get3A_657 = vector.shape_cast %get3A_656 : vector<1x16xf32> to vector<16xf32>
        %add3A_658 = arith.addf %add3A_614, %get3A_657 : vector<16xf32>
        %get3A_659 = arith.index_cast %add3A_643 : i32 to index
        %get3A_660 = arith.constant 48 : index
        %get3A_661 = tpu.vector_load %arg6[%get3A_659, %get3A_660] {strides = array<i32>} : memref<196x128xf32, #tpu.memory_space<vmem>>, vector<1x16xf32>,
        %get3A_662 = vector.shape_cast %get3A_661 : vector<1x16xf32> to vector<16xf32>
        %add3A_663 = arith.addf %add3A_619, %get3A_662 : vector<16xf32>
        %get3A_664 = arith.index_cast %add3A_643 : i32 to index
        %get3A_665 = arith.constant 64 : index
        %get3A_666 = tpu.vector_load %arg6[%get3A_664, %get3A_665] {strides = array<i32>} : memref<196x128xf32, #tpu.memory_space<vmem>>, vector<1x16xf32>,
        %get3A_667 = vector.shape_cast %get3A_666 : vector<1x16xf32> to vector<16xf32>
        %add3A_668 = arith.addf %add3A_624, %get3A_667 : vector<16xf32>
        %get3A_669 = arith.index_cast %add3A_643 : i32 to index
        %get3A_670 = arith.constant 80 : index
        %get3A_671 = tpu.vector_load %arg6[%get3A_669, %get3A_670] {strides = array<i32>} : memref<196x128xf32, #tpu.memory_space<vmem>>, vector<1x16xf32>,
        %get3A_672 = vector.shape_cast %get3A_671 : vector<1x16xf32> to vector<16xf32>
        %add3A_673 = arith.addf %add3A_629, %get3A_672 : vector<16xf32>
        %get3A_674 = arith.index_cast %add3A_643 : i32 to index
        %get3A_675 = arith.constant 96 : index
        %get3A_676 = tpu.vector_load %arg6[%get3A_674, %get3A_675] {strides = array<i32>} : memref<196x128xf32, #tpu.memory_space<vmem>>, vector<1x16xf32>,
        %get3A_677 = vector.shape_cast %get3A_676 : vector<1x16xf32> to vector<16xf32>
        %add3A_678 = arith.addf %add3A_634, %get3A_677 : vector<16xf32>
        %get3A_679 = arith.index_cast %add3A_643 : i32 to index
        %get3A_680 = arith.constant 112 : index
        %get3A_681 = tpu.vector_load %arg6[%get3A_679, %get3A_680] {strides = array<i32>} : memref<196x128xf32, #tpu.memory_space<vmem>>, vector<1x16xf32>,
        %get3A_682 = vector.shape_cast %get3A_681 : vector<1x16xf32> to vector<16xf32>
        %add3A_683 = arith.addf %add3A_639, %get3A_682 : vector<16xf32>
        %mul3A_684 = arith.constant 7 : i32
        %mul3A_685 = arith.muli %scan3A_588, %mul3A_684 : i32
        %add3A_686 = arith.constant 2 : i32
        %add3A_687 = arith.addi %mul3A_685, %add3A_686 : i32
        %get3A_688 = arith.index_cast %add3A_687 : i32 to index
        %get3A_689 = arith.constant 0 : index
        %get3A_690 = tpu.vector_load %arg6[%get3A_688, %get3A_689] {strides = array<i32>} : memref<196x128xf32, #tpu.memory_space<vmem>>, vector<1x16xf32>,
        %get3A_691 = vector.shape_cast %get3A_690 : vector<1x16xf32> to vector<16xf32>
        %add3A_692 = arith.addf %add3A_648, %get3A_691 : vector<16xf32>
        %get3A_693 = arith.index_cast %add3A_687 : i32 to index
        %get3A_694 = arith.constant 16 : index
        %get3A_695 = tpu.vector_load %arg6[%get3A_693, %get3A_694] {strides = array<i32>} : memref<196x128xf32, #tpu.memory_space<vmem>>, vector<1x16xf32>,
        %get3A_696 = vector.shape_cast %get3A_695 : vector<1x16xf32> to vector<16xf32>
        %add3A_697 = arith.addf %add3A_653, %get3A_696 : vector<16xf32>
        %get3A_698 = arith.index_cast %add3A_687 : i32 to index
        %get3A_699 = arith.constant 32 : index
        %get3A_700 = tpu.vector_load %arg6[%get3A_698, %get3A_699] {strides = array<i32>} : memref<196x128xf32, #tpu.memory_space<vmem>>, vector<1x16xf32>,
        %get3A_701 = vector.shape_cast %get3A_700 : vector<1x16xf32> to vector<16xf32>
        %add3A_702 = arith.addf %add3A_658, %get3A_701 : vector<16xf32>
        %get3A_703 = arith.index_cast %add3A_687 : i32 to index
        %get3A_704 = arith.constant 48 : index
        %get3A_705 = tpu.vector_load %arg6[%get3A_703, %get3A_704] {strides = array<i32>} : memref<196x128xf32, #tpu.memory_space<vmem>>, vector<1x16xf32>,
        %get3A_706 = vector.shape_cast %get3A_705 : vector<1x16xf32> to vector<16xf32>
        %add3A_707 = arith.addf %add3A_663, %get3A_706 : vector<16xf32>
        %get3A_708 = arith.index_cast %add3A_687 : i32 to index
        %get3A_709 = arith.constant 64 : index
        %get3A_710 = tpu.vector_load %arg6[%get3A_708, %get3A_709] {strides = array<i32>} : memref<196x128xf32, #tpu.memory_space<vmem>>, vector<1x16xf32>,
        %get3A_711 = vector.shape_cast %get3A_710 : vector<1x16xf32> to vector<16xf32>
        %add3A_712 = arith.addf %add3A_668, %get3A_711 : vector<16xf32>
        %get3A_713 = arith.index_cast %add3A_687 : i32 to index
        %get3A_714 = arith.constant 80 : index
        %get3A_715 = tpu.vector_load %arg6[%get3A_713, %get3A_714] {strides = array<i32>} : memref<196x128xf32, #tpu.memory_space<vmem>>, vector<1x16xf32>,
        %get3A_716 = vector.shape_cast %get3A_715 : vector<1x16xf32> to vector<16xf32>
        %add3A_717 = arith.addf %add3A_673, %get3A_716 : vector<16xf32>
        %get3A_718 = arith.index_cast %add3A_687 : i32 to index
        %get3A_719 = arith.constant 96 : index
        %get3A_720 = tpu.vector_load %arg6[%get3A_718, %get3A_719] {strides = array<i32>} : memref<196x128xf32, #tpu.memory_space<vmem>>, vector<1x16xf32>,
        %get3A_721 = vector.shape_cast %get3A_720 : vector<1x16xf32> to vector<16xf32>
        %add3A_722 = arith.addf %add3A_678, %get3A_721 : vector<16xf32>
        %get3A_723 = arith.index_cast %add3A_687 : i32 to index
        %get3A_724 = arith.constant 112 : index
        %get3A_725 = tpu.vector_load %arg6[%get3A_723, %get3A_724] {strides = array<i32>} : memref<196x128xf32, #tpu.memory_space<vmem>>, vector<1x16xf32>,
        %get3A_726 = vector.shape_cast %get3A_725 : vector<1x16xf32> to vector<16xf32>
        %add3A_727 = arith.addf %add3A_683, %get3A_726 : vector<16xf32>
        %mul3A_728 = arith.constant 7 : i32
        %mul3A_729 = arith.muli %scan3A_588, %mul3A_728 : i32
        %add3A_730 = arith.constant 3 : i32
        %add3A_731 = arith.addi %mul3A_729, %add3A_730 : i32
        %get3A_732 = arith.index_cast %add3A_731 : i32 to index
        %get3A_733 = arith.constant 0 : index
        %get3A_734 = tpu.vector_load %arg6[%get3A_732, %get3A_733] {strides = array<i32>} : memref<196x128xf32, #tpu.memory_space<vmem>>, vector<1x16xf32>,
        %get3A_735 = vector.shape_cast %get3A_734 : vector<1x16xf32> to vector<16xf32>
        %add3A_736 = arith.addf %add3A_692, %get3A_735 : vector<16xf32>
        %get3A_737 = arith.index_cast %add3A_731 : i32 to index
        %get3A_738 = arith.constant 16 : index
        %get3A_739 = tpu.vector_load %arg6[%get3A_737, %get3A_738] {strides = array<i32>} : memref<196x128xf32, #tpu.memory_space<vmem>>, vector<1x16xf32>,
        %get3A_740 = vector.shape_cast %get3A_739 : vector<1x16xf32> to vector<16xf32>
        %add3A_741 = arith.addf %add3A_697, %get3A_740 : vector<16xf32>
        %get3A_742 = arith.index_cast %add3A_731 : i32 to index
        %get3A_743 = arith.constant 32 : index
        %get3A_744 = tpu.vector_load %arg6[%get3A_742, %get3A_743] {strides = array<i32>} : memref<196x128xf32, #tpu.memory_space<vmem>>, vector<1x16xf32>,
        %get3A_745 = vector.shape_cast %get3A_744 : vector<1x16xf32> to vector<16xf32>
        %add3A_746 = arith.addf %add3A_702, %get3A_745 : vector<16xf32>
        %get3A_747 = arith.index_cast %add3A_731 : i32 to index
        %get3A_748 = arith.constant 48 : index
        %get3A_749 = tpu.vector_load %arg6[%get3A_747, %get3A_748] {strides = array<i32>} : memref<196x128xf32, #tpu.memory_space<vmem>>, vector<1x16xf32>,
        %get3A_750 = vector.shape_cast %get3A_749 : vector<1x16xf32> to vector<16xf32>
        %add3A_751 = arith.addf %add3A_707, %get3A_750 : vector<16xf32>
        %get3A_752 = arith.index_cast %add3A_731 : i32 to index
        %get3A_753 = arith.constant 64 : index
        %get3A_754 = tpu.vector_load %arg6[%get3A_752, %get3A_753] {strides = array<i32>} : memref<196x128xf32, #tpu.memory_space<vmem>>, vector<1x16xf32>,
        %get3A_755 = vector.shape_cast %get3A_754 : vector<1x16xf32> to vector<16xf32>
        %add3A_756 = arith.addf %add3A_712, %get3A_755 : vector<16xf32>
        %get3A_757 = arith.index_cast %add3A_731 : i32 to index
        %get3A_758 = arith.constant 80 : index
        %get3A_759 = tpu.vector_load %arg6[%get3A_757, %get3A_758] {strides = array<i32>} : memref<196x128xf32, #tpu.memory_space<vmem>>, vector<1x16xf32>,
        %get3A_760 = vector.shape_cast %get3A_759 : vector<1x16xf32> to vector<16xf32>
        %add3A_761 = arith.addf %add3A_717, %get3A_760 : vector<16xf32>
        %get3A_762 = arith.index_cast %add3A_731 : i32 to index
        %get3A_763 = arith.constant 96 : index
        %get3A_764 = tpu.vector_load %arg6[%get3A_762, %get3A_763] {strides = array<i32>} : memref<196x128xf32, #tpu.memory_space<vmem>>, vector<1x16xf32>,
        %get3A_765 = vector.shape_cast %get3A_764 : vector<1x16xf32> to vector<16xf32>
        %add3A_766 = arith.addf %add3A_722, %get3A_765 : vector<16xf32>
        %get3A_767 = arith.index_cast %add3A_731 : i32 to index
        %get3A_768 = arith.constant 112 : index
        %get3A_769 = tpu.vector_load %arg6[%get3A_767, %get3A_768] {strides = array<i32>} : memref<196x128xf32, #tpu.memory_space<vmem>>, vector<1x16xf32>,
        %get3A_770 = vector.shape_cast %get3A_769 : vector<1x16xf32> to vector<16xf32>
        %add3A_771 = arith.addf %add3A_727, %get3A_770 : vector<16xf32>
        %mul3A_772 = arith.constant 7 : i32
        %mul3A_773 = arith.muli %scan3A_588, %mul3A_772 : i32
        %add3A_774 = arith.constant 4 : i32
        %add3A_775 = arith.addi %mul3A_773, %add3A_774 : i32
        %get3A_776 = arith.index_cast %add3A_775 : i32 to index
        %get3A_777 = arith.constant 0 : index
        %get3A_778 = tpu.vector_load %arg6[%get3A_776, %get3A_777] {strides = array<i32>} : memref<196x128xf32, #tpu.memory_space<vmem>>, vector<1x16xf32>,
        %get3A_779 = vector.shape_cast %get3A_778 : vector<1x16xf32> to vector<16xf32>
        %add3A_780 = arith.addf %add3A_736, %get3A_779 : vector<16xf32>
        %get3A_781 = arith.index_cast %add3A_775 : i32 to index
        %get3A_782 = arith.constant 16 : index
        %get3A_783 = tpu.vector_load %arg6[%get3A_781, %get3A_782] {strides = array<i32>} : memref<196x128xf32, #tpu.memory_space<vmem>>, vector<1x16xf32>,
        %get3A_784 = vector.shape_cast %get3A_783 : vector<1x16xf32> to vector<16xf32>
        %add3A_785 = arith.addf %add3A_741, %get3A_784 : vector<16xf32>
        %get3A_786 = arith.index_cast %add3A_775 : i32 to index
        %get3A_787 = arith.constant 32 : index
        %get3A_788 = tpu.vector_load %arg6[%get3A_786, %get3A_787] {strides = array<i32>} : memref<196x128xf32, #tpu.memory_space<vmem>>, vector<1x16xf32>,
        %get3A_789 = vector.shape_cast %get3A_788 : vector<1x16xf32> to vector<16xf32>
        %add3A_790 = arith.addf %add3A_746, %get3A_789 : vector<16xf32>
        %get3A_791 = arith.index_cast %add3A_775 : i32 to index
        %get3A_792 = arith.constant 48 : index
        %get3A_793 = tpu.vector_load %arg6[%get3A_791, %get3A_792] {strides = array<i32>} : memref<196x128xf32, #tpu.memory_space<vmem>>, vector<1x16xf32>,
        %get3A_794 = vector.shape_cast %get3A_793 : vector<1x16xf32> to vector<16xf32>
        %add3A_795 = arith.addf %add3A_751, %get3A_794 : vector<16xf32>
        %get3A_796 = arith.index_cast %add3A_775 : i32 to index
        %get3A_797 = arith.constant 64 : index
        %get3A_798 = tpu.vector_load %arg6[%get3A_796, %get3A_797] {strides = array<i32>} : memref<196x128xf32, #tpu.memory_space<vmem>>, vector<1x16xf32>,
        %get3A_799 = vector.shape_cast %get3A_798 : vector<1x16xf32> to vector<16xf32>
        %add3A_800 = arith.addf %add3A_756, %get3A_799 : vector<16xf32>
        %get3A_801 = arith.index_cast %add3A_775 : i32 to index
        %get3A_802 = arith.constant 80 : index
        %get3A_803 = tpu.vector_load %arg6[%get3A_801, %get3A_802] {strides = array<i32>} : memref<196x128xf32, #tpu.memory_space<vmem>>, vector<1x16xf32>,
        %get3A_804 = vector.shape_cast %get3A_803 : vector<1x16xf32> to vector<16xf32>
        %add3A_805 = arith.addf %add3A_761, %get3A_804 : vector<16xf32>
        %get3A_806 = arith.index_cast %add3A_775 : i32 to index
        %get3A_807 = arith.constant 96 : index
        %get3A_808 = tpu.vector_load %arg6[%get3A_806, %get3A_807] {strides = array<i32>} : memref<196x128xf32, #tpu.memory_space<vmem>>, vector<1x16xf32>,
        %get3A_809 = vector.shape_cast %get3A_808 : vector<1x16xf32> to vector<16xf32>
        %add3A_810 = arith.addf %add3A_766, %get3A_809 : vector<16xf32>
        %get3A_811 = arith.index_cast %add3A_775 : i32 to index
        %get3A_812 = arith.constant 112 : index
        %get3A_813 = tpu.vector_load %arg6[%get3A_811, %get3A_812] {strides = array<i32>} : memref<196x128xf32, #tpu.memory_space<vmem>>, vector<1x16xf32>,
        %get3A_814 = vector.shape_cast %get3A_813 : vector<1x16xf32> to vector<16xf32>
        %add3A_815 = arith.addf %add3A_771, %get3A_814 : vector<16xf32>
        %mul3A_816 = arith.constant 7 : i32
        %mul3A_817 = arith.muli %scan3A_588, %mul3A_816 : i32
        %add3A_818 = arith.constant 5 : i32
        %add3A_819 = arith.addi %mul3A_817, %add3A_818 : i32
        %get3A_820 = arith.index_cast %add3A_819 : i32 to index
        %get3A_821 = arith.constant 0 : index
        %get3A_822 = tpu.vector_load %arg6[%get3A_820, %get3A_821] {strides = array<i32>} : memref<196x128xf32, #tpu.memory_space<vmem>>, vector<1x16xf32>,
        %get3A_823 = vector.shape_cast %get3A_822 : vector<1x16xf32> to vector<16xf32>
        %add3A_824 = arith.addf %add3A_780, %get3A_823 : vector<16xf32>
        %get3A_825 = arith.index_cast %add3A_819 : i32 to index
        %get3A_826 = arith.constant 16 : index
        %get3A_827 = tpu.vector_load %arg6[%get3A_825, %get3A_826] {strides = array<i32>} : memref<196x128xf32, #tpu.memory_space<vmem>>, vector<1x16xf32>,
        %get3A_828 = vector.shape_cast %get3A_827 : vector<1x16xf32> to vector<16xf32>
        %add3A_829 = arith.addf %add3A_785, %get3A_828 : vector<16xf32>
        %get3A_830 = arith.index_cast %add3A_819 : i32 to index
        %get3A_831 = arith.constant 32 : index
        %get3A_832 = tpu.vector_load %arg6[%get3A_830, %get3A_831] {strides = array<i32>} : memref<196x128xf32, #tpu.memory_space<vmem>>, vector<1x16xf32>,
        %get3A_833 = vector.shape_cast %get3A_832 : vector<1x16xf32> to vector<16xf32>
        %add3A_834 = arith.addf %add3A_790, %get3A_833 : vector<16xf32>
        %get3A_835 = arith.index_cast %add3A_819 : i32 to index
        %get3A_836 = arith.constant 48 : index
        %get3A_837 = tpu.vector_load %arg6[%get3A_835, %get3A_836] {strides = array<i32>} : memref<196x128xf32, #tpu.memory_space<vmem>>, vector<1x16xf32>,
        %get3A_838 = vector.shape_cast %get3A_837 : vector<1x16xf32> to vector<16xf32>
        %add3A_839 = arith.addf %add3A_795, %get3A_838 : vector<16xf32>
        %get3A_840 = arith.index_cast %add3A_819 : i32 to index
        %get3A_841 = arith.constant 64 : index
        %get3A_842 = tpu.vector_load %arg6[%get3A_840, %get3A_841] {strides = array<i32>} : memref<196x128xf32, #tpu.memory_space<vmem>>, vector<1x16xf32>,
        %get3A_843 = vector.shape_cast %get3A_842 : vector<1x16xf32> to vector<16xf32>
        %add3A_844 = arith.addf %add3A_800, %get3A_843 : vector<16xf32>
        %get3A_845 = arith.index_cast %add3A_819 : i32 to index
        %get3A_846 = arith.constant 80 : index
        %get3A_847 = tpu.vector_load %arg6[%get3A_845, %get3A_846] {strides = array<i32>} : memref<196x128xf32, #tpu.memory_space<vmem>>, vector<1x16xf32>,
        %get3A_848 = vector.shape_cast %get3A_847 : vector<1x16xf32> to vector<16xf32>
        %add3A_849 = arith.addf %add3A_805, %get3A_848 : vector<16xf32>
        %get3A_850 = arith.index_cast %add3A_819 : i32 to index
        %get3A_851 = arith.constant 96 : index
        %get3A_852 = tpu.vector_load %arg6[%get3A_850, %get3A_851] {strides = array<i32>} : memref<196x128xf32, #tpu.memory_space<vmem>>, vector<1x16xf32>,
        %get3A_853 = vector.shape_cast %get3A_852 : vector<1x16xf32> to vector<16xf32>
        %add3A_854 = arith.addf %add3A_810, %get3A_853 : vector<16xf32>
        %get3A_855 = arith.index_cast %add3A_819 : i32 to index
        %get3A_856 = arith.constant 112 : index
        %get3A_857 = tpu.vector_load %arg6[%get3A_855, %get3A_856] {strides = array<i32>} : memref<196x128xf32, #tpu.memory_space<vmem>>, vector<1x16xf32>,
        %get3A_858 = vector.shape_cast %get3A_857 : vector<1x16xf32> to vector<16xf32>
        %add3A_859 = arith.addf %add3A_815, %get3A_858 : vector<16xf32>
        %mul3A_860 = arith.constant 7 : i32
        %mul3A_861 = arith.muli %scan3A_588, %mul3A_860 : i32
        %add3A_862 = arith.constant 6 : i32
        %add3A_863 = arith.addi %mul3A_861, %add3A_862 : i32
        %get3A_864 = arith.index_cast %add3A_863 : i32 to index
        %get3A_865 = arith.constant 0 : index
        %get3A_866 = tpu.vector_load %arg6[%get3A_864, %get3A_865] {strides = array<i32>} : memref<196x128xf32, #tpu.memory_space<vmem>>, vector<1x16xf32>,
        %get3A_867 = vector.shape_cast %get3A_866 : vector<1x16xf32> to vector<16xf32>
        %add3A_868 = arith.addf %add3A_824, %get3A_867 : vector<16xf32>
        %get3A_869 = arith.index_cast %add3A_863 : i32 to index
        %get3A_870 = arith.constant 16 : index
        %get3A_871 = tpu.vector_load %arg6[%get3A_869, %get3A_870] {strides = array<i32>} : memref<196x128xf32, #tpu.memory_space<vmem>>, vector<1x16xf32>,
        %get3A_872 = vector.shape_cast %get3A_871 : vector<1x16xf32> to vector<16xf32>
        %add3A_873 = arith.addf %add3A_829, %get3A_872 : vector<16xf32>
        %get3A_874 = arith.index_cast %add3A_863 : i32 to index
        %get3A_875 = arith.constant 32 : index
        %get3A_876 = tpu.vector_load %arg6[%get3A_874, %get3A_875] {strides = array<i32>} : memref<196x128xf32, #tpu.memory_space<vmem>>, vector<1x16xf32>,
        %get3A_877 = vector.shape_cast %get3A_876 : vector<1x16xf32> to vector<16xf32>
        %add3A_878 = arith.addf %add3A_834, %get3A_877 : vector<16xf32>
        %get3A_879 = arith.index_cast %add3A_863 : i32 to index
        %get3A_880 = arith.constant 48 : index
        %get3A_881 = tpu.vector_load %arg6[%get3A_879, %get3A_880] {strides = array<i32>} : memref<196x128xf32, #tpu.memory_space<vmem>>, vector<1x16xf32>,
        %get3A_882 = vector.shape_cast %get3A_881 : vector<1x16xf32> to vector<16xf32>
        %add3A_883 = arith.addf %add3A_839, %get3A_882 : vector<16xf32>
        %get3A_884 = arith.index_cast %add3A_863 : i32 to index
        %get3A_885 = arith.constant 64 : index
        %get3A_886 = tpu.vector_load %arg6[%get3A_884, %get3A_885] {strides = array<i32>} : memref<196x128xf32, #tpu.memory_space<vmem>>, vector<1x16xf32>,
        %get3A_887 = vector.shape_cast %get3A_886 : vector<1x16xf32> to vector<16xf32>
        %add3A_888 = arith.addf %add3A_844, %get3A_887 : vector<16xf32>
        %get3A_889 = arith.index_cast %add3A_863 : i32 to index
        %get3A_890 = arith.constant 80 : index
        %get3A_891 = tpu.vector_load %arg6[%get3A_889, %get3A_890] {strides = array<i32>} : memref<196x128xf32, #tpu.memory_space<vmem>>, vector<1x16xf32>,
        %get3A_892 = vector.shape_cast %get3A_891 : vector<1x16xf32> to vector<16xf32>
        %add3A_893 = arith.addf %add3A_849, %get3A_892 : vector<16xf32>
        %get3A_894 = arith.index_cast %add3A_863 : i32 to index
        %get3A_895 = arith.constant 96 : index
        %get3A_896 = tpu.vector_load %arg6[%get3A_894, %get3A_895] {strides = array<i32>} : memref<196x128xf32, #tpu.memory_space<vmem>>, vector<1x16xf32>,
        %get3A_897 = vector.shape_cast %get3A_896 : vector<1x16xf32> to vector<16xf32>
        %add3A_898 = arith.addf %add3A_854, %get3A_897 : vector<16xf32>
        %get3A_899 = arith.index_cast %add3A_863 : i32 to index
        %get3A_900 = arith.constant 112 : index
        %get3A_901 = tpu.vector_load %arg6[%get3A_899, %get3A_900] {strides = array<i32>} : memref<196x128xf32, #tpu.memory_space<vmem>>, vector<1x16xf32>,
        %get3A_902 = vector.shape_cast %get3A_901 : vector<1x16xf32> to vector<16xf32>
        %add3A_903 = arith.addf %add3A_859, %get3A_902 : vector<16xf32>
        scf.yield %add3A_868, %add3A_873, %add3A_878, %add3A_883, %add3A_888, %add3A_893, %add3A_898, %add3A_903 : vector<16xf32>, vector<16xf32>, vector<16xf32>, vector<16xf32>, vector<16xf32>, vector<16xf32>, vector<16xf32>, vector<16xf32>
      }
      %scan3A_57 = arith.constant 28 : i32
      %mul3A_58 = arith.constant 0.00510204071 : f32
      %mul3A_59 = vector.broadcast %mul3A_58 : f32 to vector<16xf32>
      %mul3A_60 = arith.mulf %scan3A_56#0, %mul3A_59 : vector<16xf32>
      %swap3A = arith.constant 0 : index
      %swap3A_61 = tpu.vector_load %arg8[%swap3A] {strides = array<i32>} : memref<768xf32, #tpu.memory_space<vmem>>, vector<16xf32>,
      %swap3A_62 = vector.shape_cast %swap3A_61 : vector<16xf32> to vector<16xf32>
      %swap3A_63 = vector.shape_cast %mul3A_60 : vector<16xf32> to vector<16xf32>
      tpu.vector_store %arg8[%swap3A], %swap3A_63 {strides = array<i32>} : memref<768xf32, #tpu.memory_space<vmem>>, vector<16xf32>,
      %mul3A_64 = arith.constant 0.00510204071 : f32
      %mul3A_65 = vector.broadcast %mul3A_64 : f32 to vector<16xf32>
      %mul3A_66 = arith.mulf %scan3A_56#1, %mul3A_65 : vector<16xf32>
      %swap3A_67 = arith.constant 16 : index
      %swap3A_68 = tpu.vector_load %arg8[%swap3A_67] {strides = array<i32>} : memref<768xf32, #tpu.memory_space<vmem>>, vector<16xf32>,
      %swap3A_69 = vector.shape_cast %swap3A_68 : vector<16xf32> to vector<16xf32>
      %swap3A_70 = vector.shape_cast %mul3A_66 : vector<16xf32> to vector<16xf32>
      tpu.vector_store %arg8[%swap3A_67], %swap3A_70 {strides = array<i32>} : memref<768xf32, #tpu.memory_space<vmem>>, vector<16xf32>,
      %mul3A_71 = arith.constant 0.00510204071 : f32
      %mul3A_72 = vector.broadcast %mul3A_71 : f32 to vector<16xf32>
      %mul3A_73 = arith.mulf %scan3A_56#2, %mul3A_72 : vector<16xf32>
      %swap3A_74 = arith.constant 32 : index
      %swap3A_75 = tpu.vector_load %arg8[%swap3A_74] {strides = array<i32>} : memref<768xf32, #tpu.memory_space<vmem>>, vector<16xf32>,
      %swap3A_76 = vector.shape_cast %swap3A_75 : vector<16xf32> to vector<16xf32>
      %swap3A_77 = vector.shape_cast %mul3A_73 : vector<16xf32> to vector<16xf32>
      tpu.vector_store %arg8[%swap3A_74], %swap3A_77 {strides = array<i32>} : memref<768xf32, #tpu.memory_space<vmem>>, vector<16xf32>,
      %mul3A_78 = arith.constant 0.00510204071 : f32
      %mul3A_79 = vector.broadcast %mul3A_78 : f32 to vector<16xf32>
      %mul3A_80 = arith.mulf %scan3A_56#3, %mul3A_79 : vector<16xf32>
      %swap3A_81 = arith.constant 48 : index
      %swap3A_82 = tpu.vector_load %arg8[%swap3A_81] {strides = array<i32>} : memref<768xf32, #tpu.memory_space<vmem>>, vector<16xf32>,
      %swap3A_83 = vector.shape_cast %swap3A_82 : vector<16xf32> to vector<16xf32>
      %swap3A_84 = vector.shape_cast %mul3A_80 : vector<16xf32> to vector<16xf32>
      tpu.vector_store %arg8[%swap3A_81], %swap3A_84 {strides = array<i32>} : memref<768xf32, #tpu.memory_space<vmem>>, vector<16xf32>,
      %mul3A_85 = arith.constant 0.00510204071 : f32
      %mul3A_86 = vector.broadcast %mul3A_85 : f32 to vector<16xf32>
      %mul3A_87 = arith.mulf %scan3A_56#4, %mul3A_86 : vector<16xf32>
      %swap3A_88 = arith.constant 64 : index
      %swap3A_89 = tpu.vector_load %arg8[%swap3A_88] {strides = array<i32>} : memref<768xf32, #tpu.memory_space<vmem>>, vector<16xf32>,
      %swap3A_90 = vector.shape_cast %swap3A_89 : vector<16xf32> to vector<16xf32>
      %swap3A_91 = vector.shape_cast %mul3A_87 : vector<16xf32> to vector<16xf32>
      tpu.vector_store %arg8[%swap3A_88], %swap3A_91 {strides = array<i32>} : memref<768xf32, #tpu.memory_space<vmem>>, vector<16xf32>,
      %mul3A_92 = arith.constant 0.00510204071 : f32
      %mul3A_93 = vector.broadcast %mul3A_92 : f32 to vector<16xf32>
      %mul3A_94 = arith.mulf %scan3A_56#5, %mul3A_93 : vector<16xf32>
      %swap3A_95 = arith.constant 80 : index
      %swap3A_96 = tpu.vector_load %arg8[%swap3A_95] {strides = array<i32>} : memref<768xf32, #tpu.memory_space<vmem>>, vector<16xf32>,
      %swap3A_97 = vector.shape_cast %swap3A_96 : vector<16xf32> to vector<16xf32>
      %swap3A_98 = vector.shape_cast %mul3A_94 : vector<16xf32> to vector<16xf32>
      tpu.vector_store %arg8[%swap3A_95], %swap3A_98 {strides = array<i32>} : memref<768xf32, #tpu.memory_space<vmem>>, vector<16xf32>,
      %mul3A_99 = arith.constant 0.00510204071 : f32
      %mul3A_100 = vector.broadcast %mul3A_99 : f32 to vector<16xf32>
      %mul3A_101 = arith.mulf %scan3A_56#6, %mul3A_100 : vector<16xf32>
      %swap3A_102 = arith.constant 96 : index
      %swap3A_103 = tpu.vector_load %arg8[%swap3A_102] {strides = array<i32>} : memref<768xf32, #tpu.memory_space<vmem>>, vector<16xf32>,
      %swap3A_104 = vector.shape_cast %swap3A_103 : vector<16xf32> to vector<16xf32>
      %swap3A_105 = vector.shape_cast %mul3A_101 : vector<16xf32> to vector<16xf32>
      tpu.vector_store %arg8[%swap3A_102], %swap3A_105 {strides = array<i32>} : memref<768xf32, #tpu.memory_space<vmem>>, vector<16xf32>,
      %mul3A_106 = arith.constant 0.00510204071 : f32
      %mul3A_107 = vector.broadcast %mul3A_106 : f32 to vector<16xf32>
      %mul3A_108 = arith.mulf %scan3A_56#7, %mul3A_107 : vector<16xf32>
      %swap3A_109 = arith.constant 112 : index
      %swap3A_110 = tpu.vector_load %arg8[%swap3A_109] {strides = array<i32>} : memref<768xf32, #tpu.memory_space<vmem>>, vector<16xf32>,
      %swap3A_111 = vector.shape_cast %swap3A_110 : vector<16xf32> to vector<16xf32>
      %swap3A_112 = vector.shape_cast %mul3A_108 : vector<16xf32> to vector<16xf32>
      tpu.vector_store %arg8[%swap3A_109], %swap3A_112 {strides = array<i32>} : memref<768xf32, #tpu.memory_space<vmem>>, vector<16xf32>,
      %add3A_113 = arith.addi %mul3A_2, %scan3A_18 : i32
      %dma_wait3A_114 = arith.constant 0 : i32
      %dma_wait3A_115 = arith.constant 128 : i32
      %dma_wait3A_116 = tpu.memref_slice %arg2[%add3A_113, %dma_wait3A_114, %dma_wait3A_115] : memref<512x196x768xf32, #tpu.memory_space<hbm>> -> memref<1x196x128xf32, #tpu.memory_space<hbm>>
      %dma_wait3A_117 = tpu.memref_squeeze %dma_wait3A_116 : memref<1x196x128xf32, #tpu.memory_space<hbm>> -> memref<196x128xf32, #tpu.memory_space<hbm>>
      %dma_wait3A_118 = arith.constant 0 : i32
      %dma_wait3A_119 = arith.constant 128 : i32
      %dma_wait3A_120 = tpu.memref_slice %arg2[%add3A_113, %dma_wait3A_118, %dma_wait3A_119] : memref<512x196x768xf32, #tpu.memory_space<hbm>> -> memref<1x196x128xf32, #tpu.memory_space<hbm>>
      %dma_wait3A_121 = tpu.memref_squeeze %dma_wait3A_120 : memref<1x196x128xf32, #tpu.memory_space<hbm>> -> memref<196x128xf32, #tpu.memory_space<hbm>>
      tpu.wait_dma2 semaphore(%arg11 : memref<!tpu.dma_semaphore, #tpu.memory_space<semaphore_mem>>) src(%dma_wait3A_121 : memref<196x128xf32, #tpu.memory_space<hbm>>) dst(%arg7 : memref<196x128xf32, #tpu.memory_space<vmem>>)
      %add3A_122 = arith.addi %mul3A_2, %scan3A_18 : i32
      %dma_start3A_123 = arith.constant 0 : i32
      %dma_start3A_124 = arith.constant 256 : i32
      %dma_start3A_125 = tpu.memref_slice %arg2[%add3A_122, %dma_start3A_123, %dma_start3A_124] : memref<512x196x768xf32, #tpu.memory_space<hbm>> -> memref<1x196x128xf32, #tpu.memory_space<hbm>>
      %dma_start3A_126 = tpu.memref_squeeze %dma_start3A_125 : memref<1x196x128xf32, #tpu.memory_space<hbm>> -> memref<196x128xf32, #tpu.memory_space<hbm>>
      %dma_start3A_127 = arith.constant 0 : i32
      %dma_start3A_128 = arith.constant 256 : i32
      %dma_start3A_129 = tpu.memref_slice %arg2[%add3A_122, %dma_start3A_127, %dma_start3A_128] : memref<512x196x768xf32, #tpu.memory_space<hbm>> -> memref<1x196x128xf32, #tpu.memory_space<hbm>>
      %dma_start3A_130 = tpu.memref_squeeze %dma_start3A_129 : memref<1x196x128xf32, #tpu.memory_space<hbm>> -> memref<196x128xf32, #tpu.memory_space<hbm>>
      tpu.enqueue_dma source(%dma_start3A_130 : memref<196x128xf32, #tpu.memory_space<hbm>>) target(%arg6 : memref<196x128xf32, #tpu.memory_space<vmem>>) target_semaphore(%arg10 : memref<!tpu.dma_semaphore, #tpu.memory_space<semaphore_mem>>)
      %broadcast_in_dim3A_131 = arith.constant 0.000000e+00 : f32
      %broadcast_in_dim3A_132 = vector.broadcast %broadcast_in_dim3A_131 : f32 to vector<16xf32>
      %broadcast_in_dim3A_133 = arith.constant 0.000000e+00 : f32
      %broadcast_in_dim3A_134 = vector.broadcast %broadcast_in_dim3A_133 : f32 to vector<16xf32>
      %broadcast_in_dim3A_135 = arith.constant 0.000000e+00 : f32
      %broadcast_in_dim3A_136 = vector.broadcast %broadcast_in_dim3A_135 : f32 to vector<16xf32>
      %broadcast_in_dim3A_137 = arith.constant 0.000000e+00 : f32
      %broadcast_in_dim3A_138 = vector.broadcast %broadcast_in_dim3A_137 : f32 to vector<16xf32>
      %broadcast_in_dim3A_139 = arith.constant 0.000000e+00 : f32
      %broadcast_in_dim3A_140 = vector.broadcast %broadcast_in_dim3A_139 : f32 to vector<16xf32>
      %broadcast_in_dim3A_141 = arith.constant 0.000000e+00 : f32
      %broadcast_in_dim3A_142 = vector.broadcast %broadcast_in_dim3A_141 : f32 to vector<16xf32>
      %broadcast_in_dim3A_143 = arith.constant 0.000000e+00 : f32
      %broadcast_in_dim3A_144 = vector.broadcast %broadcast_in_dim3A_143 : f32 to vector<16xf32>
      %broadcast_in_dim3A_145 = arith.constant 0.000000e+00 : f32
      %broadcast_in_dim3A_146 = vector.broadcast %broadcast_in_dim3A_145 : f32 to vector<16xf32>
      %scan3A_147 = arith.constant 0 : i32
      %scan3A_148 = arith.constant 28 : i32
      %scan3A_149 = arith.addi %scan3A_147, %scan3A_148 : i32
      %scan3A_150 = arith.constant 1 : i32
      %scan3A_151:8 = scf.for %scan3A_588 = %scan3A_147 to %scan3A_149 step %scan3A_150 iter_args(%scan3A_589 = %broadcast_in_dim3A_132, %scan3A_590 = %broadcast_in_dim3A_134, %scan3A_591 = %broadcast_in_dim3A_136, %scan3A_592 = %broadcast_in_dim3A_138, %scan3A_593 = %broadcast_in_dim3A_140, %scan3A_594 = %broadcast_in_dim3A_142, %scan3A_595 = %broadcast_in_dim3A_144, %scan3A_596 = %broadcast_in_dim3A_146) -> (vector<16xf32>, vector<16xf32>, vector<16xf32>, vector<16xf32>, vector<16xf32>, vector<16xf32>, vector<16xf32>, vector<16xf32>)  : i32 {
        %mul3A_597 = arith.constant 7 : i32
        %mul3A_598 = arith.muli %scan3A_588, %mul3A_597 : i32
        %add3A_599 = arith.constant 0 : i32
        %add3A_600 = arith.addi %mul3A_598, %add3A_599 : i32
        %get3A = arith.index_cast %add3A_600 : i32 to index
        %get3A_601 = arith.constant 0 : index
        %get3A_602 = tpu.vector_load %arg7[%get3A, %get3A_601] {strides = array<i32>} : memref<196x128xf32, #tpu.memory_space<vmem>>, vector<1x16xf32>,
        %get3A_603 = vector.shape_cast %get3A_602 : vector<1x16xf32> to vector<16xf32>
        %add3A_604 = arith.addf %scan3A_589, %get3A_603 : vector<16xf32>
        %get3A_605 = arith.index_cast %add3A_600 : i32 to index
        %get3A_606 = arith.constant 16 : index
        %get3A_607 = tpu.vector_load %arg7[%get3A_605, %get3A_606] {strides = array<i32>} : memref<196x128xf32, #tpu.memory_space<vmem>>, vector<1x16xf32>,
        %get3A_608 = vector.shape_cast %get3A_607 : vector<1x16xf32> to vector<16xf32>
        %add3A_609 = arith.addf %scan3A_590, %get3A_608 : vector<16xf32>
        %get3A_610 = arith.index_cast %add3A_600 : i32 to index
        %get3A_611 = arith.constant 32 : index
        %get3A_612 = tpu.vector_load %arg7[%get3A_610, %get3A_611] {strides = array<i32>} : memref<196x128xf32, #tpu.memory_space<vmem>>, vector<1x16xf32>,
        %get3A_613 = vector.shape_cast %get3A_612 : vector<1x16xf32> to vector<16xf32>
        %add3A_614 = arith.addf %scan3A_591, %get3A_613 : vector<16xf32>
        %get3A_615 = arith.index_cast %add3A_600 : i32 to index
        %get3A_616 = arith.constant 48 : index
        %get3A_617 = tpu.vector_load %arg7[%get3A_615, %get3A_616] {strides = array<i32>} : memref<196x128xf32, #tpu.memory_space<vmem>>, vector<1x16xf32>,
        %get3A_618 = vector.shape_cast %get3A_617 : vector<1x16xf32> to vector<16xf32>
        %add3A_619 = arith.addf %scan3A_592, %get3A_618 : vector<16xf32>
        %get3A_620 = arith.index_cast %add3A_600 : i32 to index
        %get3A_621 = arith.constant 64 : index
        %get3A_622 = tpu.vector_load %arg7[%get3A_620, %get3A_621] {strides = array<i32>} : memref<196x128xf32, #tpu.memory_space<vmem>>, vector<1x16xf32>,
        %get3A_623 = vector.shape_cast %get3A_622 : vector<1x16xf32> to vector<16xf32>
        %add3A_624 = arith.addf %scan3A_593, %get3A_623 : vector<16xf32>
        %get3A_625 = arith.index_cast %add3A_600 : i32 to index
        %get3A_626 = arith.constant 80 : index
        %get3A_627 = tpu.vector_load %arg7[%get3A_625, %get3A_626] {strides = array<i32>} : memref<196x128xf32, #tpu.memory_space<vmem>>, vector<1x16xf32>,
        %get3A_628 = vector.shape_cast %get3A_627 : vector<1x16xf32> to vector<16xf32>
        %add3A_629 = arith.addf %scan3A_594, %get3A_628 : vector<16xf32>
        %get3A_630 = arith.index_cast %add3A_600 : i32 to index
        %get3A_631 = arith.constant 96 : index
        %get3A_632 = tpu.vector_load %arg7[%get3A_630, %get3A_631] {strides = array<i32>} : memref<196x128xf32, #tpu.memory_space<vmem>>, vector<1x16xf32>,
        %get3A_633 = vector.shape_cast %get3A_632 : vector<1x16xf32> to vector<16xf32>
        %add3A_634 = arith.addf %scan3A_595, %get3A_633 : vector<16xf32>
        %get3A_635 = arith.index_cast %add3A_600 : i32 to index
        %get3A_636 = arith.constant 112 : index
        %get3A_637 = tpu.vector_load %arg7[%get3A_635, %get3A_636] {strides = array<i32>} : memref<196x128xf32, #tpu.memory_space<vmem>>, vector<1x16xf32>,
        %get3A_638 = vector.shape_cast %get3A_637 : vector<1x16xf32> to vector<16xf32>
        %add3A_639 = arith.addf %scan3A_596, %get3A_638 : vector<16xf32>
        %mul3A_640 = arith.constant 7 : i32
        %mul3A_641 = arith.muli %scan3A_588, %mul3A_640 : i32
        %add3A_642 = arith.constant 1 : i32
        %add3A_643 = arith.addi %mul3A_641, %add3A_642 : i32
        %get3A_644 = arith.index_cast %add3A_643 : i32 to index
        %get3A_645 = arith.constant 0 : index
        %get3A_646 = tpu.vector_load %arg7[%get3A_644, %get3A_645] {strides = array<i32>} : memref<196x128xf32, #tpu.memory_space<vmem>>, vector<1x16xf32>,
        %get3A_647 = vector.shape_cast %get3A_646 : vector<1x16xf32> to vector<16xf32>
        %add3A_648 = arith.addf %add3A_604, %get3A_647 : vector<16xf32>
        %get3A_649 = arith.index_cast %add3A_643 : i32 to index
        %get3A_650 = arith.constant 16 : index
        %get3A_651 = tpu.vector_load %arg7[%get3A_649, %get3A_650] {strides = array<i32>} : memref<196x128xf32, #tpu.memory_space<vmem>>, vector<1x16xf32>,
        %get3A_652 = vector.shape_cast %get3A_651 : vector<1x16xf32> to vector<16xf32>
        %add3A_653 = arith.addf %add3A_609, %get3A_652 : vector<16xf32>
        %get3A_654 = arith.index_cast %add3A_643 : i32 to index
        %get3A_655 = arith.constant 32 : index
        %get3A_656 = tpu.vector_load %arg7[%get3A_654, %get3A_655] {strides = array<i32>} : memref<196x128xf32, #tpu.memory_space<vmem>>, vector<1x16xf32>,
        %get3A_657 = vector.shape_cast %get3A_656 : vector<1x16xf32> to vector<16xf32>
        %add3A_658 = arith.addf %add3A_614, %get3A_657 : vector<16xf32>
        %get3A_659 = arith.index_cast %add3A_643 : i32 to index
        %get3A_660 = arith.constant 48 : index
        %get3A_661 = tpu.vector_load %arg7[%get3A_659, %get3A_660] {strides = array<i32>} : memref<196x128xf32, #tpu.memory_space<vmem>>, vector<1x16xf32>,
        %get3A_662 = vector.shape_cast %get3A_661 : vector<1x16xf32> to vector<16xf32>
        %add3A_663 = arith.addf %add3A_619, %get3A_662 : vector<16xf32>
        %get3A_664 = arith.index_cast %add3A_643 : i32 to index
        %get3A_665 = arith.constant 64 : index
        %get3A_666 = tpu.vector_load %arg7[%get3A_664, %get3A_665] {strides = array<i32>} : memref<196x128xf32, #tpu.memory_space<vmem>>, vector<1x16xf32>,
        %get3A_667 = vector.shape_cast %get3A_666 : vector<1x16xf32> to vector<16xf32>
        %add3A_668 = arith.addf %add3A_624, %get3A_667 : vector<16xf32>
        %get3A_669 = arith.index_cast %add3A_643 : i32 to index
        %get3A_670 = arith.constant 80 : index
        %get3A_671 = tpu.vector_load %arg7[%get3A_669, %get3A_670] {strides = array<i32>} : memref<196x128xf32, #tpu.memory_space<vmem>>, vector<1x16xf32>,
        %get3A_672 = vector.shape_cast %get3A_671 : vector<1x16xf32> to vector<16xf32>
        %add3A_673 = arith.addf %add3A_629, %get3A_672 : vector<16xf32>
        %get3A_674 = arith.index_cast %add3A_643 : i32 to index
        %get3A_675 = arith.constant 96 : index
        %get3A_676 = tpu.vector_load %arg7[%get3A_674, %get3A_675] {strides = array<i32>} : memref<196x128xf32, #tpu.memory_space<vmem>>, vector<1x16xf32>,
        %get3A_677 = vector.shape_cast %get3A_676 : vector<1x16xf32> to vector<16xf32>
        %add3A_678 = arith.addf %add3A_634, %get3A_677 : vector<16xf32>
        %get3A_679 = arith.index_cast %add3A_643 : i32 to index
        %get3A_680 = arith.constant 112 : index
        %get3A_681 = tpu.vector_load %arg7[%get3A_679, %get3A_680] {strides = array<i32>} : memref<196x128xf32, #tpu.memory_space<vmem>>, vector<1x16xf32>,
        %get3A_682 = vector.shape_cast %get3A_681 : vector<1x16xf32> to vector<16xf32>
        %add3A_683 = arith.addf %add3A_639, %get3A_682 : vector<16xf32>
        %mul3A_684 = arith.constant 7 : i32
        %mul3A_685 = arith.muli %scan3A_588, %mul3A_684 : i32
        %add3A_686 = arith.constant 2 : i32
        %add3A_687 = arith.addi %mul3A_685, %add3A_686 : i32
        %get3A_688 = arith.index_cast %add3A_687 : i32 to index
        %get3A_689 = arith.constant 0 : index
        %get3A_690 = tpu.vector_load %arg7[%get3A_688, %get3A_689] {strides = array<i32>} : memref<196x128xf32, #tpu.memory_space<vmem>>, vector<1x16xf32>,
        %get3A_691 = vector.shape_cast %get3A_690 : vector<1x16xf32> to vector<16xf32>
        %add3A_692 = arith.addf %add3A_648, %get3A_691 : vector<16xf32>
        %get3A_693 = arith.index_cast %add3A_687 : i32 to index
        %get3A_694 = arith.constant 16 : index
        %get3A_695 = tpu.vector_load %arg7[%get3A_693, %get3A_694] {strides = array<i32>} : memref<196x128xf32, #tpu.memory_space<vmem>>, vector<1x16xf32>,
        %get3A_696 = vector.shape_cast %get3A_695 : vector<1x16xf32> to vector<16xf32>
        %add3A_697 = arith.addf %add3A_653, %get3A_696 : vector<16xf32>
        %get3A_698 = arith.index_cast %add3A_687 : i32 to index
        %get3A_699 = arith.constant 32 : index
        %get3A_700 = tpu.vector_load %arg7[%get3A_698, %get3A_699] {strides = array<i32>} : memref<196x128xf32, #tpu.memory_space<vmem>>, vector<1x16xf32>,
        %get3A_701 = vector.shape_cast %get3A_700 : vector<1x16xf32> to vector<16xf32>
        %add3A_702 = arith.addf %add3A_658, %get3A_701 : vector<16xf32>
        %get3A_703 = arith.index_cast %add3A_687 : i32 to index
        %get3A_704 = arith.constant 48 : index
        %get3A_705 = tpu.vector_load %arg7[%get3A_703, %get3A_704] {strides = array<i32>} : memref<196x128xf32, #tpu.memory_space<vmem>>, vector<1x16xf32>,
        %get3A_706 = vector.shape_cast %get3A_705 : vector<1x16xf32> to vector<16xf32>
        %add3A_707 = arith.addf %add3A_663, %get3A_706 : vector<16xf32>
        %get3A_708 = arith.index_cast %add3A_687 : i32 to index
        %get3A_709 = arith.constant 64 : index
        %get3A_710 = tpu.vector_load %arg7[%get3A_708, %get3A_709] {strides = array<i32>} : memref<196x128xf32, #tpu.memory_space<vmem>>, vector<1x16xf32>,
        %get3A_711 = vector.shape_cast %get3A_710 : vector<1x16xf32> to vector<16xf32>
        %add3A_712 = arith.addf %add3A_668, %get3A_711 : vector<16xf32>
        %get3A_713 = arith.index_cast %add3A_687 : i32 to index
        %get3A_714 = arith.constant 80 : index
        %get3A_715 = tpu.vector_load %arg7[%get3A_713, %get3A_714] {strides = array<i32>} : memref<196x128xf32, #tpu.memory_space<vmem>>, vector<1x16xf32>,
        %get3A_716 = vector.shape_cast %get3A_715 : vector<1x16xf32> to vector<16xf32>
        %add3A_717 = arith.addf %add3A_673, %get3A_716 : vector<16xf32>
        %get3A_718 = arith.index_cast %add3A_687 : i32 to index
        %get3A_719 = arith.constant 96 : index
        %get3A_720 = tpu.vector_load %arg7[%get3A_718, %get3A_719] {strides = array<i32>} : memref<196x128xf32, #tpu.memory_space<vmem>>, vector<1x16xf32>,
        %get3A_721 = vector.shape_cast %get3A_720 : vector<1x16xf32> to vector<16xf32>
        %add3A_722 = arith.addf %add3A_678, %get3A_721 : vector<16xf32>
        %get3A_723 = arith.index_cast %add3A_687 : i32 to index
        %get3A_724 = arith.constant 112 : index
        %get3A_725 = tpu.vector_load %arg7[%get3A_723, %get3A_724] {strides = array<i32>} : memref<196x128xf32, #tpu.memory_space<vmem>>, vector<1x16xf32>,
        %get3A_726 = vector.shape_cast %get3A_725 : vector<1x16xf32> to vector<16xf32>
        %add3A_727 = arith.addf %add3A_683, %get3A_726 : vector<16xf32>
        %mul3A_728 = arith.constant 7 : i32
        %mul3A_729 = arith.muli %scan3A_588, %mul3A_728 : i32
        %add3A_730 = arith.constant 3 : i32
        %add3A_731 = arith.addi %mul3A_729, %add3A_730 : i32
        %get3A_732 = arith.index_cast %add3A_731 : i32 to index
        %get3A_733 = arith.constant 0 : index
        %get3A_734 = tpu.vector_load %arg7[%get3A_732, %get3A_733] {strides = array<i32>} : memref<196x128xf32, #tpu.memory_space<vmem>>, vector<1x16xf32>,
        %get3A_735 = vector.shape_cast %get3A_734 : vector<1x16xf32> to vector<16xf32>
        %add3A_736 = arith.addf %add3A_692, %get3A_735 : vector<16xf32>
        %get3A_737 = arith.index_cast %add3A_731 : i32 to index
        %get3A_738 = arith.constant 16 : index
        %get3A_739 = tpu.vector_load %arg7[%get3A_737, %get3A_738] {strides = array<i32>} : memref<196x128xf32, #tpu.memory_space<vmem>>, vector<1x16xf32>,
        %get3A_740 = vector.shape_cast %get3A_739 : vector<1x16xf32> to vector<16xf32>
        %add3A_741 = arith.addf %add3A_697, %get3A_740 : vector<16xf32>
        %get3A_742 = arith.index_cast %add3A_731 : i32 to index
        %get3A_743 = arith.constant 32 : index
        %get3A_744 = tpu.vector_load %arg7[%get3A_742, %get3A_743] {strides = array<i32>} : memref<196x128xf32, #tpu.memory_space<vmem>>, vector<1x16xf32>,
        %get3A_745 = vector.shape_cast %get3A_744 : vector<1x16xf32> to vector<16xf32>
        %add3A_746 = arith.addf %add3A_702, %get3A_745 : vector<16xf32>
        %get3A_747 = arith.index_cast %add3A_731 : i32 to index
        %get3A_748 = arith.constant 48 : index
        %get3A_749 = tpu.vector_load %arg7[%get3A_747, %get3A_748] {strides = array<i32>} : memref<196x128xf32, #tpu.memory_space<vmem>>, vector<1x16xf32>,
        %get3A_750 = vector.shape_cast %get3A_749 : vector<1x16xf32> to vector<16xf32>
        %add3A_751 = arith.addf %add3A_707, %get3A_750 : vector<16xf32>
        %get3A_752 = arith.index_cast %add3A_731 : i32 to index
        %get3A_753 = arith.constant 64 : index
        %get3A_754 = tpu.vector_load %arg7[%get3A_752, %get3A_753] {strides = array<i32>} : memref<196x128xf32, #tpu.memory_space<vmem>>, vector<1x16xf32>,
        %get3A_755 = vector.shape_cast %get3A_754 : vector<1x16xf32> to vector<16xf32>
        %add3A_756 = arith.addf %add3A_712, %get3A_755 : vector<16xf32>
        %get3A_757 = arith.index_cast %add3A_731 : i32 to index
        %get3A_758 = arith.constant 80 : index
        %get3A_759 = tpu.vector_load %arg7[%get3A_757, %get3A_758] {strides = array<i32>} : memref<196x128xf32, #tpu.memory_space<vmem>>, vector<1x16xf32>,
        %get3A_760 = vector.shape_cast %get3A_759 : vector<1x16xf32> to vector<16xf32>
        %add3A_761 = arith.addf %add3A_717, %get3A_760 : vector<16xf32>
        %get3A_762 = arith.index_cast %add3A_731 : i32 to index
        %get3A_763 = arith.constant 96 : index
        %get3A_764 = tpu.vector_load %arg7[%get3A_762, %get3A_763] {strides = array<i32>} : memref<196x128xf32, #tpu.memory_space<vmem>>, vector<1x16xf32>,
        %get3A_765 = vector.shape_cast %get3A_764 : vector<1x16xf32> to vector<16xf32>
        %add3A_766 = arith.addf %add3A_722, %get3A_765 : vector<16xf32>
        %get3A_767 = arith.index_cast %add3A_731 : i32 to index
        %get3A_768 = arith.constant 112 : index
        %get3A_769 = tpu.vector_load %arg7[%get3A_767, %get3A_768] {strides = array<i32>} : memref<196x128xf32, #tpu.memory_space<vmem>>, vector<1x16xf32>,
        %get3A_770 = vector.shape_cast %get3A_769 : vector<1x16xf32> to vector<16xf32>
        %add3A_771 = arith.addf %add3A_727, %get3A_770 : vector<16xf32>
        %mul3A_772 = arith.constant 7 : i32
        %mul3A_773 = arith.muli %scan3A_588, %mul3A_772 : i32
        %add3A_774 = arith.constant 4 : i32
        %add3A_775 = arith.addi %mul3A_773, %add3A_774 : i32
        %get3A_776 = arith.index_cast %add3A_775 : i32 to index
        %get3A_777 = arith.constant 0 : index
        %get3A_778 = tpu.vector_load %arg7[%get3A_776, %get3A_777] {strides = array<i32>} : memref<196x128xf32, #tpu.memory_space<vmem>>, vector<1x16xf32>,
        %get3A_779 = vector.shape_cast %get3A_778 : vector<1x16xf32> to vector<16xf32>
        %add3A_780 = arith.addf %add3A_736, %get3A_779 : vector<16xf32>
        %get3A_781 = arith.index_cast %add3A_775 : i32 to index
        %get3A_782 = arith.constant 16 : index
        %get3A_783 = tpu.vector_load %arg7[%get3A_781, %get3A_782] {strides = array<i32>} : memref<196x128xf32, #tpu.memory_space<vmem>>, vector<1x16xf32>,
        %get3A_784 = vector.shape_cast %get3A_783 : vector<1x16xf32> to vector<16xf32>
        %add3A_785 = arith.addf %add3A_741, %get3A_784 : vector<16xf32>
        %get3A_786 = arith.index_cast %add3A_775 : i32 to index
        %get3A_787 = arith.constant 32 : index
        %get3A_788 = tpu.vector_load %arg7[%get3A_786, %get3A_787] {strides = array<i32>} : memref<196x128xf32, #tpu.memory_space<vmem>>, vector<1x16xf32>,
        %get3A_789 = vector.shape_cast %get3A_788 : vector<1x16xf32> to vector<16xf32>
        %add3A_790 = arith.addf %add3A_746, %get3A_789 : vector<16xf32>
        %get3A_791 = arith.index_cast %add3A_775 : i32 to index
        %get3A_792 = arith.constant 48 : index
        %get3A_793 = tpu.vector_load %arg7[%get3A_791, %get3A_792] {strides = array<i32>} : memref<196x128xf32, #tpu.memory_space<vmem>>, vector<1x16xf32>,
        %get3A_794 = vector.shape_cast %get3A_793 : vector<1x16xf32> to vector<16xf32>
        %add3A_795 = arith.addf %add3A_751, %get3A_794 : vector<16xf32>
        %get3A_796 = arith.index_cast %add3A_775 : i32 to index
        %get3A_797 = arith.constant 64 : index
        %get3A_798 = tpu.vector_load %arg7[%get3A_796, %get3A_797] {strides = array<i32>} : memref<196x128xf32, #tpu.memory_space<vmem>>, vector<1x16xf32>,
        %get3A_799 = vector.shape_cast %get3A_798 : vector<1x16xf32> to vector<16xf32>
        %add3A_800 = arith.addf %add3A_756, %get3A_799 : vector<16xf32>
        %get3A_801 = arith.index_cast %add3A_775 : i32 to index
        %get3A_802 = arith.constant 80 : index
        %get3A_803 = tpu.vector_load %arg7[%get3A_801, %get3A_802] {strides = array<i32>} : memref<196x128xf32, #tpu.memory_space<vmem>>, vector<1x16xf32>,
        %get3A_804 = vector.shape_cast %get3A_803 : vector<1x16xf32> to vector<16xf32>
        %add3A_805 = arith.addf %add3A_761, %get3A_804 : vector<16xf32>
        %get3A_806 = arith.index_cast %add3A_775 : i32 to index
        %get3A_807 = arith.constant 96 : index
        %get3A_808 = tpu.vector_load %arg7[%get3A_806, %get3A_807] {strides = array<i32>} : memref<196x128xf32, #tpu.memory_space<vmem>>, vector<1x16xf32>,
        %get3A_809 = vector.shape_cast %get3A_808 : vector<1x16xf32> to vector<16xf32>
        %add3A_810 = arith.addf %add3A_766, %get3A_809 : vector<16xf32>
        %get3A_811 = arith.index_cast %add3A_775 : i32 to index
        %get3A_812 = arith.constant 112 : index
        %get3A_813 = tpu.vector_load %arg7[%get3A_811, %get3A_812] {strides = array<i32>} : memref<196x128xf32, #tpu.memory_space<vmem>>, vector<1x16xf32>,
        %get3A_814 = vector.shape_cast %get3A_813 : vector<1x16xf32> to vector<16xf32>
        %add3A_815 = arith.addf %add3A_771, %get3A_814 : vector<16xf32>
        %mul3A_816 = arith.constant 7 : i32
        %mul3A_817 = arith.muli %scan3A_588, %mul3A_816 : i32
        %add3A_818 = arith.constant 5 : i32
        %add3A_819 = arith.addi %mul3A_817, %add3A_818 : i32
        %get3A_820 = arith.index_cast %add3A_819 : i32 to index
        %get3A_821 = arith.constant 0 : index
        %get3A_822 = tpu.vector_load %arg7[%get3A_820, %get3A_821] {strides = array<i32>} : memref<196x128xf32, #tpu.memory_space<vmem>>, vector<1x16xf32>,
        %get3A_823 = vector.shape_cast %get3A_822 : vector<1x16xf32> to vector<16xf32>
        %add3A_824 = arith.addf %add3A_780, %get3A_823 : vector<16xf32>
        %get3A_825 = arith.index_cast %add3A_819 : i32 to index
        %get3A_826 = arith.constant 16 : index
        %get3A_827 = tpu.vector_load %arg7[%get3A_825, %get3A_826] {strides = array<i32>} : memref<196x128xf32, #tpu.memory_space<vmem>>, vector<1x16xf32>,
        %get3A_828 = vector.shape_cast %get3A_827 : vector<1x16xf32> to vector<16xf32>
        %add3A_829 = arith.addf %add3A_785, %get3A_828 : vector<16xf32>
        %get3A_830 = arith.index_cast %add3A_819 : i32 to index
        %get3A_831 = arith.constant 32 : index
        %get3A_832 = tpu.vector_load %arg7[%get3A_830, %get3A_831] {strides = array<i32>} : memref<196x128xf32, #tpu.memory_space<vmem>>, vector<1x16xf32>,
        %get3A_833 = vector.shape_cast %get3A_832 : vector<1x16xf32> to vector<16xf32>
        %add3A_834 = arith.addf %add3A_790, %get3A_833 : vector<16xf32>
        %get3A_835 = arith.index_cast %add3A_819 : i32 to index
        %get3A_836 = arith.constant 48 : index
        %get3A_837 = tpu.vector_load %arg7[%get3A_835, %get3A_836] {strides = array<i32>} : memref<196x128xf32, #tpu.memory_space<vmem>>, vector<1x16xf32>,
        %get3A_838 = vector.shape_cast %get3A_837 : vector<1x16xf32> to vector<16xf32>
        %add3A_839 = arith.addf %add3A_795, %get3A_838 : vector<16xf32>
        %get3A_840 = arith.index_cast %add3A_819 : i32 to index
        %get3A_841 = arith.constant 64 : index
        %get3A_842 = tpu.vector_load %arg7[%get3A_840, %get3A_841] {strides = array<i32>} : memref<196x128xf32, #tpu.memory_space<vmem>>, vector<1x16xf32>,
        %get3A_843 = vector.shape_cast %get3A_842 : vector<1x16xf32> to vector<16xf32>
        %add3A_844 = arith.addf %add3A_800, %get3A_843 : vector<16xf32>
        %get3A_845 = arith.index_cast %add3A_819 : i32 to index
        %get3A_846 = arith.constant 80 : index
        %get3A_847 = tpu.vector_load %arg7[%get3A_845, %get3A_846] {strides = array<i32>} : memref<196x128xf32, #tpu.memory_space<vmem>>, vector<1x16xf32>,
        %get3A_848 = vector.shape_cast %get3A_847 : vector<1x16xf32> to vector<16xf32>
        %add3A_849 = arith.addf %add3A_805, %get3A_848 : vector<16xf32>
        %get3A_850 = arith.index_cast %add3A_819 : i32 to index
        %get3A_851 = arith.constant 96 : index
        %get3A_852 = tpu.vector_load %arg7[%get3A_850, %get3A_851] {strides = array<i32>} : memref<196x128xf32, #tpu.memory_space<vmem>>, vector<1x16xf32>,
        %get3A_853 = vector.shape_cast %get3A_852 : vector<1x16xf32> to vector<16xf32>
        %add3A_854 = arith.addf %add3A_810, %get3A_853 : vector<16xf32>
        %get3A_855 = arith.index_cast %add3A_819 : i32 to index
        %get3A_856 = arith.constant 112 : index
        %get3A_857 = tpu.vector_load %arg7[%get3A_855, %get3A_856] {strides = array<i32>} : memref<196x128xf32, #tpu.memory_space<vmem>>, vector<1x16xf32>,
        %get3A_858 = vector.shape_cast %get3A_857 : vector<1x16xf32> to vector<16xf32>
        %add3A_859 = arith.addf %add3A_815, %get3A_858 : vector<16xf32>
        %mul3A_860 = arith.constant 7 : i32
        %mul3A_861 = arith.muli %scan3A_588, %mul3A_860 : i32
        %add3A_862 = arith.constant 6 : i32
        %add3A_863 = arith.addi %mul3A_861, %add3A_862 : i32
        %get3A_864 = arith.index_cast %add3A_863 : i32 to index
        %get3A_865 = arith.constant 0 : index
        %get3A_866 = tpu.vector_load %arg7[%get3A_864, %get3A_865] {strides = array<i32>} : memref<196x128xf32, #tpu.memory_space<vmem>>, vector<1x16xf32>,
        %get3A_867 = vector.shape_cast %get3A_866 : vector<1x16xf32> to vector<16xf32>
        %add3A_868 = arith.addf %add3A_824, %get3A_867 : vector<16xf32>
        %get3A_869 = arith.index_cast %add3A_863 : i32 to index
        %get3A_870 = arith.constant 16 : index
        %get3A_871 = tpu.vector_load %arg7[%get3A_869, %get3A_870] {strides = array<i32>} : memref<196x128xf32, #tpu.memory_space<vmem>>, vector<1x16xf32>,
        %get3A_872 = vector.shape_cast %get3A_871 : vector<1x16xf32> to vector<16xf32>
        %add3A_873 = arith.addf %add3A_829, %get3A_872 : vector<16xf32>
        %get3A_874 = arith.index_cast %add3A_863 : i32 to index
        %get3A_875 = arith.constant 32 : index
        %get3A_876 = tpu.vector_load %arg7[%get3A_874, %get3A_875] {strides = array<i32>} : memref<196x128xf32, #tpu.memory_space<vmem>>, vector<1x16xf32>,
        %get3A_877 = vector.shape_cast %get3A_876 : vector<1x16xf32> to vector<16xf32>
        %add3A_878 = arith.addf %add3A_834, %get3A_877 : vector<16xf32>
        %get3A_879 = arith.index_cast %add3A_863 : i32 to index
        %get3A_880 = arith.constant 48 : index
        %get3A_881 = tpu.vector_load %arg7[%get3A_879, %get3A_880] {strides = array<i32>} : memref<196x128xf32, #tpu.memory_space<vmem>>, vector<1x16xf32>,
        %get3A_882 = vector.shape_cast %get3A_881 : vector<1x16xf32> to vector<16xf32>
        %add3A_883 = arith.addf %add3A_839, %get3A_882 : vector<16xf32>
        %get3A_884 = arith.index_cast %add3A_863 : i32 to index
        %get3A_885 = arith.constant 64 : index
        %get3A_886 = tpu.vector_load %arg7[%get3A_884, %get3A_885] {strides = array<i32>} : memref<196x128xf32, #tpu.memory_space<vmem>>, vector<1x16xf32>,
        %get3A_887 = vector.shape_cast %get3A_886 : vector<1x16xf32> to vector<16xf32>
        %add3A_888 = arith.addf %add3A_844, %get3A_887 : vector<16xf32>
        %get3A_889 = arith.index_cast %add3A_863 : i32 to index
        %get3A_890 = arith.constant 80 : index
        %get3A_891 = tpu.vector_load %arg7[%get3A_889, %get3A_890] {strides = array<i32>} : memref<196x128xf32, #tpu.memory_space<vmem>>, vector<1x16xf32>,
        %get3A_892 = vector.shape_cast %get3A_891 : vector<1x16xf32> to vector<16xf32>
        %add3A_893 = arith.addf %add3A_849, %get3A_892 : vector<16xf32>
        %get3A_894 = arith.index_cast %add3A_863 : i32 to index
        %get3A_895 = arith.constant 96 : index
        %get3A_896 = tpu.vector_load %arg7[%get3A_894, %get3A_895] {strides = array<i32>} : memref<196x128xf32, #tpu.memory_space<vmem>>, vector<1x16xf32>,
        %get3A_897 = vector.shape_cast %get3A_896 : vector<1x16xf32> to vector<16xf32>
        %add3A_898 = arith.addf %add3A_854, %get3A_897 : vector<16xf32>
        %get3A_899 = arith.index_cast %add3A_863 : i32 to index
        %get3A_900 = arith.constant 112 : index
        %get3A_901 = tpu.vector_load %arg7[%get3A_899, %get3A_900] {strides = array<i32>} : memref<196x128xf32, #tpu.memory_space<vmem>>, vector<1x16xf32>,
        %get3A_902 = vector.shape_cast %get3A_901 : vector<1x16xf32> to vector<16xf32>
        %add3A_903 = arith.addf %add3A_859, %get3A_902 : vector<16xf32>
        scf.yield %add3A_868, %add3A_873, %add3A_878, %add3A_883, %add3A_888, %add3A_893, %add3A_898, %add3A_903 : vector<16xf32>, vector<16xf32>, vector<16xf32>, vector<16xf32>, vector<16xf32>, vector<16xf32>, vector<16xf32>, vector<16xf32>
      }
      %scan3A_152 = arith.constant 28 : i32
      %mul3A_153 = arith.constant 0.00510204071 : f32
      %mul3A_154 = vector.broadcast %mul3A_153 : f32 to vector<16xf32>
      %mul3A_155 = arith.mulf %scan3A_151#0, %mul3A_154 : vector<16xf32>
      %swap3A_156 = arith.constant 128 : index
      %swap3A_157 = tpu.vector_load %arg8[%swap3A_156] {strides = array<i32>} : memref<768xf32, #tpu.memory_space<vmem>>, vector<16xf32>,
      %swap3A_158 = vector.shape_cast %swap3A_157 : vector<16xf32> to vector<16xf32>
      %swap3A_159 = vector.shape_cast %mul3A_155 : vector<16xf32> to vector<16xf32>
      tpu.vector_store %arg8[%swap3A_156], %swap3A_159 {strides = array<i32>} : memref<768xf32, #tpu.memory_space<vmem>>, vector<16xf32>,
      %mul3A_160 = arith.constant 0.00510204071 : f32
      %mul3A_161 = vector.broadcast %mul3A_160 : f32 to vector<16xf32>
      %mul3A_162 = arith.mulf %scan3A_151#1, %mul3A_161 : vector<16xf32>
      %swap3A_163 = arith.constant 144 : index
      %swap3A_164 = tpu.vector_load %arg8[%swap3A_163] {strides = array<i32>} : memref<768xf32, #tpu.memory_space<vmem>>, vector<16xf32>,
      %swap3A_165 = vector.shape_cast %swap3A_164 : vector<16xf32> to vector<16xf32>
      %swap3A_166 = vector.shape_cast %mul3A_162 : vector<16xf32> to vector<16xf32>
      tpu.vector_store %arg8[%swap3A_163], %swap3A_166 {strides = array<i32>} : memref<768xf32, #tpu.memory_space<vmem>>, vector<16xf32>,
      %mul3A_167 = arith.constant 0.00510204071 : f32
      %mul3A_168 = vector.broadcast %mul3A_167 : f32 to vector<16xf32>
      %mul3A_169 = arith.mulf %scan3A_151#2, %mul3A_168 : vector<16xf32>
      %swap3A_170 = arith.constant 160 : index
      %swap3A_171 = tpu.vector_load %arg8[%swap3A_170] {strides = array<i32>} : memref<768xf32, #tpu.memory_space<vmem>>, vector<16xf32>,
      %swap3A_172 = vector.shape_cast %swap3A_171 : vector<16xf32> to vector<16xf32>
      %swap3A_173 = vector.shape_cast %mul3A_169 : vector<16xf32> to vector<16xf32>
      tpu.vector_store %arg8[%swap3A_170], %swap3A_173 {strides = array<i32>} : memref<768xf32, #tpu.memory_space<vmem>>, vector<16xf32>,
      %mul3A_174 = arith.constant 0.00510204071 : f32
      %mul3A_175 = vector.broadcast %mul3A_174 : f32 to vector<16xf32>
      %mul3A_176 = arith.mulf %scan3A_151#3, %mul3A_175 : vector<16xf32>
      %swap3A_177 = arith.constant 176 : index
      %swap3A_178 = tpu.vector_load %arg8[%swap3A_177] {strides = array<i32>} : memref<768xf32, #tpu.memory_space<vmem>>, vector<16xf32>,
      %swap3A_179 = vector.shape_cast %swap3A_178 : vector<16xf32> to vector<16xf32>
      %swap3A_180 = vector.shape_cast %mul3A_176 : vector<16xf32> to vector<16xf32>
      tpu.vector_store %arg8[%swap3A_177], %swap3A_180 {strides = array<i32>} : memref<768xf32, #tpu.memory_space<vmem>>, vector<16xf32>,
      %mul3A_181 = arith.constant 0.00510204071 : f32
      %mul3A_182 = vector.broadcast %mul3A_181 : f32 to vector<16xf32>
      %mul3A_183 = arith.mulf %scan3A_151#4, %mul3A_182 : vector<16xf32>
      %swap3A_184 = arith.constant 192 : index
      %swap3A_185 = tpu.vector_load %arg8[%swap3A_184] {strides = array<i32>} : memref<768xf32, #tpu.memory_space<vmem>>, vector<16xf32>,
      %swap3A_186 = vector.shape_cast %swap3A_185 : vector<16xf32> to vector<16xf32>
      %swap3A_187 = vector.shape_cast %mul3A_183 : vector<16xf32> to vector<16xf32>
      tpu.vector_store %arg8[%swap3A_184], %swap3A_187 {strides = array<i32>} : memref<768xf32, #tpu.memory_space<vmem>>, vector<16xf32>,
      %mul3A_188 = arith.constant 0.00510204071 : f32
      %mul3A_189 = vector.broadcast %mul3A_188 : f32 to vector<16xf32>
      %mul3A_190 = arith.mulf %scan3A_151#5, %mul3A_189 : vector<16xf32>
      %swap3A_191 = arith.constant 208 : index
      %swap3A_192 = tpu.vector_load %arg8[%swap3A_191] {strides = array<i32>} : memref<768xf32, #tpu.memory_space<vmem>>, vector<16xf32>,
      %swap3A_193 = vector.shape_cast %swap3A_192 : vector<16xf32> to vector<16xf32>
      %swap3A_194 = vector.shape_cast %mul3A_190 : vector<16xf32> to vector<16xf32>
      tpu.vector_store %arg8[%swap3A_191], %swap3A_194 {strides = array<i32>} : memref<768xf32, #tpu.memory_space<vmem>>, vector<16xf32>,
      %mul3A_195 = arith.constant 0.00510204071 : f32
      %mul3A_196 = vector.broadcast %mul3A_195 : f32 to vector<16xf32>
      %mul3A_197 = arith.mulf %scan3A_151#6, %mul3A_196 : vector<16xf32>
      %swap3A_198 = arith.constant 224 : index
      %swap3A_199 = tpu.vector_load %arg8[%swap3A_198] {strides = array<i32>} : memref<768xf32, #tpu.memory_space<vmem>>, vector<16xf32>,
      %swap3A_200 = vector.shape_cast %swap3A_199 : vector<16xf32> to vector<16xf32>
      %swap3A_201 = vector.shape_cast %mul3A_197 : vector<16xf32> to vector<16xf32>
      tpu.vector_store %arg8[%swap3A_198], %swap3A_201 {strides = array<i32>} : memref<768xf32, #tpu.memory_space<vmem>>, vector<16xf32>,
      %mul3A_202 = arith.constant 0.00510204071 : f32
      %mul3A_203 = vector.broadcast %mul3A_202 : f32 to vector<16xf32>
      %mul3A_204 = arith.mulf %scan3A_151#7, %mul3A_203 : vector<16xf32>
      %swap3A_205 = arith.constant 240 : index
      %swap3A_206 = tpu.vector_load %arg8[%swap3A_205] {strides = array<i32>} : memref<768xf32, #tpu.memory_space<vmem>>, vector<16xf32>,
      %swap3A_207 = vector.shape_cast %swap3A_206 : vector<16xf32> to vector<16xf32>
      %swap3A_208 = vector.shape_cast %mul3A_204 : vector<16xf32> to vector<16xf32>
      tpu.vector_store %arg8[%swap3A_205], %swap3A_208 {strides = array<i32>} : memref<768xf32, #tpu.memory_space<vmem>>, vector<16xf32>,
      %add3A_209 = arith.addi %mul3A_2, %scan3A_18 : i32
      %dma_wait3A_210 = arith.constant 0 : i32
      %dma_wait3A_211 = arith.constant 256 : i32
      %dma_wait3A_212 = tpu.memref_slice %arg2[%add3A_209, %dma_wait3A_210, %dma_wait3A_211] : memref<512x196x768xf32, #tpu.memory_space<hbm>> -> memref<1x196x128xf32, #tpu.memory_space<hbm>>
      %dma_wait3A_213 = tpu.memref_squeeze %dma_wait3A_212 : memref<1x196x128xf32, #tpu.memory_space<hbm>> -> memref<196x128xf32, #tpu.memory_space<hbm>>
      %dma_wait3A_214 = arith.constant 0 : i32
      %dma_wait3A_215 = arith.constant 256 : i32
      %dma_wait3A_216 = tpu.memref_slice %arg2[%add3A_209, %dma_wait3A_214, %dma_wait3A_215] : memref<512x196x768xf32, #tpu.memory_space<hbm>> -> memref<1x196x128xf32, #tpu.memory_space<hbm>>
      %dma_wait3A_217 = tpu.memref_squeeze %dma_wait3A_216 : memref<1x196x128xf32, #tpu.memory_space<hbm>> -> memref<196x128xf32, #tpu.memory_space<hbm>>
      tpu.wait_dma2 semaphore(%arg10 : memref<!tpu.dma_semaphore, #tpu.memory_space<semaphore_mem>>) src(%dma_wait3A_217 : memref<196x128xf32, #tpu.memory_space<hbm>>) dst(%arg6 : memref<196x128xf32, #tpu.memory_space<vmem>>)
      %add3A_218 = arith.addi %mul3A_2, %scan3A_18 : i32
      %dma_start3A_219 = arith.constant 0 : i32
      %dma_start3A_220 = arith.constant 384 : i32
      %dma_start3A_221 = tpu.memref_slice %arg2[%add3A_218, %dma_start3A_219, %dma_start3A_220] : memref<512x196x768xf32, #tpu.memory_space<hbm>> -> memref<1x196x128xf32, #tpu.memory_space<hbm>>
      %dma_start3A_222 = tpu.memref_squeeze %dma_start3A_221 : memref<1x196x128xf32, #tpu.memory_space<hbm>> -> memref<196x128xf32, #tpu.memory_space<hbm>>
      %dma_start3A_223 = arith.constant 0 : i32
      %dma_start3A_224 = arith.constant 384 : i32
      %dma_start3A_225 = tpu.memref_slice %arg2[%add3A_218, %dma_start3A_223, %dma_start3A_224] : memref<512x196x768xf32, #tpu.memory_space<hbm>> -> memref<1x196x128xf32, #tpu.memory_space<hbm>>
      %dma_start3A_226 = tpu.memref_squeeze %dma_start3A_225 : memref<1x196x128xf32, #tpu.memory_space<hbm>> -> memref<196x128xf32, #tpu.memory_space<hbm>>
      tpu.enqueue_dma source(%dma_start3A_226 : memref<196x128xf32, #tpu.memory_space<hbm>>) target(%arg7 : memref<196x128xf32, #tpu.memory_space<vmem>>) target_semaphore(%arg11 : memref<!tpu.dma_semaphore, #tpu.memory_space<semaphore_mem>>)
      %broadcast_in_dim3A_227 = arith.constant 0.000000e+00 : f32
      %broadcast_in_dim3A_228 = vector.broadcast %broadcast_in_dim3A_227 : f32 to vector<16xf32>
      %broadcast_in_dim3A_229 = arith.constant 0.000000e+00 : f32
      %broadcast_in_dim3A_230 = vector.broadcast %broadcast_in_dim3A_229 : f32 to vector<16xf32>
      %broadcast_in_dim3A_231 = arith.constant 0.000000e+00 : f32
      %broadcast_in_dim3A_232 = vector.broadcast %broadcast_in_dim3A_231 : f32 to vector<16xf32>
      %broadcast_in_dim3A_233 = arith.constant 0.000000e+00 : f32
      %broadcast_in_dim3A_234 = vector.broadcast %broadcast_in_dim3A_233 : f32 to vector<16xf32>
      %broadcast_in_dim3A_235 = arith.constant 0.000000e+00 : f32
      %broadcast_in_dim3A_236 = vector.broadcast %broadcast_in_dim3A_235 : f32 to vector<16xf32>
      %broadcast_in_dim3A_237 = arith.constant 0.000000e+00 : f32
      %broadcast_in_dim3A_238 = vector.broadcast %broadcast_in_dim3A_237 : f32 to vector<16xf32>
      %broadcast_in_dim3A_239 = arith.constant 0.000000e+00 : f32
      %broadcast_in_dim3A_240 = vector.broadcast %broadcast_in_dim3A_239 : f32 to vector<16xf32>
      %broadcast_in_dim3A_241 = arith.constant 0.000000e+00 : f32
      %broadcast_in_dim3A_242 = vector.broadcast %broadcast_in_dim3A_241 : f32 to vector<16xf32>
      %scan3A_243 = arith.constant 0 : i32
      %scan3A_244 = arith.constant 28 : i32
      %scan3A_245 = arith.addi %scan3A_243, %scan3A_244 : i32
      %scan3A_246 = arith.constant 1 : i32
      %scan3A_247:8 = scf.for %scan3A_588 = %scan3A_243 to %scan3A_245 step %scan3A_246 iter_args(%scan3A_589 = %broadcast_in_dim3A_228, %scan3A_590 = %broadcast_in_dim3A_230, %scan3A_591 = %broadcast_in_dim3A_232, %scan3A_592 = %broadcast_in_dim3A_234, %scan3A_593 = %broadcast_in_dim3A_236, %scan3A_594 = %broadcast_in_dim3A_238, %scan3A_595 = %broadcast_in_dim3A_240, %scan3A_596 = %broadcast_in_dim3A_242) -> (vector<16xf32>, vector<16xf32>, vector<16xf32>, vector<16xf32>, vector<16xf32>, vector<16xf32>, vector<16xf32>, vector<16xf32>)  : i32 {
        %mul3A_597 = arith.constant 7 : i32
        %mul3A_598 = arith.muli %scan3A_588, %mul3A_597 : i32
        %add3A_599 = arith.constant 0 : i32
        %add3A_600 = arith.addi %mul3A_598, %add3A_599 : i32
        %get3A = arith.index_cast %add3A_600 : i32 to index
        %get3A_601 = arith.constant 0 : index
        %get3A_602 = tpu.vector_load %arg6[%get3A, %get3A_601] {strides = array<i32>} : memref<196x128xf32, #tpu.memory_space<vmem>>, vector<1x16xf32>,
        %get3A_603 = vector.shape_cast %get3A_602 : vector<1x16xf32> to vector<16xf32>
        %add3A_604 = arith.addf %scan3A_589, %get3A_603 : vector<16xf32>
        %get3A_605 = arith.index_cast %add3A_600 : i32 to index
        %get3A_606 = arith.constant 16 : index
        %get3A_607 = tpu.vector_load %arg6[%get3A_605, %get3A_606] {strides = array<i32>} : memref<196x128xf32, #tpu.memory_space<vmem>>, vector<1x16xf32>,
        %get3A_608 = vector.shape_cast %get3A_607 : vector<1x16xf32> to vector<16xf32>
        %add3A_609 = arith.addf %scan3A_590, %get3A_608 : vector<16xf32>
        %get3A_610 = arith.index_cast %add3A_600 : i32 to index
        %get3A_611 = arith.constant 32 : index
        %get3A_612 = tpu.vector_load %arg6[%get3A_610, %get3A_611] {strides = array<i32>} : memref<196x128xf32, #tpu.memory_space<vmem>>, vector<1x16xf32>,
        %get3A_613 = vector.shape_cast %get3A_612 : vector<1x16xf32> to vector<16xf32>
        %add3A_614 = arith.addf %scan3A_591, %get3A_613 : vector<16xf32>
        %get3A_615 = arith.index_cast %add3A_600 : i32 to index
        %get3A_616 = arith.constant 48 : index
        %get3A_617 = tpu.vector_load %arg6[%get3A_615, %get3A_616] {strides = array<i32>} : memref<196x128xf32, #tpu.memory_space<vmem>>, vector<1x16xf32>,
        %get3A_618 = vector.shape_cast %get3A_617 : vector<1x16xf32> to vector<16xf32>
        %add3A_619 = arith.addf %scan3A_592, %get3A_618 : vector<16xf32>
        %get3A_620 = arith.index_cast %add3A_600 : i32 to index
        %get3A_621 = arith.constant 64 : index
        %get3A_622 = tpu.vector_load %arg6[%get3A_620, %get3A_621] {strides = array<i32>} : memref<196x128xf32, #tpu.memory_space<vmem>>, vector<1x16xf32>,
        %get3A_623 = vector.shape_cast %get3A_622 : vector<1x16xf32> to vector<16xf32>
        %add3A_624 = arith.addf %scan3A_593, %get3A_623 : vector<16xf32>
        %get3A_625 = arith.index_cast %add3A_600 : i32 to index
        %get3A_626 = arith.constant 80 : index
        %get3A_627 = tpu.vector_load %arg6[%get3A_625, %get3A_626] {strides = array<i32>} : memref<196x128xf32, #tpu.memory_space<vmem>>, vector<1x16xf32>,
        %get3A_628 = vector.shape_cast %get3A_627 : vector<1x16xf32> to vector<16xf32>
        %add3A_629 = arith.addf %scan3A_594, %get3A_628 : vector<16xf32>
        %get3A_630 = arith.index_cast %add3A_600 : i32 to index
        %get3A_631 = arith.constant 96 : index
        %get3A_632 = tpu.vector_load %arg6[%get3A_630, %get3A_631] {strides = array<i32>} : memref<196x128xf32, #tpu.memory_space<vmem>>, vector<1x16xf32>,
        %get3A_633 = vector.shape_cast %get3A_632 : vector<1x16xf32> to vector<16xf32>
        %add3A_634 = arith.addf %scan3A_595, %get3A_633 : vector<16xf32>
        %get3A_635 = arith.index_cast %add3A_600 : i32 to index
        %get3A_636 = arith.constant 112 : index
        %get3A_637 = tpu.vector_load %arg6[%get3A_635, %get3A_636] {strides = array<i32>} : memref<196x128xf32, #tpu.memory_space<vmem>>, vector<1x16xf32>,
        %get3A_638 = vector.shape_cast %get3A_637 : vector<1x16xf32> to vector<16xf32>
        %add3A_639 = arith.addf %scan3A_596, %get3A_638 : vector<16xf32>
        %mul3A_640 = arith.constant 7 : i32
        %mul3A_641 = arith.muli %scan3A_588, %mul3A_640 : i32
        %add3A_642 = arith.constant 1 : i32
        %add3A_643 = arith.addi %mul3A_641, %add3A_642 : i32
        %get3A_644 = arith.index_cast %add3A_643 : i32 to index
        %get3A_645 = arith.constant 0 : index
        %get3A_646 = tpu.vector_load %arg6[%get3A_644, %get3A_645] {strides = array<i32>} : memref<196x128xf32, #tpu.memory_space<vmem>>, vector<1x16xf32>,
        %get3A_647 = vector.shape_cast %get3A_646 : vector<1x16xf32> to vector<16xf32>
        %add3A_648 = arith.addf %add3A_604, %get3A_647 : vector<16xf32>
        %get3A_649 = arith.index_cast %add3A_643 : i32 to index
        %get3A_650 = arith.constant 16 : index
        %get3A_651 = tpu.vector_load %arg6[%get3A_649, %get3A_650] {strides = array<i32>} : memref<196x128xf32, #tpu.memory_space<vmem>>, vector<1x16xf32>,
        %get3A_652 = vector.shape_cast %get3A_651 : vector<1x16xf32> to vector<16xf32>
        %add3A_653 = arith.addf %add3A_609, %get3A_652 : vector<16xf32>
        %get3A_654 = arith.index_cast %add3A_643 : i32 to index
        %get3A_655 = arith.constant 32 : index
        %get3A_656 = tpu.vector_load %arg6[%get3A_654, %get3A_655] {strides = array<i32>} : memref<196x128xf32, #tpu.memory_space<vmem>>, vector<1x16xf32>,
        %get3A_657 = vector.shape_cast %get3A_656 : vector<1x16xf32> to vector<16xf32>
        %add3A_658 = arith.addf %add3A_614, %get3A_657 : vector<16xf32>
        %get3A_659 = arith.index_cast %add3A_643 : i32 to index
        %get3A_660 = arith.constant 48 : index
        %get3A_661 = tpu.vector_load %arg6[%get3A_659, %get3A_660] {strides = array<i32>} : memref<196x128xf32, #tpu.memory_space<vmem>>, vector<1x16xf32>,
        %get3A_662 = vector.shape_cast %get3A_661 : vector<1x16xf32> to vector<16xf32>
        %add3A_663 = arith.addf %add3A_619, %get3A_662 : vector<16xf32>
        %get3A_664 = arith.index_cast %add3A_643 : i32 to index
        %get3A_665 = arith.constant 64 : index
        %get3A_666 = tpu.vector_load %arg6[%get3A_664, %get3A_665] {strides = array<i32>} : memref<196x128xf32, #tpu.memory_space<vmem>>, vector<1x16xf32>,
        %get3A_667 = vector.shape_cast %get3A_666 : vector<1x16xf32> to vector<16xf32>
        %add3A_668 = arith.addf %add3A_624, %get3A_667 : vector<16xf32>
        %get3A_669 = arith.index_cast %add3A_643 : i32 to index
        %get3A_670 = arith.constant 80 : index
        %get3A_671 = tpu.vector_load %arg6[%get3A_669, %get3A_670] {strides = array<i32>} : memref<196x128xf32, #tpu.memory_space<vmem>>, vector<1x16xf32>,
        %get3A_672 = vector.shape_cast %get3A_671 : vector<1x16xf32> to vector<16xf32>
        %add3A_673 = arith.addf %add3A_629, %get3A_672 : vector<16xf32>
        %get3A_674 = arith.index_cast %add3A_643 : i32 to index
        %get3A_675 = arith.constant 96 : index
        %get3A_676 = tpu.vector_load %arg6[%get3A_674, %get3A_675] {strides = array<i32>} : memref<196x128xf32, #tpu.memory_space<vmem>>, vector<1x16xf32>,
        %get3A_677 = vector.shape_cast %get3A_676 : vector<1x16xf32> to vector<16xf32>
        %add3A_678 = arith.addf %add3A_634, %get3A_677 : vector<16xf32>
        %get3A_679 = arith.index_cast %add3A_643 : i32 to index
        %get3A_680 = arith.constant 112 : index
        %get3A_681 = tpu.vector_load %arg6[%get3A_679, %get3A_680] {strides = array<i32>} : memref<196x128xf32, #tpu.memory_space<vmem>>, vector<1x16xf32>,
        %get3A_682 = vector.shape_cast %get3A_681 : vector<1x16xf32> to vector<16xf32>
        %add3A_683 = arith.addf %add3A_639, %get3A_682 : vector<16xf32>
        %mul3A_684 = arith.constant 7 : i32
        %mul3A_685 = arith.muli %scan3A_588, %mul3A_684 : i32
        %add3A_686 = arith.constant 2 : i32
        %add3A_687 = arith.addi %mul3A_685, %add3A_686 : i32
        %get3A_688 = arith.index_cast %add3A_687 : i32 to index
        %get3A_689 = arith.constant 0 : index
        %get3A_690 = tpu.vector_load %arg6[%get3A_688, %get3A_689] {strides = array<i32>} : memref<196x128xf32, #tpu.memory_space<vmem>>, vector<1x16xf32>,
        %get3A_691 = vector.shape_cast %get3A_690 : vector<1x16xf32> to vector<16xf32>
        %add3A_692 = arith.addf %add3A_648, %get3A_691 : vector<16xf32>
        %get3A_693 = arith.index_cast %add3A_687 : i32 to index
        %get3A_694 = arith.constant 16 : index
        %get3A_695 = tpu.vector_load %arg6[%get3A_693, %get3A_694] {strides = array<i32>} : memref<196x128xf32, #tpu.memory_space<vmem>>, vector<1x16xf32>,
        %get3A_696 = vector.shape_cast %get3A_695 : vector<1x16xf32> to vector<16xf32>
        %add3A_697 = arith.addf %add3A_653, %get3A_696 : vector<16xf32>
        %get3A_698 = arith.index_cast %add3A_687 : i32 to index
        %get3A_699 = arith.constant 32 : index
        %get3A_700 = tpu.vector_load %arg6[%get3A_698, %get3A_699] {strides = array<i32>} : memref<196x128xf32, #tpu.memory_space<vmem>>, vector<1x16xf32>,
        %get3A_701 = vector.shape_cast %get3A_700 : vector<1x16xf32> to vector<16xf32>
        %add3A_702 = arith.addf %add3A_658, %get3A_701 : vector<16xf32>
        %get3A_703 = arith.index_cast %add3A_687 : i32 to index
        %get3A_704 = arith.constant 48 : index
        %get3A_705 = tpu.vector_load %arg6[%get3A_703, %get3A_704] {strides = array<i32>} : memref<196x128xf32, #tpu.memory_space<vmem>>, vector<1x16xf32>,
        %get3A_706 = vector.shape_cast %get3A_705 : vector<1x16xf32> to vector<16xf32>
        %add3A_707 = arith.addf %add3A_663, %get3A_706 : vector<16xf32>
        %get3A_708 = arith.index_cast %add3A_687 : i32 to index
        %get3A_709 = arith.constant 64 : index
        %get3A_710 = tpu.vector_load %arg6[%get3A_708, %get3A_709] {strides = array<i32>} : memref<196x128xf32, #tpu.memory_space<vmem>>, vector<1x16xf32>,
        %get3A_711 = vector.shape_cast %get3A_710 : vector<1x16xf32> to vector<16xf32>
        %add3A_712 = arith.addf %add3A_668, %get3A_711 : vector<16xf32>
        %get3A_713 = arith.index_cast %add3A_687 : i32 to index
        %get3A_714 = arith.constant 80 : index
        %get3A_715 = tpu.vector_load %arg6[%get3A_713, %get3A_714] {strides = array<i32>} : memref<196x128xf32, #tpu.memory_space<vmem>>, vector<1x16xf32>,
        %get3A_716 = vector.shape_cast %get3A_715 : vector<1x16xf32> to vector<16xf32>
        %add3A_717 = arith.addf %add3A_673, %get3A_716 : vector<16xf32>
        %get3A_718 = arith.index_cast %add3A_687 : i32 to index
        %get3A_719 = arith.constant 96 : index
        %get3A_720 = tpu.vector_load %arg6[%get3A_718, %get3A_719] {strides = array<i32>} : memref<196x128xf32, #tpu.memory_space<vmem>>, vector<1x16xf32>,
        %get3A_721 = vector.shape_cast %get3A_720 : vector<1x16xf32> to vector<16xf32>
        %add3A_722 = arith.addf %add3A_678, %get3A_721 : vector<16xf32>
        %get3A_723 = arith.index_cast %add3A_687 : i32 to index
        %get3A_724 = arith.constant 112 : index
        %get3A_725 = tpu.vector_load %arg6[%get3A_723, %get3A_724] {strides = array<i32>} : memref<196x128xf32, #tpu.memory_space<vmem>>, vector<1x16xf32>,
        %get3A_726 = vector.shape_cast %get3A_725 : vector<1x16xf32> to vector<16xf32>
        %add3A_727 = arith.addf %add3A_683, %get3A_726 : vector<16xf32>
        %mul3A_728 = arith.constant 7 : i32
        %mul3A_729 = arith.muli %scan3A_588, %mul3A_728 : i32
        %add3A_730 = arith.constant 3 : i32
        %add3A_731 = arith.addi %mul3A_729, %add3A_730 : i32
        %get3A_732 = arith.index_cast %add3A_731 : i32 to index
        %get3A_733 = arith.constant 0 : index
        %get3A_734 = tpu.vector_load %arg6[%get3A_732, %get3A_733] {strides = array<i32>} : memref<196x128xf32, #tpu.memory_space<vmem>>, vector<1x16xf32>,
        %get3A_735 = vector.shape_cast %get3A_734 : vector<1x16xf32> to vector<16xf32>
        %add3A_736 = arith.addf %add3A_692, %get3A_735 : vector<16xf32>
        %get3A_737 = arith.index_cast %add3A_731 : i32 to index
        %get3A_738 = arith.constant 16 : index
        %get3A_739 = tpu.vector_load %arg6[%get3A_737, %get3A_738] {strides = array<i32>} : memref<196x128xf32, #tpu.memory_space<vmem>>, vector<1x16xf32>,
        %get3A_740 = vector.shape_cast %get3A_739 : vector<1x16xf32> to vector<16xf32>
        %add3A_741 = arith.addf %add3A_697, %get3A_740 : vector<16xf32>
        %get3A_742 = arith.index_cast %add3A_731 : i32 to index
        %get3A_743 = arith.constant 32 : index
        %get3A_744 = tpu.vector_load %arg6[%get3A_742, %get3A_743] {strides = array<i32>} : memref<196x128xf32, #tpu.memory_space<vmem>>, vector<1x16xf32>,
        %get3A_745 = vector.shape_cast %get3A_744 : vector<1x16xf32> to vector<16xf32>
        %add3A_746 = arith.addf %add3A_702, %get3A_745 : vector<16xf32>
        %get3A_747 = arith.index_cast %add3A_731 : i32 to index
        %get3A_748 = arith.constant 48 : index
        %get3A_749 = tpu.vector_load %arg6[%get3A_747, %get3A_748] {strides = array<i32>} : memref<196x128xf32, #tpu.memory_space<vmem>>, vector<1x16xf32>,
        %get3A_750 = vector.shape_cast %get3A_749 : vector<1x16xf32> to vector<16xf32>
        %add3A_751 = arith.addf %add3A_707, %get3A_750 : vector<16xf32>
        %get3A_752 = arith.index_cast %add3A_731 : i32 to index
        %get3A_753 = arith.constant 64 : index
        %get3A_754 = tpu.vector_load %arg6[%get3A_752, %get3A_753] {strides = array<i32>} : memref<196x128xf32, #tpu.memory_space<vmem>>, vector<1x16xf32>,
        %get3A_755 = vector.shape_cast %get3A_754 : vector<1x16xf32> to vector<16xf32>
        %add3A_756 = arith.addf %add3A_712, %get3A_755 : vector<16xf32>
        %get3A_757 = arith.index_cast %add3A_731 : i32 to index
        %get3A_758 = arith.constant 80 : index
        %get3A_759 = tpu.vector_load %arg6[%get3A_757, %get3A_758] {strides = array<i32>} : memref<196x128xf32, #tpu.memory_space<vmem>>, vector<1x16xf32>,
        %get3A_760 = vector.shape_cast %get3A_759 : vector<1x16xf32> to vector<16xf32>
        %add3A_761 = arith.addf %add3A_717, %get3A_760 : vector<16xf32>
        %get3A_762 = arith.index_cast %add3A_731 : i32 to index
        %get3A_763 = arith.constant 96 : index
        %get3A_764 = tpu.vector_load %arg6[%get3A_762, %get3A_763] {strides = array<i32>} : memref<196x128xf32, #tpu.memory_space<vmem>>, vector<1x16xf32>,
        %get3A_765 = vector.shape_cast %get3A_764 : vector<1x16xf32> to vector<16xf32>
        %add3A_766 = arith.addf %add3A_722, %get3A_765 : vector<16xf32>
        %get3A_767 = arith.index_cast %add3A_731 : i32 to index
        %get3A_768 = arith.constant 112 : index
        %get3A_769 = tpu.vector_load %arg6[%get3A_767, %get3A_768] {strides = array<i32>} : memref<196x128xf32, #tpu.memory_space<vmem>>, vector<1x16xf32>,
        %get3A_770 = vector.shape_cast %get3A_769 : vector<1x16xf32> to vector<16xf32>
        %add3A_771 = arith.addf %add3A_727, %get3A_770 : vector<16xf32>
        %mul3A_772 = arith.constant 7 : i32
        %mul3A_773 = arith.muli %scan3A_588, %mul3A_772 : i32
        %add3A_774 = arith.constant 4 : i32
        %add3A_775 = arith.addi %mul3A_773, %add3A_774 : i32
        %get3A_776 = arith.index_cast %add3A_775 : i32 to index
        %get3A_777 = arith.constant 0 : index
        %get3A_778 = tpu.vector_load %arg6[%get3A_776, %get3A_777] {strides = array<i32>} : memref<196x128xf32, #tpu.memory_space<vmem>>, vector<1x16xf32>,
        %get3A_779 = vector.shape_cast %get3A_778 : vector<1x16xf32> to vector<16xf32>
        %add3A_780 = arith.addf %add3A_736, %get3A_779 : vector<16xf32>
        %get3A_781 = arith.index_cast %add3A_775 : i32 to index
        %get3A_782 = arith.constant 16 : index
        %get3A_783 = tpu.vector_load %arg6[%get3A_781, %get3A_782] {strides = array<i32>} : memref<196x128xf32, #tpu.memory_space<vmem>>, vector<1x16xf32>,
        %get3A_784 = vector.shape_cast %get3A_783 : vector<1x16xf32> to vector<16xf32>
        %add3A_785 = arith.addf %add3A_741, %get3A_784 : vector<16xf32>
        %get3A_786 = arith.index_cast %add3A_775 : i32 to index
        %get3A_787 = arith.constant 32 : index
        %get3A_788 = tpu.vector_load %arg6[%get3A_786, %get3A_787] {strides = array<i32>} : memref<196x128xf32, #tpu.memory_space<vmem>>, vector<1x16xf32>,
        %get3A_789 = vector.shape_cast %get3A_788 : vector<1x16xf32> to vector<16xf32>
        %add3A_790 = arith.addf %add3A_746, %get3A_789 : vector<16xf32>
        %get3A_791 = arith.index_cast %add3A_775 : i32 to index
        %get3A_792 = arith.constant 48 : index
        %get3A_793 = tpu.vector_load %arg6[%get3A_791, %get3A_792] {strides = array<i32>} : memref<196x128xf32, #tpu.memory_space<vmem>>, vector<1x16xf32>,
        %get3A_794 = vector.shape_cast %get3A_793 : vector<1x16xf32> to vector<16xf32>
        %add3A_795 = arith.addf %add3A_751, %get3A_794 : vector<16xf32>
        %get3A_796 = arith.index_cast %add3A_775 : i32 to index
        %get3A_797 = arith.constant 64 : index
        %get3A_798 = tpu.vector_load %arg6[%get3A_796, %get3A_797] {strides = array<i32>} : memref<196x128xf32, #tpu.memory_space<vmem>>, vector<1x16xf32>,
        %get3A_799 = vector.shape_cast %get3A_798 : vector<1x16xf32> to vector<16xf32>
        %add3A_800 = arith.addf %add3A_756, %get3A_799 : vector<16xf32>
        %get3A_801 = arith.index_cast %add3A_775 : i32 to index
        %get3A_802 = arith.constant 80 : index
        %get3A_803 = tpu.vector_load %arg6[%get3A_801, %get3A_802] {strides = array<i32>} : memref<196x128xf32, #tpu.memory_space<vmem>>, vector<1x16xf32>,
        %get3A_804 = vector.shape_cast %get3A_803 : vector<1x16xf32> to vector<16xf32>
        %add3A_805 = arith.addf %add3A_761, %get3A_804 : vector<16xf32>
        %get3A_806 = arith.index_cast %add3A_775 : i32 to index
        %get3A_807 = arith.constant 96 : index
        %get3A_808 = tpu.vector_load %arg6[%get3A_806, %get3A_807] {strides = array<i32>} : memref<196x128xf32, #tpu.memory_space<vmem>>, vector<1x16xf32>,
        %get3A_809 = vector.shape_cast %get3A_808 : vector<1x16xf32> to vector<16xf32>
        %add3A_810 = arith.addf %add3A_766, %get3A_809 : vector<16xf32>
        %get3A_811 = arith.index_cast %add3A_775 : i32 to index
        %get3A_812 = arith.constant 112 : index
        %get3A_813 = tpu.vector_load %arg6[%get3A_811, %get3A_812] {strides = array<i32>} : memref<196x128xf32, #tpu.memory_space<vmem>>, vector<1x16xf32>,
        %get3A_814 = vector.shape_cast %get3A_813 : vector<1x16xf32> to vector<16xf32>
        %add3A_815 = arith.addf %add3A_771, %get3A_814 : vector<16xf32>
        %mul3A_816 = arith.constant 7 : i32
        %mul3A_817 = arith.muli %scan3A_588, %mul3A_816 : i32
        %add3A_818 = arith.constant 5 : i32
        %add3A_819 = arith.addi %mul3A_817, %add3A_818 : i32
        %get3A_820 = arith.index_cast %add3A_819 : i32 to index
        %get3A_821 = arith.constant 0 : index
        %get3A_822 = tpu.vector_load %arg6[%get3A_820, %get3A_821] {strides = array<i32>} : memref<196x128xf32, #tpu.memory_space<vmem>>, vector<1x16xf32>,
        %get3A_823 = vector.shape_cast %get3A_822 : vector<1x16xf32> to vector<16xf32>
        %add3A_824 = arith.addf %add3A_780, %get3A_823 : vector<16xf32>
        %get3A_825 = arith.index_cast %add3A_819 : i32 to index
        %get3A_826 = arith.constant 16 : index
        %get3A_827 = tpu.vector_load %arg6[%get3A_825, %get3A_826] {strides = array<i32>} : memref<196x128xf32, #tpu.memory_space<vmem>>, vector<1x16xf32>,
        %get3A_828 = vector.shape_cast %get3A_827 : vector<1x16xf32> to vector<16xf32>
        %add3A_829 = arith.addf %add3A_785, %get3A_828 : vector<16xf32>
        %get3A_830 = arith.index_cast %add3A_819 : i32 to index
        %get3A_831 = arith.constant 32 : index
        %get3A_832 = tpu.vector_load %arg6[%get3A_830, %get3A_831] {strides = array<i32>} : memref<196x128xf32, #tpu.memory_space<vmem>>, vector<1x16xf32>,
        %get3A_833 = vector.shape_cast %get3A_832 : vector<1x16xf32> to vector<16xf32>
        %add3A_834 = arith.addf %add3A_790, %get3A_833 : vector<16xf32>
        %get3A_835 = arith.index_cast %add3A_819 : i32 to index
        %get3A_836 = arith.constant 48 : index
        %get3A_837 = tpu.vector_load %arg6[%get3A_835, %get3A_836] {strides = array<i32>} : memref<196x128xf32, #tpu.memory_space<vmem>>, vector<1x16xf32>,
        %get3A_838 = vector.shape_cast %get3A_837 : vector<1x16xf32> to vector<16xf32>
        %add3A_839 = arith.addf %add3A_795, %get3A_838 : vector<16xf32>
        %get3A_840 = arith.index_cast %add3A_819 : i32 to index
        %get3A_841 = arith.constant 64 : index
        %get3A_842 = tpu.vector_load %arg6[%get3A_840, %get3A_841] {strides = array<i32>} : memref<196x128xf32, #tpu.memory_space<vmem>>, vector<1x16xf32>,
        %get3A_843 = vector.shape_cast %get3A_842 : vector<1x16xf32> to vector<16xf32>
        %add3A_844 = arith.addf %add3A_800, %get3A_843 : vector<16xf32>
        %get3A_845 = arith.index_cast %add3A_819 : i32 to index
        %get3A_846 = arith.constant 80 : index
        %get3A_847 = tpu.vector_load %arg6[%get3A_845, %get3A_846] {strides = array<i32>} : memref<196x128xf32, #tpu.memory_space<vmem>>, vector<1x16xf32>,
        %get3A_848 = vector.shape_cast %get3A_847 : vector<1x16xf32> to vector<16xf32>
        %add3A_849 = arith.addf %add3A_805, %get3A_848 : vector<16xf32>
        %get3A_850 = arith.index_cast %add3A_819 : i32 to index
        %get3A_851 = arith.constant 96 : index
        %get3A_852 = tpu.vector_load %arg6[%get3A_850, %get3A_851] {strides = array<i32>} : memref<196x128xf32, #tpu.memory_space<vmem>>, vector<1x16xf32>,
        %get3A_853 = vector.shape_cast %get3A_852 : vector<1x16xf32> to vector<16xf32>
        %add3A_854 = arith.addf %add3A_810, %get3A_853 : vector<16xf32>
        %get3A_855 = arith.index_cast %add3A_819 : i32 to index
        %get3A_856 = arith.constant 112 : index
        %get3A_857 = tpu.vector_load %arg6[%get3A_855, %get3A_856] {strides = array<i32>} : memref<196x128xf32, #tpu.memory_space<vmem>>, vector<1x16xf32>,
        %get3A_858 = vector.shape_cast %get3A_857 : vector<1x16xf32> to vector<16xf32>
        %add3A_859 = arith.addf %add3A_815, %get3A_858 : vector<16xf32>
        %mul3A_860 = arith.constant 7 : i32
        %mul3A_861 = arith.muli %scan3A_588, %mul3A_860 : i32
        %add3A_862 = arith.constant 6 : i32
        %add3A_863 = arith.addi %mul3A_861, %add3A_862 : i32
        %get3A_864 = arith.index_cast %add3A_863 : i32 to index
        %get3A_865 = arith.constant 0 : index
        %get3A_866 = tpu.vector_load %arg6[%get3A_864, %get3A_865] {strides = array<i32>} : memref<196x128xf32, #tpu.memory_space<vmem>>, vector<1x16xf32>,
        %get3A_867 = vector.shape_cast %get3A_866 : vector<1x16xf32> to vector<16xf32>
        %add3A_868 = arith.addf %add3A_824, %get3A_867 : vector<16xf32>
        %get3A_869 = arith.index_cast %add3A_863 : i32 to index
        %get3A_870 = arith.constant 16 : index
        %get3A_871 = tpu.vector_load %arg6[%get3A_869, %get3A_870] {strides = array<i32>} : memref<196x128xf32, #tpu.memory_space<vmem>>, vector<1x16xf32>,
        %get3A_872 = vector.shape_cast %get3A_871 : vector<1x16xf32> to vector<16xf32>
        %add3A_873 = arith.addf %add3A_829, %get3A_872 : vector<16xf32>
        %get3A_874 = arith.index_cast %add3A_863 : i32 to index
        %get3A_875 = arith.constant 32 : index
        %get3A_876 = tpu.vector_load %arg6[%get3A_874, %get3A_875] {strides = array<i32>} : memref<196x128xf32, #tpu.memory_space<vmem>>, vector<1x16xf32>,
        %get3A_877 = vector.shape_cast %get3A_876 : vector<1x16xf32> to vector<16xf32>
        %add3A_878 = arith.addf %add3A_834, %get3A_877 : vector<16xf32>
        %get3A_879 = arith.index_cast %add3A_863 : i32 to index
        %get3A_880 = arith.constant 48 : index
        %get3A_881 = tpu.vector_load %arg6[%get3A_879, %get3A_880] {strides = array<i32>} : memref<196x128xf32, #tpu.memory_space<vmem>>, vector<1x16xf32>,
        %get3A_882 = vector.shape_cast %get3A_881 : vector<1x16xf32> to vector<16xf32>
        %add3A_883 = arith.addf %add3A_839, %get3A_882 : vector<16xf32>
        %get3A_884 = arith.index_cast %add3A_863 : i32 to index
        %get3A_885 = arith.constant 64 : index
        %get3A_886 = tpu.vector_load %arg6[%get3A_884, %get3A_885] {strides = array<i32>} : memref<196x128xf32, #tpu.memory_space<vmem>>, vector<1x16xf32>,
        %get3A_887 = vector.shape_cast %get3A_886 : vector<1x16xf32> to vector<16xf32>
        %add3A_888 = arith.addf %add3A_844, %get3A_887 : vector<16xf32>
        %get3A_889 = arith.index_cast %add3A_863 : i32 to index
        %get3A_890 = arith.constant 80 : index
        %get3A_891 = tpu.vector_load %arg6[%get3A_889, %get3A_890] {strides = array<i32>} : memref<196x128xf32, #tpu.memory_space<vmem>>, vector<1x16xf32>,
        %get3A_892 = vector.shape_cast %get3A_891 : vector<1x16xf32> to vector<16xf32>
        %add3A_893 = arith.addf %add3A_849, %get3A_892 : vector<16xf32>
        %get3A_894 = arith.index_cast %add3A_863 : i32 to index
        %get3A_895 = arith.constant 96 : index
        %get3A_896 = tpu.vector_load %arg6[%get3A_894, %get3A_895] {strides = array<i32>} : memref<196x128xf32, #tpu.memory_space<vmem>>, vector<1x16xf32>,
        %get3A_897 = vector.shape_cast %get3A_896 : vector<1x16xf32> to vector<16xf32>
        %add3A_898 = arith.addf %add3A_854, %get3A_897 : vector<16xf32>
        %get3A_899 = arith.index_cast %add3A_863 : i32 to index
        %get3A_900 = arith.constant 112 : index
        %get3A_901 = tpu.vector_load %arg6[%get3A_899, %get3A_900] {strides = array<i32>} : memref<196x128xf32, #tpu.memory_space<vmem>>, vector<1x16xf32>,
        %get3A_902 = vector.shape_cast %get3A_901 : vector<1x16xf32> to vector<16xf32>
        %add3A_903 = arith.addf %add3A_859, %get3A_902 : vector<16xf32>
        scf.yield %add3A_868, %add3A_873, %add3A_878, %add3A_883, %add3A_888, %add3A_893, %add3A_898, %add3A_903 : vector<16xf32>, vector<16xf32>, vector<16xf32>, vector<16xf32>, vector<16xf32>, vector<16xf32>, vector<16xf32>, vector<16xf32>
      }
      %scan3A_248 = arith.constant 28 : i32
      %mul3A_249 = arith.constant 0.00510204071 : f32
      %mul3A_250 = vector.broadcast %mul3A_249 : f32 to vector<16xf32>
      %mul3A_251 = arith.mulf %scan3A_247#0, %mul3A_250 : vector<16xf32>
      %swap3A_252 = arith.constant 256 : index
      %swap3A_253 = tpu.vector_load %arg8[%swap3A_252] {strides = array<i32>} : memref<768xf32, #tpu.memory_space<vmem>>, vector<16xf32>,
      %swap3A_254 = vector.shape_cast %swap3A_253 : vector<16xf32> to vector<16xf32>
      %swap3A_255 = vector.shape_cast %mul3A_251 : vector<16xf32> to vector<16xf32>
      tpu.vector_store %arg8[%swap3A_252], %swap3A_255 {strides = array<i32>} : memref<768xf32, #tpu.memory_space<vmem>>, vector<16xf32>,
      %mul3A_256 = arith.constant 0.00510204071 : f32
      %mul3A_257 = vector.broadcast %mul3A_256 : f32 to vector<16xf32>
      %mul3A_258 = arith.mulf %scan3A_247#1, %mul3A_257 : vector<16xf32>
      %swap3A_259 = arith.constant 272 : index
      %swap3A_260 = tpu.vector_load %arg8[%swap3A_259] {strides = array<i32>} : memref<768xf32, #tpu.memory_space<vmem>>, vector<16xf32>,
      %swap3A_261 = vector.shape_cast %swap3A_260 : vector<16xf32> to vector<16xf32>
      %swap3A_262 = vector.shape_cast %mul3A_258 : vector<16xf32> to vector<16xf32>
      tpu.vector_store %arg8[%swap3A_259], %swap3A_262 {strides = array<i32>} : memref<768xf32, #tpu.memory_space<vmem>>, vector<16xf32>,
      %mul3A_263 = arith.constant 0.00510204071 : f32
      %mul3A_264 = vector.broadcast %mul3A_263 : f32 to vector<16xf32>
      %mul3A_265 = arith.mulf %scan3A_247#2, %mul3A_264 : vector<16xf32>
      %swap3A_266 = arith.constant 288 : index
      %swap3A_267 = tpu.vector_load %arg8[%swap3A_266] {strides = array<i32>} : memref<768xf32, #tpu.memory_space<vmem>>, vector<16xf32>,
      %swap3A_268 = vector.shape_cast %swap3A_267 : vector<16xf32> to vector<16xf32>
      %swap3A_269 = vector.shape_cast %mul3A_265 : vector<16xf32> to vector<16xf32>
      tpu.vector_store %arg8[%swap3A_266], %swap3A_269 {strides = array<i32>} : memref<768xf32, #tpu.memory_space<vmem>>, vector<16xf32>,
      %mul3A_270 = arith.constant 0.00510204071 : f32
      %mul3A_271 = vector.broadcast %mul3A_270 : f32 to vector<16xf32>
      %mul3A_272 = arith.mulf %scan3A_247#3, %mul3A_271 : vector<16xf32>
      %swap3A_273 = arith.constant 304 : index
      %swap3A_274 = tpu.vector_load %arg8[%swap3A_273] {strides = array<i32>} : memref<768xf32, #tpu.memory_space<vmem>>, vector<16xf32>,
      %swap3A_275 = vector.shape_cast %swap3A_274 : vector<16xf32> to vector<16xf32>
      %swap3A_276 = vector.shape_cast %mul3A_272 : vector<16xf32> to vector<16xf32>
      tpu.vector_store %arg8[%swap3A_273], %swap3A_276 {strides = array<i32>} : memref<768xf32, #tpu.memory_space<vmem>>, vector<16xf32>,
      %mul3A_277 = arith.constant 0.00510204071 : f32
      %mul3A_278 = vector.broadcast %mul3A_277 : f32 to vector<16xf32>
      %mul3A_279 = arith.mulf %scan3A_247#4, %mul3A_278 : vector<16xf32>
      %swap3A_280 = arith.constant 320 : index
      %swap3A_281 = tpu.vector_load %arg8[%swap3A_280] {strides = array<i32>} : memref<768xf32, #tpu.memory_space<vmem>>, vector<16xf32>,
      %swap3A_282 = vector.shape_cast %swap3A_281 : vector<16xf32> to vector<16xf32>
      %swap3A_283 = vector.shape_cast %mul3A_279 : vector<16xf32> to vector<16xf32>
      tpu.vector_store %arg8[%swap3A_280], %swap3A_283 {strides = array<i32>} : memref<768xf32, #tpu.memory_space<vmem>>, vector<16xf32>,
      %mul3A_284 = arith.constant 0.00510204071 : f32
      %mul3A_285 = vector.broadcast %mul3A_284 : f32 to vector<16xf32>
      %mul3A_286 = arith.mulf %scan3A_247#5, %mul3A_285 : vector<16xf32>
      %swap3A_287 = arith.constant 336 : index
      %swap3A_288 = tpu.vector_load %arg8[%swap3A_287] {strides = array<i32>} : memref<768xf32, #tpu.memory_space<vmem>>, vector<16xf32>,
      %swap3A_289 = vector.shape_cast %swap3A_288 : vector<16xf32> to vector<16xf32>
      %swap3A_290 = vector.shape_cast %mul3A_286 : vector<16xf32> to vector<16xf32>
      tpu.vector_store %arg8[%swap3A_287], %swap3A_290 {strides = array<i32>} : memref<768xf32, #tpu.memory_space<vmem>>, vector<16xf32>,
      %mul3A_291 = arith.constant 0.00510204071 : f32
      %mul3A_292 = vector.broadcast %mul3A_291 : f32 to vector<16xf32>
      %mul3A_293 = arith.mulf %scan3A_247#6, %mul3A_292 : vector<16xf32>
      %swap3A_294 = arith.constant 352 : index
      %swap3A_295 = tpu.vector_load %arg8[%swap3A_294] {strides = array<i32>} : memref<768xf32, #tpu.memory_space<vmem>>, vector<16xf32>,
      %swap3A_296 = vector.shape_cast %swap3A_295 : vector<16xf32> to vector<16xf32>
      %swap3A_297 = vector.shape_cast %mul3A_293 : vector<16xf32> to vector<16xf32>
      tpu.vector_store %arg8[%swap3A_294], %swap3A_297 {strides = array<i32>} : memref<768xf32, #tpu.memory_space<vmem>>, vector<16xf32>,
      %mul3A_298 = arith.constant 0.00510204071 : f32
      %mul3A_299 = vector.broadcast %mul3A_298 : f32 to vector<16xf32>
      %mul3A_300 = arith.mulf %scan3A_247#7, %mul3A_299 : vector<16xf32>
      %swap3A_301 = arith.constant 368 : index
      %swap3A_302 = tpu.vector_load %arg8[%swap3A_301] {strides = array<i32>} : memref<768xf32, #tpu.memory_space<vmem>>, vector<16xf32>,
      %swap3A_303 = vector.shape_cast %swap3A_302 : vector<16xf32> to vector<16xf32>
      %swap3A_304 = vector.shape_cast %mul3A_300 : vector<16xf32> to vector<16xf32>
      tpu.vector_store %arg8[%swap3A_301], %swap3A_304 {strides = array<i32>} : memref<768xf32, #tpu.memory_space<vmem>>, vector<16xf32>,
      %add3A_305 = arith.addi %mul3A_2, %scan3A_18 : i32
      %dma_wait3A_306 = arith.constant 0 : i32
      %dma_wait3A_307 = arith.constant 384 : i32
      %dma_wait3A_308 = tpu.memref_slice %arg2[%add3A_305, %dma_wait3A_306, %dma_wait3A_307] : memref<512x196x768xf32, #tpu.memory_space<hbm>> -> memref<1x196x128xf32, #tpu.memory_space<hbm>>
      %dma_wait3A_309 = tpu.memref_squeeze %dma_wait3A_308 : memref<1x196x128xf32, #tpu.memory_space<hbm>> -> memref<196x128xf32, #tpu.memory_space<hbm>>
      %dma_wait3A_310 = arith.constant 0 : i32
      %dma_wait3A_311 = arith.constant 384 : i32
      %dma_wait3A_312 = tpu.memref_slice %arg2[%add3A_305, %dma_wait3A_310, %dma_wait3A_311] : memref<512x196x768xf32, #tpu.memory_space<hbm>> -> memref<1x196x128xf32, #tpu.memory_space<hbm>>
      %dma_wait3A_313 = tpu.memref_squeeze %dma_wait3A_312 : memref<1x196x128xf32, #tpu.memory_space<hbm>> -> memref<196x128xf32, #tpu.memory_space<hbm>>
      tpu.wait_dma2 semaphore(%arg11 : memref<!tpu.dma_semaphore, #tpu.memory_space<semaphore_mem>>) src(%dma_wait3A_313 : memref<196x128xf32, #tpu.memory_space<hbm>>) dst(%arg7 : memref<196x128xf32, #tpu.memory_space<vmem>>)
      %add3A_314 = arith.addi %mul3A_2, %scan3A_18 : i32
      %dma_start3A_315 = arith.constant 0 : i32
      %dma_start3A_316 = arith.constant 512 : i32
      %dma_start3A_317 = tpu.memref_slice %arg2[%add3A_314, %dma_start3A_315, %dma_start3A_316] : memref<512x196x768xf32, #tpu.memory_space<hbm>> -> memref<1x196x128xf32, #tpu.memory_space<hbm>>
      %dma_start3A_318 = tpu.memref_squeeze %dma_start3A_317 : memref<1x196x128xf32, #tpu.memory_space<hbm>> -> memref<196x128xf32, #tpu.memory_space<hbm>>
      %dma_start3A_319 = arith.constant 0 : i32
      %dma_start3A_320 = arith.constant 512 : i32
      %dma_start3A_321 = tpu.memref_slice %arg2[%add3A_314, %dma_start3A_319, %dma_start3A_320] : memref<512x196x768xf32, #tpu.memory_space<hbm>> -> memref<1x196x128xf32, #tpu.memory_space<hbm>>
      %dma_start3A_322 = tpu.memref_squeeze %dma_start3A_321 : memref<1x196x128xf32, #tpu.memory_space<hbm>> -> memref<196x128xf32, #tpu.memory_space<hbm>>
      tpu.enqueue_dma source(%dma_start3A_322 : memref<196x128xf32, #tpu.memory_space<hbm>>) target(%arg6 : memref<196x128xf32, #tpu.memory_space<vmem>>) target_semaphore(%arg10 : memref<!tpu.dma_semaphore, #tpu.memory_space<semaphore_mem>>)
      %broadcast_in_dim3A_323 = arith.constant 0.000000e+00 : f32
      %broadcast_in_dim3A_324 = vector.broadcast %broadcast_in_dim3A_323 : f32 to vector<16xf32>
      %broadcast_in_dim3A_325 = arith.constant 0.000000e+00 : f32
      %broadcast_in_dim3A_326 = vector.broadcast %broadcast_in_dim3A_325 : f32 to vector<16xf32>
      %broadcast_in_dim3A_327 = arith.constant 0.000000e+00 : f32
      %broadcast_in_dim3A_328 = vector.broadcast %broadcast_in_dim3A_327 : f32 to vector<16xf32>
      %broadcast_in_dim3A_329 = arith.constant 0.000000e+00 : f32
      %broadcast_in_dim3A_330 = vector.broadcast %broadcast_in_dim3A_329 : f32 to vector<16xf32>
      %broadcast_in_dim3A_331 = arith.constant 0.000000e+00 : f32
      %broadcast_in_dim3A_332 = vector.broadcast %broadcast_in_dim3A_331 : f32 to vector<16xf32>
      %broadcast_in_dim3A_333 = arith.constant 0.000000e+00 : f32
      %broadcast_in_dim3A_334 = vector.broadcast %broadcast_in_dim3A_333 : f32 to vector<16xf32>
      %broadcast_in_dim3A_335 = arith.constant 0.000000e+00 : f32
      %broadcast_in_dim3A_336 = vector.broadcast %broadcast_in_dim3A_335 : f32 to vector<16xf32>
      %broadcast_in_dim3A_337 = arith.constant 0.000000e+00 : f32
      %broadcast_in_dim3A_338 = vector.broadcast %broadcast_in_dim3A_337 : f32 to vector<16xf32>
      %scan3A_339 = arith.constant 0 : i32
      %scan3A_340 = arith.constant 28 : i32
      %scan3A_341 = arith.addi %scan3A_339, %scan3A_340 : i32
      %scan3A_342 = arith.constant 1 : i32
      %scan3A_343:8 = scf.for %scan3A_588 = %scan3A_339 to %scan3A_341 step %scan3A_342 iter_args(%scan3A_589 = %broadcast_in_dim3A_324, %scan3A_590 = %broadcast_in_dim3A_326, %scan3A_591 = %broadcast_in_dim3A_328, %scan3A_592 = %broadcast_in_dim3A_330, %scan3A_593 = %broadcast_in_dim3A_332, %scan3A_594 = %broadcast_in_dim3A_334, %scan3A_595 = %broadcast_in_dim3A_336, %scan3A_596 = %broadcast_in_dim3A_338) -> (vector<16xf32>, vector<16xf32>, vector<16xf32>, vector<16xf32>, vector<16xf32>, vector<16xf32>, vector<16xf32>, vector<16xf32>)  : i32 {
        %mul3A_597 = arith.constant 7 : i32
        %mul3A_598 = arith.muli %scan3A_588, %mul3A_597 : i32
        %add3A_599 = arith.constant 0 : i32
        %add3A_600 = arith.addi %mul3A_598, %add3A_599 : i32
        %get3A = arith.index_cast %add3A_600 : i32 to index
        %get3A_601 = arith.constant 0 : index
        %get3A_602 = tpu.vector_load %arg7[%get3A, %get3A_601] {strides = array<i32>} : memref<196x128xf32, #tpu.memory_space<vmem>>, vector<1x16xf32>,
        %get3A_603 = vector.shape_cast %get3A_602 : vector<1x16xf32> to vector<16xf32>
        %add3A_604 = arith.addf %scan3A_589, %get3A_603 : vector<16xf32>
        %get3A_605 = arith.index_cast %add3A_600 : i32 to index
        %get3A_606 = arith.constant 16 : index
        %get3A_607 = tpu.vector_load %arg7[%get3A_605, %get3A_606] {strides = array<i32>} : memref<196x128xf32, #tpu.memory_space<vmem>>, vector<1x16xf32>,
        %get3A_608 = vector.shape_cast %get3A_607 : vector<1x16xf32> to vector<16xf32>
        %add3A_609 = arith.addf %scan3A_590, %get3A_608 : vector<16xf32>
        %get3A_610 = arith.index_cast %add3A_600 : i32 to index
        %get3A_611 = arith.constant 32 : index
        %get3A_612 = tpu.vector_load %arg7[%get3A_610, %get3A_611] {strides = array<i32>} : memref<196x128xf32, #tpu.memory_space<vmem>>, vector<1x16xf32>,
        %get3A_613 = vector.shape_cast %get3A_612 : vector<1x16xf32> to vector<16xf32>
        %add3A_614 = arith.addf %scan3A_591, %get3A_613 : vector<16xf32>
        %get3A_615 = arith.index_cast %add3A_600 : i32 to index
        %get3A_616 = arith.constant 48 : index
        %get3A_617 = tpu.vector_load %arg7[%get3A_615, %get3A_616] {strides = array<i32>} : memref<196x128xf32, #tpu.memory_space<vmem>>, vector<1x16xf32>,
        %get3A_618 = vector.shape_cast %get3A_617 : vector<1x16xf32> to vector<16xf32>
        %add3A_619 = arith.addf %scan3A_592, %get3A_618 : vector<16xf32>
        %get3A_620 = arith.index_cast %add3A_600 : i32 to index
        %get3A_621 = arith.constant 64 : index
        %get3A_622 = tpu.vector_load %arg7[%get3A_620, %get3A_621] {strides = array<i32>} : memref<196x128xf32, #tpu.memory_space<vmem>>, vector<1x16xf32>,
        %get3A_623 = vector.shape_cast %get3A_622 : vector<1x16xf32> to vector<16xf32>
        %add3A_624 = arith.addf %scan3A_593, %get3A_623 : vector<16xf32>
        %get3A_625 = arith.index_cast %add3A_600 : i32 to index
        %get3A_626 = arith.constant 80 : index
        %get3A_627 = tpu.vector_load %arg7[%get3A_625, %get3A_626] {strides = array<i32>} : memref<196x128xf32, #tpu.memory_space<vmem>>, vector<1x16xf32>,
        %get3A_628 = vector.shape_cast %get3A_627 : vector<1x16xf32> to vector<16xf32>
        %add3A_629 = arith.addf %scan3A_594, %get3A_628 : vector<16xf32>
        %get3A_630 = arith.index_cast %add3A_600 : i32 to index
        %get3A_631 = arith.constant 96 : index
        %get3A_632 = tpu.vector_load %arg7[%get3A_630, %get3A_631] {strides = array<i32>} : memref<196x128xf32, #tpu.memory_space<vmem>>, vector<1x16xf32>,
        %get3A_633 = vector.shape_cast %get3A_632 : vector<1x16xf32> to vector<16xf32>
        %add3A_634 = arith.addf %scan3A_595, %get3A_633 : vector<16xf32>
        %get3A_635 = arith.index_cast %add3A_600 : i32 to index
        %get3A_636 = arith.constant 112 : index
        %get3A_637 = tpu.vector_load %arg7[%get3A_635, %get3A_636] {strides = array<i32>} : memref<196x128xf32, #tpu.memory_space<vmem>>, vector<1x16xf32>,
        %get3A_638 = vector.shape_cast %get3A_637 : vector<1x16xf32> to vector<16xf32>
        %add3A_639 = arith.addf %scan3A_596, %get3A_638 : vector<16xf32>
        %mul3A_640 = arith.constant 7 : i32
        %mul3A_641 = arith.muli %scan3A_588, %mul3A_640 : i32
        %add3A_642 = arith.constant 1 : i32
        %add3A_643 = arith.addi %mul3A_641, %add3A_642 : i32
        %get3A_644 = arith.index_cast %add3A_643 : i32 to index
        %get3A_645 = arith.constant 0 : index
        %get3A_646 = tpu.vector_load %arg7[%get3A_644, %get3A_645] {strides = array<i32>} : memref<196x128xf32, #tpu.memory_space<vmem>>, vector<1x16xf32>,
        %get3A_647 = vector.shape_cast %get3A_646 : vector<1x16xf32> to vector<16xf32>
        %add3A_648 = arith.addf %add3A_604, %get3A_647 : vector<16xf32>
        %get3A_649 = arith.index_cast %add3A_643 : i32 to index
        %get3A_650 = arith.constant 16 : index
        %get3A_651 = tpu.vector_load %arg7[%get3A_649, %get3A_650] {strides = array<i32>} : memref<196x128xf32, #tpu.memory_space<vmem>>, vector<1x16xf32>,
        %get3A_652 = vector.shape_cast %get3A_651 : vector<1x16xf32> to vector<16xf32>
        %add3A_653 = arith.addf %add3A_609, %get3A_652 : vector<16xf32>
        %get3A_654 = arith.index_cast %add3A_643 : i32 to index
        %get3A_655 = arith.constant 32 : index
        %get3A_656 = tpu.vector_load %arg7[%get3A_654, %get3A_655] {strides = array<i32>} : memref<196x128xf32, #tpu.memory_space<vmem>>, vector<1x16xf32>,
        %get3A_657 = vector.shape_cast %get3A_656 : vector<1x16xf32> to vector<16xf32>
        %add3A_658 = arith.addf %add3A_614, %get3A_657 : vector<16xf32>
        %get3A_659 = arith.index_cast %add3A_643 : i32 to index
        %get3A_660 = arith.constant 48 : index
        %get3A_661 = tpu.vector_load %arg7[%get3A_659, %get3A_660] {strides = array<i32>} : memref<196x128xf32, #tpu.memory_space<vmem>>, vector<1x16xf32>,
        %get3A_662 = vector.shape_cast %get3A_661 : vector<1x16xf32> to vector<16xf32>
        %add3A_663 = arith.addf %add3A_619, %get3A_662 : vector<16xf32>
        %get3A_664 = arith.index_cast %add3A_643 : i32 to index
        %get3A_665 = arith.constant 64 : index
        %get3A_666 = tpu.vector_load %arg7[%get3A_664, %get3A_665] {strides = array<i32>} : memref<196x128xf32, #tpu.memory_space<vmem>>, vector<1x16xf32>,
        %get3A_667 = vector.shape_cast %get3A_666 : vector<1x16xf32> to vector<16xf32>
        %add3A_668 = arith.addf %add3A_624, %get3A_667 : vector<16xf32>
        %get3A_669 = arith.index_cast %add3A_643 : i32 to index
        %get3A_670 = arith.constant 80 : index
        %get3A_671 = tpu.vector_load %arg7[%get3A_669, %get3A_670] {strides = array<i32>} : memref<196x128xf32, #tpu.memory_space<vmem>>, vector<1x16xf32>,
        %get3A_672 = vector.shape_cast %get3A_671 : vector<1x16xf32> to vector<16xf32>
        %add3A_673 = arith.addf %add3A_629, %get3A_672 : vector<16xf32>
        %get3A_674 = arith.index_cast %add3A_643 : i32 to index
        %get3A_675 = arith.constant 96 : index
        %get3A_676 = tpu.vector_load %arg7[%get3A_674, %get3A_675] {strides = array<i32>} : memref<196x128xf32, #tpu.memory_space<vmem>>, vector<1x16xf32>,
        %get3A_677 = vector.shape_cast %get3A_676 : vector<1x16xf32> to vector<16xf32>
        %add3A_678 = arith.addf %add3A_634, %get3A_677 : vector<16xf32>
        %get3A_679 = arith.index_cast %add3A_643 : i32 to index
        %get3A_680 = arith.constant 112 : index
        %get3A_681 = tpu.vector_load %arg7[%get3A_679, %get3A_680] {strides = array<i32>} : memref<196x128xf32, #tpu.memory_space<vmem>>, vector<1x16xf32>,
        %get3A_682 = vector.shape_cast %get3A_681 : vector<1x16xf32> to vector<16xf32>
        %add3A_683 = arith.addf %add3A_639, %get3A_682 : vector<16xf32>
        %mul3A_684 = arith.constant 7 : i32
        %mul3A_685 = arith.muli %scan3A_588, %mul3A_684 : i32
        %add3A_686 = arith.constant 2 : i32
        %add3A_687 = arith.addi %mul3A_685, %add3A_686 : i32
        %get3A_688 = arith.index_cast %add3A_687 : i32 to index
        %get3A_689 = arith.constant 0 : index
        %get3A_690 = tpu.vector_load %arg7[%get3A_688, %get3A_689] {strides = array<i32>} : memref<196x128xf32, #tpu.memory_space<vmem>>, vector<1x16xf32>,
        %get3A_691 = vector.shape_cast %get3A_690 : vector<1x16xf32> to vector<16xf32>
        %add3A_692 = arith.addf %add3A_648, %get3A_691 : vector<16xf32>
        %get3A_693 = arith.index_cast %add3A_687 : i32 to index
        %get3A_694 = arith.constant 16 : index
        %get3A_695 = tpu.vector_load %arg7[%get3A_693, %get3A_694] {strides = array<i32>} : memref<196x128xf32, #tpu.memory_space<vmem>>, vector<1x16xf32>,
        %get3A_696 = vector.shape_cast %get3A_695 : vector<1x16xf32> to vector<16xf32>
        %add3A_697 = arith.addf %add3A_653, %get3A_696 : vector<16xf32>
        %get3A_698 = arith.index_cast %add3A_687 : i32 to index
        %get3A_699 = arith.constant 32 : index
        %get3A_700 = tpu.vector_load %arg7[%get3A_698, %get3A_699] {strides = array<i32>} : memref<196x128xf32, #tpu.memory_space<vmem>>, vector<1x16xf32>,
        %get3A_701 = vector.shape_cast %get3A_700 : vector<1x16xf32> to vector<16xf32>
        %add3A_702 = arith.addf %add3A_658, %get3A_701 : vector<16xf32>
        %get3A_703 = arith.index_cast %add3A_687 : i32 to index
        %get3A_704 = arith.constant 48 : index
        %get3A_705 = tpu.vector_load %arg7[%get3A_703, %get3A_704] {strides = array<i32>} : memref<196x128xf32, #tpu.memory_space<vmem>>, vector<1x16xf32>,
        %get3A_706 = vector.shape_cast %get3A_705 : vector<1x16xf32> to vector<16xf32>
        %add3A_707 = arith.addf %add3A_663, %get3A_706 : vector<16xf32>
        %get3A_708 = arith.index_cast %add3A_687 : i32 to index
        %get3A_709 = arith.constant 64 : index
        %get3A_710 = tpu.vector_load %arg7[%get3A_708, %get3A_709] {strides = array<i32>} : memref<196x128xf32, #tpu.memory_space<vmem>>, vector<1x16xf32>,
        %get3A_711 = vector.shape_cast %get3A_710 : vector<1x16xf32> to vector<16xf32>
        %add3A_712 = arith.addf %add3A_668, %get3A_711 : vector<16xf32>
        %get3A_713 = arith.index_cast %add3A_687 : i32 to index
        %get3A_714 = arith.constant 80 : index
        %get3A_715 = tpu.vector_load %arg7[%get3A_713, %get3A_714] {strides = array<i32>} : memref<196x128xf32, #tpu.memory_space<vmem>>, vector<1x16xf32>,
        %get3A_716 = vector.shape_cast %get3A_715 : vector<1x16xf32> to vector<16xf32>
        %add3A_717 = arith.addf %add3A_673, %get3A_716 : vector<16xf32>
        %get3A_718 = arith.index_cast %add3A_687 : i32 to index
        %get3A_719 = arith.constant 96 : index
        %get3A_720 = tpu.vector_load %arg7[%get3A_718, %get3A_719] {strides = array<i32>} : memref<196x128xf32, #tpu.memory_space<vmem>>, vector<1x16xf32>,
        %get3A_721 = vector.shape_cast %get3A_720 : vector<1x16xf32> to vector<16xf32>
        %add3A_722 = arith.addf %add3A_678, %get3A_721 : vector<16xf32>
        %get3A_723 = arith.index_cast %add3A_687 : i32 to index
        %get3A_724 = arith.constant 112 : index
        %get3A_725 = tpu.vector_load %arg7[%get3A_723, %get3A_724] {strides = array<i32>} : memref<196x128xf32, #tpu.memory_space<vmem>>, vector<1x16xf32>,
        %get3A_726 = vector.shape_cast %get3A_725 : vector<1x16xf32> to vector<16xf32>
        %add3A_727 = arith.addf %add3A_683, %get3A_726 : vector<16xf32>
        %mul3A_728 = arith.constant 7 : i32
        %mul3A_729 = arith.muli %scan3A_588, %mul3A_728 : i32
        %add3A_730 = arith.constant 3 : i32
        %add3A_731 = arith.addi %mul3A_729, %add3A_730 : i32
        %get3A_732 = arith.index_cast %add3A_731 : i32 to index
        %get3A_733 = arith.constant 0 : index
        %get3A_734 = tpu.vector_load %arg7[%get3A_732, %get3A_733] {strides = array<i32>} : memref<196x128xf32, #tpu.memory_space<vmem>>, vector<1x16xf32>,
        %get3A_735 = vector.shape_cast %get3A_734 : vector<1x16xf32> to vector<16xf32>
        %add3A_736 = arith.addf %add3A_692, %get3A_735 : vector<16xf32>
        %get3A_737 = arith.index_cast %add3A_731 : i32 to index
        %get3A_738 = arith.constant 16 : index
        %get3A_739 = tpu.vector_load %arg7[%get3A_737, %get3A_738] {strides = array<i32>} : memref<196x128xf32, #tpu.memory_space<vmem>>, vector<1x16xf32>,
        %get3A_740 = vector.shape_cast %get3A_739 : vector<1x16xf32> to vector<16xf32>
        %add3A_741 = arith.addf %add3A_697, %get3A_740 : vector<16xf32>
        %get3A_742 = arith.index_cast %add3A_731 : i32 to index
        %get3A_743 = arith.constant 32 : index
        %get3A_744 = tpu.vector_load %arg7[%get3A_742, %get3A_743] {strides = array<i32>} : memref<196x128xf32, #tpu.memory_space<vmem>>, vector<1x16xf32>,
        %get3A_745 = vector.shape_cast %get3A_744 : vector<1x16xf32> to vector<16xf32>
        %add3A_746 = arith.addf %add3A_702, %get3A_745 : vector<16xf32>
        %get3A_747 = arith.index_cast %add3A_731 : i32 to index
        %get3A_748 = arith.constant 48 : index
        %get3A_749 = tpu.vector_load %arg7[%get3A_747, %get3A_748] {strides = array<i32>} : memref<196x128xf32, #tpu.memory_space<vmem>>, vector<1x16xf32>,
        %get3A_750 = vector.shape_cast %get3A_749 : vector<1x16xf32> to vector<16xf32>
        %add3A_751 = arith.addf %add3A_707, %get3A_750 : vector<16xf32>
        %get3A_752 = arith.index_cast %add3A_731 : i32 to index
        %get3A_753 = arith.constant 64 : index
        %get3A_754 = tpu.vector_load %arg7[%get3A_752, %get3A_753] {strides = array<i32>} : memref<196x128xf32, #tpu.memory_space<vmem>>, vector<1x16xf32>,
        %get3A_755 = vector.shape_cast %get3A_754 : vector<1x16xf32> to vector<16xf32>
        %add3A_756 = arith.addf %add3A_712, %get3A_755 : vector<16xf32>
        %get3A_757 = arith.index_cast %add3A_731 : i32 to index
        %get3A_758 = arith.constant 80 : index
        %get3A_759 = tpu.vector_load %arg7[%get3A_757, %get3A_758] {strides = array<i32>} : memref<196x128xf32, #tpu.memory_space<vmem>>, vector<1x16xf32>,
        %get3A_760 = vector.shape_cast %get3A_759 : vector<1x16xf32> to vector<16xf32>
        %add3A_761 = arith.addf %add3A_717, %get3A_760 : vector<16xf32>
        %get3A_762 = arith.index_cast %add3A_731 : i32 to index
        %get3A_763 = arith.constant 96 : index
        %get3A_764 = tpu.vector_load %arg7[%get3A_762, %get3A_763] {strides = array<i32>} : memref<196x128xf32, #tpu.memory_space<vmem>>, vector<1x16xf32>,
        %get3A_765 = vector.shape_cast %get3A_764 : vector<1x16xf32> to vector<16xf32>
        %add3A_766 = arith.addf %add3A_722, %get3A_765 : vector<16xf32>
        %get3A_767 = arith.index_cast %add3A_731 : i32 to index
        %get3A_768 = arith.constant 112 : index
        %get3A_769 = tpu.vector_load %arg7[%get3A_767, %get3A_768] {strides = array<i32>} : memref<196x128xf32, #tpu.memory_space<vmem>>, vector<1x16xf32>,
        %get3A_770 = vector.shape_cast %get3A_769 : vector<1x16xf32> to vector<16xf32>
        %add3A_771 = arith.addf %add3A_727, %get3A_770 : vector<16xf32>
        %mul3A_772 = arith.constant 7 : i32
        %mul3A_773 = arith.muli %scan3A_588, %mul3A_772 : i32
        %add3A_774 = arith.constant 4 : i32
        %add3A_775 = arith.addi %mul3A_773, %add3A_774 : i32
        %get3A_776 = arith.index_cast %add3A_775 : i32 to index
        %get3A_777 = arith.constant 0 : index
        %get3A_778 = tpu.vector_load %arg7[%get3A_776, %get3A_777] {strides = array<i32>} : memref<196x128xf32, #tpu.memory_space<vmem>>, vector<1x16xf32>,
        %get3A_779 = vector.shape_cast %get3A_778 : vector<1x16xf32> to vector<16xf32>
        %add3A_780 = arith.addf %add3A_736, %get3A_779 : vector<16xf32>
        %get3A_781 = arith.index_cast %add3A_775 : i32 to index
        %get3A_782 = arith.constant 16 : index
        %get3A_783 = tpu.vector_load %arg7[%get3A_781, %get3A_782] {strides = array<i32>} : memref<196x128xf32, #tpu.memory_space<vmem>>, vector<1x16xf32>,
        %get3A_784 = vector.shape_cast %get3A_783 : vector<1x16xf32> to vector<16xf32>
        %add3A_785 = arith.addf %add3A_741, %get3A_784 : vector<16xf32>
        %get3A_786 = arith.index_cast %add3A_775 : i32 to index
        %get3A_787 = arith.constant 32 : index
        %get3A_788 = tpu.vector_load %arg7[%get3A_786, %get3A_787] {strides = array<i32>} : memref<196x128xf32, #tpu.memory_space<vmem>>, vector<1x16xf32>,
        %get3A_789 = vector.shape_cast %get3A_788 : vector<1x16xf32> to vector<16xf32>
        %add3A_790 = arith.addf %add3A_746, %get3A_789 : vector<16xf32>
        %get3A_791 = arith.index_cast %add3A_775 : i32 to index
        %get3A_792 = arith.constant 48 : index
        %get3A_793 = tpu.vector_load %arg7[%get3A_791, %get3A_792] {strides = array<i32>} : memref<196x128xf32, #tpu.memory_space<vmem>>, vector<1x16xf32>,
        %get3A_794 = vector.shape_cast %get3A_793 : vector<1x16xf32> to vector<16xf32>
        %add3A_795 = arith.addf %add3A_751, %get3A_794 : vector<16xf32>
        %get3A_796 = arith.index_cast %add3A_775 : i32 to index
        %get3A_797 = arith.constant 64 : index
        %get3A_798 = tpu.vector_load %arg7[%get3A_796, %get3A_797] {strides = array<i32>} : memref<196x128xf32, #tpu.memory_space<vmem>>, vector<1x16xf32>,
        %get3A_799 = vector.shape_cast %get3A_798 : vector<1x16xf32> to vector<16xf32>
        %add3A_800 = arith.addf %add3A_756, %get3A_799 : vector<16xf32>
        %get3A_801 = arith.index_cast %add3A_775 : i32 to index
        %get3A_802 = arith.constant 80 : index
        %get3A_803 = tpu.vector_load %arg7[%get3A_801, %get3A_802] {strides = array<i32>} : memref<196x128xf32, #tpu.memory_space<vmem>>, vector<1x16xf32>,
        %get3A_804 = vector.shape_cast %get3A_803 : vector<1x16xf32> to vector<16xf32>
        %add3A_805 = arith.addf %add3A_761, %get3A_804 : vector<16xf32>
        %get3A_806 = arith.index_cast %add3A_775 : i32 to index
        %get3A_807 = arith.constant 96 : index
        %get3A_808 = tpu.vector_load %arg7[%get3A_806, %get3A_807] {strides = array<i32>} : memref<196x128xf32, #tpu.memory_space<vmem>>, vector<1x16xf32>,
        %get3A_809 = vector.shape_cast %get3A_808 : vector<1x16xf32> to vector<16xf32>
        %add3A_810 = arith.addf %add3A_766, %get3A_809 : vector<16xf32>
        %get3A_811 = arith.index_cast %add3A_775 : i32 to index
        %get3A_812 = arith.constant 112 : index
        %get3A_813 = tpu.vector_load %arg7[%get3A_811, %get3A_812] {strides = array<i32>} : memref<196x128xf32, #tpu.memory_space<vmem>>, vector<1x16xf32>,
        %get3A_814 = vector.shape_cast %get3A_813 : vector<1x16xf32> to vector<16xf32>
        %add3A_815 = arith.addf %add3A_771, %get3A_814 : vector<16xf32>
        %mul3A_816 = arith.constant 7 : i32
        %mul3A_817 = arith.muli %scan3A_588, %mul3A_816 : i32
        %add3A_818 = arith.constant 5 : i32
        %add3A_819 = arith.addi %mul3A_817, %add3A_818 : i32
        %get3A_820 = arith.index_cast %add3A_819 : i32 to index
        %get3A_821 = arith.constant 0 : index
        %get3A_822 = tpu.vector_load %arg7[%get3A_820, %get3A_821] {strides = array<i32>} : memref<196x128xf32, #tpu.memory_space<vmem>>, vector<1x16xf32>,
        %get3A_823 = vector.shape_cast %get3A_822 : vector<1x16xf32> to vector<16xf32>
        %add3A_824 = arith.addf %add3A_780, %get3A_823 : vector<16xf32>
        %get3A_825 = arith.index_cast %add3A_819 : i32 to index
        %get3A_826 = arith.constant 16 : index
        %get3A_827 = tpu.vector_load %arg7[%get3A_825, %get3A_826] {strides = array<i32>} : memref<196x128xf32, #tpu.memory_space<vmem>>, vector<1x16xf32>,
        %get3A_828 = vector.shape_cast %get3A_827 : vector<1x16xf32> to vector<16xf32>
        %add3A_829 = arith.addf %add3A_785, %get3A_828 : vector<16xf32>
        %get3A_830 = arith.index_cast %add3A_819 : i32 to index
        %get3A_831 = arith.constant 32 : index
        %get3A_832 = tpu.vector_load %arg7[%get3A_830, %get3A_831] {strides = array<i32>} : memref<196x128xf32, #tpu.memory_space<vmem>>, vector<1x16xf32>,
        %get3A_833 = vector.shape_cast %get3A_832 : vector<1x16xf32> to vector<16xf32>
        %add3A_834 = arith.addf %add3A_790, %get3A_833 : vector<16xf32>
        %get3A_835 = arith.index_cast %add3A_819 : i32 to index
        %get3A_836 = arith.constant 48 : index
        %get3A_837 = tpu.vector_load %arg7[%get3A_835, %get3A_836] {strides = array<i32>} : memref<196x128xf32, #tpu.memory_space<vmem>>, vector<1x16xf32>,
        %get3A_838 = vector.shape_cast %get3A_837 : vector<1x16xf32> to vector<16xf32>
        %add3A_839 = arith.addf %add3A_795, %get3A_838 : vector<16xf32>
        %get3A_840 = arith.index_cast %add3A_819 : i32 to index
        %get3A_841 = arith.constant 64 : index
        %get3A_842 = tpu.vector_load %arg7[%get3A_840, %get3A_841] {strides = array<i32>} : memref<196x128xf32, #tpu.memory_space<vmem>>, vector<1x16xf32>,
        %get3A_843 = vector.shape_cast %get3A_842 : vector<1x16xf32> to vector<16xf32>
        %add3A_844 = arith.addf %add3A_800, %get3A_843 : vector<16xf32>
        %get3A_845 = arith.index_cast %add3A_819 : i32 to index
        %get3A_846 = arith.constant 80 : index
        %get3A_847 = tpu.vector_load %arg7[%get3A_845, %get3A_846] {strides = array<i32>} : memref<196x128xf32, #tpu.memory_space<vmem>>, vector<1x16xf32>,
        %get3A_848 = vector.shape_cast %get3A_847 : vector<1x16xf32> to vector<16xf32>
        %add3A_849 = arith.addf %add3A_805, %get3A_848 : vector<16xf32>
        %get3A_850 = arith.index_cast %add3A_819 : i32 to index
        %get3A_851 = arith.constant 96 : index
        %get3A_852 = tpu.vector_load %arg7[%get3A_850, %get3A_851] {strides = array<i32>} : memref<196x128xf32, #tpu.memory_space<vmem>>, vector<1x16xf32>,
        %get3A_853 = vector.shape_cast %get3A_852 : vector<1x16xf32> to vector<16xf32>
        %add3A_854 = arith.addf %add3A_810, %get3A_853 : vector<16xf32>
        %get3A_855 = arith.index_cast %add3A_819 : i32 to index
        %get3A_856 = arith.constant 112 : index
        %get3A_857 = tpu.vector_load %arg7[%get3A_855, %get3A_856] {strides = array<i32>} : memref<196x128xf32, #tpu.memory_space<vmem>>, vector<1x16xf32>,
        %get3A_858 = vector.shape_cast %get3A_857 : vector<1x16xf32> to vector<16xf32>
        %add3A_859 = arith.addf %add3A_815, %get3A_858 : vector<16xf32>
        %mul3A_860 = arith.constant 7 : i32
        %mul3A_861 = arith.muli %scan3A_588, %mul3A_860 : i32
        %add3A_862 = arith.constant 6 : i32
        %add3A_863 = arith.addi %mul3A_861, %add3A_862 : i32
        %get3A_864 = arith.index_cast %add3A_863 : i32 to index
        %get3A_865 = arith.constant 0 : index
        %get3A_866 = tpu.vector_load %arg7[%get3A_864, %get3A_865] {strides = array<i32>} : memref<196x128xf32, #tpu.memory_space<vmem>>, vector<1x16xf32>,
        %get3A_867 = vector.shape_cast %get3A_866 : vector<1x16xf32> to vector<16xf32>
        %add3A_868 = arith.addf %add3A_824, %get3A_867 : vector<16xf32>
        %get3A_869 = arith.index_cast %add3A_863 : i32 to index
        %get3A_870 = arith.constant 16 : index
        %get3A_871 = tpu.vector_load %arg7[%get3A_869, %get3A_870] {strides = array<i32>} : memref<196x128xf32, #tpu.memory_space<vmem>>, vector<1x16xf32>,
        %get3A_872 = vector.shape_cast %get3A_871 : vector<1x16xf32> to vector<16xf32>
        %add3A_873 = arith.addf %add3A_829, %get3A_872 : vector<16xf32>
        %get3A_874 = arith.index_cast %add3A_863 : i32 to index
        %get3A_875 = arith.constant 32 : index
        %get3A_876 = tpu.vector_load %arg7[%get3A_874, %get3A_875] {strides = array<i32>} : memref<196x128xf32, #tpu.memory_space<vmem>>, vector<1x16xf32>,
        %get3A_877 = vector.shape_cast %get3A_876 : vector<1x16xf32> to vector<16xf32>
        %add3A_878 = arith.addf %add3A_834, %get3A_877 : vector<16xf32>
        %get3A_879 = arith.index_cast %add3A_863 : i32 to index
        %get3A_880 = arith.constant 48 : index
        %get3A_881 = tpu.vector_load %arg7[%get3A_879, %get3A_880] {strides = array<i32>} : memref<196x128xf32, #tpu.memory_space<vmem>>, vector<1x16xf32>,
        %get3A_882 = vector.shape_cast %get3A_881 : vector<1x16xf32> to vector<16xf32>
        %add3A_883 = arith.addf %add3A_839, %get3A_882 : vector<16xf32>
        %get3A_884 = arith.index_cast %add3A_863 : i32 to index
        %get3A_885 = arith.constant 64 : index
        %get3A_886 = tpu.vector_load %arg7[%get3A_884, %get3A_885] {strides = array<i32>} : memref<196x128xf32, #tpu.memory_space<vmem>>, vector<1x16xf32>,
        %get3A_887 = vector.shape_cast %get3A_886 : vector<1x16xf32> to vector<16xf32>
        %add3A_888 = arith.addf %add3A_844, %get3A_887 : vector<16xf32>
        %get3A_889 = arith.index_cast %add3A_863 : i32 to index
        %get3A_890 = arith.constant 80 : index
        %get3A_891 = tpu.vector_load %arg7[%get3A_889, %get3A_890] {strides = array<i32>} : memref<196x128xf32, #tpu.memory_space<vmem>>, vector<1x16xf32>,
        %get3A_892 = vector.shape_cast %get3A_891 : vector<1x16xf32> to vector<16xf32>
        %add3A_893 = arith.addf %add3A_849, %get3A_892 : vector<16xf32>
        %get3A_894 = arith.index_cast %add3A_863 : i32 to index
        %get3A_895 = arith.constant 96 : index
        %get3A_896 = tpu.vector_load %arg7[%get3A_894, %get3A_895] {strides = array<i32>} : memref<196x128xf32, #tpu.memory_space<vmem>>, vector<1x16xf32>,
        %get3A_897 = vector.shape_cast %get3A_896 : vector<1x16xf32> to vector<16xf32>
        %add3A_898 = arith.addf %add3A_854, %get3A_897 : vector<16xf32>
        %get3A_899 = arith.index_cast %add3A_863 : i32 to index
        %get3A_900 = arith.constant 112 : index
        %get3A_901 = tpu.vector_load %arg7[%get3A_899, %get3A_900] {strides = array<i32>} : memref<196x128xf32, #tpu.memory_space<vmem>>, vector<1x16xf32>,
        %get3A_902 = vector.shape_cast %get3A_901 : vector<1x16xf32> to vector<16xf32>
        %add3A_903 = arith.addf %add3A_859, %get3A_902 : vector<16xf32>
        scf.yield %add3A_868, %add3A_873, %add3A_878, %add3A_883, %add3A_888, %add3A_893, %add3A_898, %add3A_903 : vector<16xf32>, vector<16xf32>, vector<16xf32>, vector<16xf32>, vector<16xf32>, vector<16xf32>, vector<16xf32>, vector<16xf32>
      }
      %scan3A_344 = arith.constant 28 : i32
      %mul3A_345 = arith.constant 0.00510204071 : f32
      %mul3A_346 = vector.broadcast %mul3A_345 : f32 to vector<16xf32>
      %mul3A_347 = arith.mulf %scan3A_343#0, %mul3A_346 : vector<16xf32>
      %swap3A_348 = arith.constant 384 : index
      %swap3A_349 = tpu.vector_load %arg8[%swap3A_348] {strides = array<i32>} : memref<768xf32, #tpu.memory_space<vmem>>, vector<16xf32>,
      %swap3A_350 = vector.shape_cast %swap3A_349 : vector<16xf32> to vector<16xf32>
      %swap3A_351 = vector.shape_cast %mul3A_347 : vector<16xf32> to vector<16xf32>
      tpu.vector_store %arg8[%swap3A_348], %swap3A_351 {strides = array<i32>} : memref<768xf32, #tpu.memory_space<vmem>>, vector<16xf32>,
      %mul3A_352 = arith.constant 0.00510204071 : f32
      %mul3A_353 = vector.broadcast %mul3A_352 : f32 to vector<16xf32>
      %mul3A_354 = arith.mulf %scan3A_343#1, %mul3A_353 : vector<16xf32>
      %swap3A_355 = arith.constant 400 : index
      %swap3A_356 = tpu.vector_load %arg8[%swap3A_355] {strides = array<i32>} : memref<768xf32, #tpu.memory_space<vmem>>, vector<16xf32>,
      %swap3A_357 = vector.shape_cast %swap3A_356 : vector<16xf32> to vector<16xf32>
      %swap3A_358 = vector.shape_cast %mul3A_354 : vector<16xf32> to vector<16xf32>
      tpu.vector_store %arg8[%swap3A_355], %swap3A_358 {strides = array<i32>} : memref<768xf32, #tpu.memory_space<vmem>>, vector<16xf32>,
      %mul3A_359 = arith.constant 0.00510204071 : f32
      %mul3A_360 = vector.broadcast %mul3A_359 : f32 to vector<16xf32>
      %mul3A_361 = arith.mulf %scan3A_343#2, %mul3A_360 : vector<16xf32>
      %swap3A_362 = arith.constant 416 : index
      %swap3A_363 = tpu.vector_load %arg8[%swap3A_362] {strides = array<i32>} : memref<768xf32, #tpu.memory_space<vmem>>, vector<16xf32>,
      %swap3A_364 = vector.shape_cast %swap3A_363 : vector<16xf32> to vector<16xf32>
      %swap3A_365 = vector.shape_cast %mul3A_361 : vector<16xf32> to vector<16xf32>
      tpu.vector_store %arg8[%swap3A_362], %swap3A_365 {strides = array<i32>} : memref<768xf32, #tpu.memory_space<vmem>>, vector<16xf32>,
      %mul3A_366 = arith.constant 0.00510204071 : f32
      %mul3A_367 = vector.broadcast %mul3A_366 : f32 to vector<16xf32>
      %mul3A_368 = arith.mulf %scan3A_343#3, %mul3A_367 : vector<16xf32>
      %swap3A_369 = arith.constant 432 : index
      %swap3A_370 = tpu.vector_load %arg8[%swap3A_369] {strides = array<i32>} : memref<768xf32, #tpu.memory_space<vmem>>, vector<16xf32>,
      %swap3A_371 = vector.shape_cast %swap3A_370 : vector<16xf32> to vector<16xf32>
      %swap3A_372 = vector.shape_cast %mul3A_368 : vector<16xf32> to vector<16xf32>
      tpu.vector_store %arg8[%swap3A_369], %swap3A_372 {strides = array<i32>} : memref<768xf32, #tpu.memory_space<vmem>>, vector<16xf32>,
      %mul3A_373 = arith.constant 0.00510204071 : f32
      %mul3A_374 = vector.broadcast %mul3A_373 : f32 to vector<16xf32>
      %mul3A_375 = arith.mulf %scan3A_343#4, %mul3A_374 : vector<16xf32>
      %swap3A_376 = arith.constant 448 : index
      %swap3A_377 = tpu.vector_load %arg8[%swap3A_376] {strides = array<i32>} : memref<768xf32, #tpu.memory_space<vmem>>, vector<16xf32>,
      %swap3A_378 = vector.shape_cast %swap3A_377 : vector<16xf32> to vector<16xf32>
      %swap3A_379 = vector.shape_cast %mul3A_375 : vector<16xf32> to vector<16xf32>
      tpu.vector_store %arg8[%swap3A_376], %swap3A_379 {strides = array<i32>} : memref<768xf32, #tpu.memory_space<vmem>>, vector<16xf32>,
      %mul3A_380 = arith.constant 0.00510204071 : f32
      %mul3A_381 = vector.broadcast %mul3A_380 : f32 to vector<16xf32>
      %mul3A_382 = arith.mulf %scan3A_343#5, %mul3A_381 : vector<16xf32>
      %swap3A_383 = arith.constant 464 : index
      %swap3A_384 = tpu.vector_load %arg8[%swap3A_383] {strides = array<i32>} : memref<768xf32, #tpu.memory_space<vmem>>, vector<16xf32>,
      %swap3A_385 = vector.shape_cast %swap3A_384 : vector<16xf32> to vector<16xf32>
      %swap3A_386 = vector.shape_cast %mul3A_382 : vector<16xf32> to vector<16xf32>
      tpu.vector_store %arg8[%swap3A_383], %swap3A_386 {strides = array<i32>} : memref<768xf32, #tpu.memory_space<vmem>>, vector<16xf32>,
      %mul3A_387 = arith.constant 0.00510204071 : f32
      %mul3A_388 = vector.broadcast %mul3A_387 : f32 to vector<16xf32>
      %mul3A_389 = arith.mulf %scan3A_343#6, %mul3A_388 : vector<16xf32>
      %swap3A_390 = arith.constant 480 : index
      %swap3A_391 = tpu.vector_load %arg8[%swap3A_390] {strides = array<i32>} : memref<768xf32, #tpu.memory_space<vmem>>, vector<16xf32>,
      %swap3A_392 = vector.shape_cast %swap3A_391 : vector<16xf32> to vector<16xf32>
      %swap3A_393 = vector.shape_cast %mul3A_389 : vector<16xf32> to vector<16xf32>
      tpu.vector_store %arg8[%swap3A_390], %swap3A_393 {strides = array<i32>} : memref<768xf32, #tpu.memory_space<vmem>>, vector<16xf32>,
      %mul3A_394 = arith.constant 0.00510204071 : f32
      %mul3A_395 = vector.broadcast %mul3A_394 : f32 to vector<16xf32>
      %mul3A_396 = arith.mulf %scan3A_343#7, %mul3A_395 : vector<16xf32>
      %swap3A_397 = arith.constant 496 : index
      %swap3A_398 = tpu.vector_load %arg8[%swap3A_397] {strides = array<i32>} : memref<768xf32, #tpu.memory_space<vmem>>, vector<16xf32>,
      %swap3A_399 = vector.shape_cast %swap3A_398 : vector<16xf32> to vector<16xf32>
      %swap3A_400 = vector.shape_cast %mul3A_396 : vector<16xf32> to vector<16xf32>
      tpu.vector_store %arg8[%swap3A_397], %swap3A_400 {strides = array<i32>} : memref<768xf32, #tpu.memory_space<vmem>>, vector<16xf32>,
      %add3A_401 = arith.addi %mul3A_2, %scan3A_18 : i32
      %dma_wait3A_402 = arith.constant 0 : i32
      %dma_wait3A_403 = arith.constant 512 : i32
      %dma_wait3A_404 = tpu.memref_slice %arg2[%add3A_401, %dma_wait3A_402, %dma_wait3A_403] : memref<512x196x768xf32, #tpu.memory_space<hbm>> -> memref<1x196x128xf32, #tpu.memory_space<hbm>>
      %dma_wait3A_405 = tpu.memref_squeeze %dma_wait3A_404 : memref<1x196x128xf32, #tpu.memory_space<hbm>> -> memref<196x128xf32, #tpu.memory_space<hbm>>
      %dma_wait3A_406 = arith.constant 0 : i32
      %dma_wait3A_407 = arith.constant 512 : i32
      %dma_wait3A_408 = tpu.memref_slice %arg2[%add3A_401, %dma_wait3A_406, %dma_wait3A_407] : memref<512x196x768xf32, #tpu.memory_space<hbm>> -> memref<1x196x128xf32, #tpu.memory_space<hbm>>
      %dma_wait3A_409 = tpu.memref_squeeze %dma_wait3A_408 : memref<1x196x128xf32, #tpu.memory_space<hbm>> -> memref<196x128xf32, #tpu.memory_space<hbm>>
      tpu.wait_dma2 semaphore(%arg10 : memref<!tpu.dma_semaphore, #tpu.memory_space<semaphore_mem>>) src(%dma_wait3A_409 : memref<196x128xf32, #tpu.memory_space<hbm>>) dst(%arg6 : memref<196x128xf32, #tpu.memory_space<vmem>>)
      %add3A_410 = arith.addi %mul3A_2, %scan3A_18 : i32
      %dma_start3A_411 = arith.constant 0 : i32
      %dma_start3A_412 = arith.constant 640 : i32
      %dma_start3A_413 = tpu.memref_slice %arg2[%add3A_410, %dma_start3A_411, %dma_start3A_412] : memref<512x196x768xf32, #tpu.memory_space<hbm>> -> memref<1x196x128xf32, #tpu.memory_space<hbm>>
      %dma_start3A_414 = tpu.memref_squeeze %dma_start3A_413 : memref<1x196x128xf32, #tpu.memory_space<hbm>> -> memref<196x128xf32, #tpu.memory_space<hbm>>
      %dma_start3A_415 = arith.constant 0 : i32
      %dma_start3A_416 = arith.constant 640 : i32
      %dma_start3A_417 = tpu.memref_slice %arg2[%add3A_410, %dma_start3A_415, %dma_start3A_416] : memref<512x196x768xf32, #tpu.memory_space<hbm>> -> memref<1x196x128xf32, #tpu.memory_space<hbm>>
      %dma_start3A_418 = tpu.memref_squeeze %dma_start3A_417 : memref<1x196x128xf32, #tpu.memory_space<hbm>> -> memref<196x128xf32, #tpu.memory_space<hbm>>
      tpu.enqueue_dma source(%dma_start3A_418 : memref<196x128xf32, #tpu.memory_space<hbm>>) target(%arg7 : memref<196x128xf32, #tpu.memory_space<vmem>>) target_semaphore(%arg11 : memref<!tpu.dma_semaphore, #tpu.memory_space<semaphore_mem>>)
      %broadcast_in_dim3A_419 = arith.constant 0.000000e+00 : f32
      %broadcast_in_dim3A_420 = vector.broadcast %broadcast_in_dim3A_419 : f32 to vector<16xf32>
      %broadcast_in_dim3A_421 = arith.constant 0.000000e+00 : f32
      %broadcast_in_dim3A_422 = vector.broadcast %broadcast_in_dim3A_421 : f32 to vector<16xf32>
      %broadcast_in_dim3A_423 = arith.constant 0.000000e+00 : f32
      %broadcast_in_dim3A_424 = vector.broadcast %broadcast_in_dim3A_423 : f32 to vector<16xf32>
      %broadcast_in_dim3A_425 = arith.constant 0.000000e+00 : f32
      %broadcast_in_dim3A_426 = vector.broadcast %broadcast_in_dim3A_425 : f32 to vector<16xf32>
      %broadcast_in_dim3A_427 = arith.constant 0.000000e+00 : f32
      %broadcast_in_dim3A_428 = vector.broadcast %broadcast_in_dim3A_427 : f32 to vector<16xf32>
      %broadcast_in_dim3A_429 = arith.constant 0.000000e+00 : f32
      %broadcast_in_dim3A_430 = vector.broadcast %broadcast_in_dim3A_429 : f32 to vector<16xf32>
      %broadcast_in_dim3A_431 = arith.constant 0.000000e+00 : f32
      %broadcast_in_dim3A_432 = vector.broadcast %broadcast_in_dim3A_431 : f32 to vector<16xf32>
      %broadcast_in_dim3A_433 = arith.constant 0.000000e+00 : f32
      %broadcast_in_dim3A_434 = vector.broadcast %broadcast_in_dim3A_433 : f32 to vector<16xf32>
      %scan3A_435 = arith.constant 0 : i32
      %scan3A_436 = arith.constant 28 : i32
      %scan3A_437 = arith.addi %scan3A_435, %scan3A_436 : i32
      %scan3A_438 = arith.constant 1 : i32
      %scan3A_439:8 = scf.for %scan3A_588 = %scan3A_435 to %scan3A_437 step %scan3A_438 iter_args(%scan3A_589 = %broadcast_in_dim3A_420, %scan3A_590 = %broadcast_in_dim3A_422, %scan3A_591 = %broadcast_in_dim3A_424, %scan3A_592 = %broadcast_in_dim3A_426, %scan3A_593 = %broadcast_in_dim3A_428, %scan3A_594 = %broadcast_in_dim3A_430, %scan3A_595 = %broadcast_in_dim3A_432, %scan3A_596 = %broadcast_in_dim3A_434) -> (vector<16xf32>, vector<16xf32>, vector<16xf32>, vector<16xf32>, vector<16xf32>, vector<16xf32>, vector<16xf32>, vector<16xf32>)  : i32 {
        %mul3A_597 = arith.constant 7 : i32
        %mul3A_598 = arith.muli %scan3A_588, %mul3A_597 : i32
        %add3A_599 = arith.constant 0 : i32
        %add3A_600 = arith.addi %mul3A_598, %add3A_599 : i32
        %get3A = arith.index_cast %add3A_600 : i32 to index
        %get3A_601 = arith.constant 0 : index
        %get3A_602 = tpu.vector_load %arg6[%get3A, %get3A_601] {strides = array<i32>} : memref<196x128xf32, #tpu.memory_space<vmem>>, vector<1x16xf32>,
        %get3A_603 = vector.shape_cast %get3A_602 : vector<1x16xf32> to vector<16xf32>
        %add3A_604 = arith.addf %scan3A_589, %get3A_603 : vector<16xf32>
        %get3A_605 = arith.index_cast %add3A_600 : i32 to index
        %get3A_606 = arith.constant 16 : index
        %get3A_607 = tpu.vector_load %arg6[%get3A_605, %get3A_606] {strides = array<i32>} : memref<196x128xf32, #tpu.memory_space<vmem>>, vector<1x16xf32>,
        %get3A_608 = vector.shape_cast %get3A_607 : vector<1x16xf32> to vector<16xf32>
        %add3A_609 = arith.addf %scan3A_590, %get3A_608 : vector<16xf32>
        %get3A_610 = arith.index_cast %add3A_600 : i32 to index
        %get3A_611 = arith.constant 32 : index
        %get3A_612 = tpu.vector_load %arg6[%get3A_610, %get3A_611] {strides = array<i32>} : memref<196x128xf32, #tpu.memory_space<vmem>>, vector<1x16xf32>,
        %get3A_613 = vector.shape_cast %get3A_612 : vector<1x16xf32> to vector<16xf32>
        %add3A_614 = arith.addf %scan3A_591, %get3A_613 : vector<16xf32>
        %get3A_615 = arith.index_cast %add3A_600 : i32 to index
        %get3A_616 = arith.constant 48 : index
        %get3A_617 = tpu.vector_load %arg6[%get3A_615, %get3A_616] {strides = array<i32>} : memref<196x128xf32, #tpu.memory_space<vmem>>, vector<1x16xf32>,
        %get3A_618 = vector.shape_cast %get3A_617 : vector<1x16xf32> to vector<16xf32>
        %add3A_619 = arith.addf %scan3A_592, %get3A_618 : vector<16xf32>
        %get3A_620 = arith.index_cast %add3A_600 : i32 to index
        %get3A_621 = arith.constant 64 : index
        %get3A_622 = tpu.vector_load %arg6[%get3A_620, %get3A_621] {strides = array<i32>} : memref<196x128xf32, #tpu.memory_space<vmem>>, vector<1x16xf32>,
        %get3A_623 = vector.shape_cast %get3A_622 : vector<1x16xf32> to vector<16xf32>
        %add3A_624 = arith.addf %scan3A_593, %get3A_623 : vector<16xf32>
        %get3A_625 = arith.index_cast %add3A_600 : i32 to index
        %get3A_626 = arith.constant 80 : index
        %get3A_627 = tpu.vector_load %arg6[%get3A_625, %get3A_626] {strides = array<i32>} : memref<196x128xf32, #tpu.memory_space<vmem>>, vector<1x16xf32>,
        %get3A_628 = vector.shape_cast %get3A_627 : vector<1x16xf32> to vector<16xf32>
        %add3A_629 = arith.addf %scan3A_594, %get3A_628 : vector<16xf32>
        %get3A_630 = arith.index_cast %add3A_600 : i32 to index
        %get3A_631 = arith.constant 96 : index
        %get3A_632 = tpu.vector_load %arg6[%get3A_630, %get3A_631] {strides = array<i32>} : memref<196x128xf32, #tpu.memory_space<vmem>>, vector<1x16xf32>,
        %get3A_633 = vector.shape_cast %get3A_632 : vector<1x16xf32> to vector<16xf32>
        %add3A_634 = arith.addf %scan3A_595, %get3A_633 : vector<16xf32>
        %get3A_635 = arith.index_cast %add3A_600 : i32 to index
        %get3A_636 = arith.constant 112 : index
        %get3A_637 = tpu.vector_load %arg6[%get3A_635, %get3A_636] {strides = array<i32>} : memref<196x128xf32, #tpu.memory_space<vmem>>, vector<1x16xf32>,
        %get3A_638 = vector.shape_cast %get3A_637 : vector<1x16xf32> to vector<16xf32>
        %add3A_639 = arith.addf %scan3A_596, %get3A_638 : vector<16xf32>
        %mul3A_640 = arith.constant 7 : i32
        %mul3A_641 = arith.muli %scan3A_588, %mul3A_640 : i32
        %add3A_642 = arith.constant 1 : i32
        %add3A_643 = arith.addi %mul3A_641, %add3A_642 : i32
        %get3A_644 = arith.index_cast %add3A_643 : i32 to index
        %get3A_645 = arith.constant 0 : index
        %get3A_646 = tpu.vector_load %arg6[%get3A_644, %get3A_645] {strides = array<i32>} : memref<196x128xf32, #tpu.memory_space<vmem>>, vector<1x16xf32>,
        %get3A_647 = vector.shape_cast %get3A_646 : vector<1x16xf32> to vector<16xf32>
        %add3A_648 = arith.addf %add3A_604, %get3A_647 : vector<16xf32>
        %get3A_649 = arith.index_cast %add3A_643 : i32 to index
        %get3A_650 = arith.constant 16 : index
        %get3A_651 = tpu.vector_load %arg6[%get3A_649, %get3A_650] {strides = array<i32>} : memref<196x128xf32, #tpu.memory_space<vmem>>, vector<1x16xf32>,
        %get3A_652 = vector.shape_cast %get3A_651 : vector<1x16xf32> to vector<16xf32>
        %add3A_653 = arith.addf %add3A_609, %get3A_652 : vector<16xf32>
        %get3A_654 = arith.index_cast %add3A_643 : i32 to index
        %get3A_655 = arith.constant 32 : index
        %get3A_656 = tpu.vector_load %arg6[%get3A_654, %get3A_655] {strides = array<i32>} : memref<196x128xf32, #tpu.memory_space<vmem>>, vector<1x16xf32>,
        %get3A_657 = vector.shape_cast %get3A_656 : vector<1x16xf32> to vector<16xf32>
        %add3A_658 = arith.addf %add3A_614, %get3A_657 : vector<16xf32>
        %get3A_659 = arith.index_cast %add3A_643 : i32 to index
        %get3A_660 = arith.constant 48 : index
        %get3A_661 = tpu.vector_load %arg6[%get3A_659, %get3A_660] {strides = array<i32>} : memref<196x128xf32, #tpu.memory_space<vmem>>, vector<1x16xf32>,
        %get3A_662 = vector.shape_cast %get3A_661 : vector<1x16xf32> to vector<16xf32>
        %add3A_663 = arith.addf %add3A_619, %get3A_662 : vector<16xf32>
        %get3A_664 = arith.index_cast %add3A_643 : i32 to index
        %get3A_665 = arith.constant 64 : index
        %get3A_666 = tpu.vector_load %arg6[%get3A_664, %get3A_665] {strides = array<i32>} : memref<196x128xf32, #tpu.memory_space<vmem>>, vector<1x16xf32>,
        %get3A_667 = vector.shape_cast %get3A_666 : vector<1x16xf32> to vector<16xf32>
        %add3A_668 = arith.addf %add3A_624, %get3A_667 : vector<16xf32>
        %get3A_669 = arith.index_cast %add3A_643 : i32 to index
        %get3A_670 = arith.constant 80 : index
        %get3A_671 = tpu.vector_load %arg6[%get3A_669, %get3A_670] {strides = array<i32>} : memref<196x128xf32, #tpu.memory_space<vmem>>, vector<1x16xf32>,
        %get3A_672 = vector.shape_cast %get3A_671 : vector<1x16xf32> to vector<16xf32>
        %add3A_673 = arith.addf %add3A_629, %get3A_672 : vector<16xf32>
        %get3A_674 = arith.index_cast %add3A_643 : i32 to index
        %get3A_675 = arith.constant 96 : index
        %get3A_676 = tpu.vector_load %arg6[%get3A_674, %get3A_675] {strides = array<i32>} : memref<196x128xf32, #tpu.memory_space<vmem>>, vector<1x16xf32>,
        %get3A_677 = vector.shape_cast %get3A_676 : vector<1x16xf32> to vector<16xf32>
        %add3A_678 = arith.addf %add3A_634, %get3A_677 : vector<16xf32>
        %get3A_679 = arith.index_cast %add3A_643 : i32 to index
        %get3A_680 = arith.constant 112 : index
        %get3A_681 = tpu.vector_load %arg6[%get3A_679, %get3A_680] {strides = array<i32>} : memref<196x128xf32, #tpu.memory_space<vmem>>, vector<1x16xf32>,
        %get3A_682 = vector.shape_cast %get3A_681 : vector<1x16xf32> to vector<16xf32>
        %add3A_683 = arith.addf %add3A_639, %get3A_682 : vector<16xf32>
        %mul3A_684 = arith.constant 7 : i32
        %mul3A_685 = arith.muli %scan3A_588, %mul3A_684 : i32
        %add3A_686 = arith.constant 2 : i32
        %add3A_687 = arith.addi %mul3A_685, %add3A_686 : i32
        %get3A_688 = arith.index_cast %add3A_687 : i32 to index
        %get3A_689 = arith.constant 0 : index
        %get3A_690 = tpu.vector_load %arg6[%get3A_688, %get3A_689] {strides = array<i32>} : memref<196x128xf32, #tpu.memory_space<vmem>>, vector<1x16xf32>,
        %get3A_691 = vector.shape_cast %get3A_690 : vector<1x16xf32> to vector<16xf32>
        %add3A_692 = arith.addf %add3A_648, %get3A_691 : vector<16xf32>
        %get3A_693 = arith.index_cast %add3A_687 : i32 to index
        %get3A_694 = arith.constant 16 : index
        %get3A_695 = tpu.vector_load %arg6[%get3A_693, %get3A_694] {strides = array<i32>} : memref<196x128xf32, #tpu.memory_space<vmem>>, vector<1x16xf32>,
        %get3A_696 = vector.shape_cast %get3A_695 : vector<1x16xf32> to vector<16xf32>
        %add3A_697 = arith.addf %add3A_653, %get3A_696 : vector<16xf32>
        %get3A_698 = arith.index_cast %add3A_687 : i32 to index
        %get3A_699 = arith.constant 32 : index
        %get3A_700 = tpu.vector_load %arg6[%get3A_698, %get3A_699] {strides = array<i32>} : memref<196x128xf32, #tpu.memory_space<vmem>>, vector<1x16xf32>,
        %get3A_701 = vector.shape_cast %get3A_700 : vector<1x16xf32> to vector<16xf32>
        %add3A_702 = arith.addf %add3A_658, %get3A_701 : vector<16xf32>
        %get3A_703 = arith.index_cast %add3A_687 : i32 to index
        %get3A_704 = arith.constant 48 : index
        %get3A_705 = tpu.vector_load %arg6[%get3A_703, %get3A_704] {strides = array<i32>} : memref<196x128xf32, #tpu.memory_space<vmem>>, vector<1x16xf32>,
        %get3A_706 = vector.shape_cast %get3A_705 : vector<1x16xf32> to vector<16xf32>
        %add3A_707 = arith.addf %add3A_663, %get3A_706 : vector<16xf32>
        %get3A_708 = arith.index_cast %add3A_687 : i32 to index
        %get3A_709 = arith.constant 64 : index
        %get3A_710 = tpu.vector_load %arg6[%get3A_708, %get3A_709] {strides = array<i32>} : memref<196x128xf32, #tpu.memory_space<vmem>>, vector<1x16xf32>,
        %get3A_711 = vector.shape_cast %get3A_710 : vector<1x16xf32> to vector<16xf32>
        %add3A_712 = arith.addf %add3A_668, %get3A_711 : vector<16xf32>
        %get3A_713 = arith.index_cast %add3A_687 : i32 to index
        %get3A_714 = arith.constant 80 : index
        %get3A_715 = tpu.vector_load %arg6[%get3A_713, %get3A_714] {strides = array<i32>} : memref<196x128xf32, #tpu.memory_space<vmem>>, vector<1x16xf32>,
        %get3A_716 = vector.shape_cast %get3A_715 : vector<1x16xf32> to vector<16xf32>
        %add3A_717 = arith.addf %add3A_673, %get3A_716 : vector<16xf32>
        %get3A_718 = arith.index_cast %add3A_687 : i32 to index
        %get3A_719 = arith.constant 96 : index
        %get3A_720 = tpu.vector_load %arg6[%get3A_718, %get3A_719] {strides = array<i32>} : memref<196x128xf32, #tpu.memory_space<vmem>>, vector<1x16xf32>,
        %get3A_721 = vector.shape_cast %get3A_720 : vector<1x16xf32> to vector<16xf32>
        %add3A_722 = arith.addf %add3A_678, %get3A_721 : vector<16xf32>
        %get3A_723 = arith.index_cast %add3A_687 : i32 to index
        %get3A_724 = arith.constant 112 : index
        %get3A_725 = tpu.vector_load %arg6[%get3A_723, %get3A_724] {strides = array<i32>} : memref<196x128xf32, #tpu.memory_space<vmem>>, vector<1x16xf32>,
        %get3A_726 = vector.shape_cast %get3A_725 : vector<1x16xf32> to vector<16xf32>
        %add3A_727 = arith.addf %add3A_683, %get3A_726 : vector<16xf32>
        %mul3A_728 = arith.constant 7 : i32
        %mul3A_729 = arith.muli %scan3A_588, %mul3A_728 : i32
        %add3A_730 = arith.constant 3 : i32
        %add3A_731 = arith.addi %mul3A_729, %add3A_730 : i32
        %get3A_732 = arith.index_cast %add3A_731 : i32 to index
        %get3A_733 = arith.constant 0 : index
        %get3A_734 = tpu.vector_load %arg6[%get3A_732, %get3A_733] {strides = array<i32>} : memref<196x128xf32, #tpu.memory_space<vmem>>, vector<1x16xf32>,
        %get3A_735 = vector.shape_cast %get3A_734 : vector<1x16xf32> to vector<16xf32>
        %add3A_736 = arith.addf %add3A_692, %get3A_735 : vector<16xf32>
        %get3A_737 = arith.index_cast %add3A_731 : i32 to index
        %get3A_738 = arith.constant 16 : index
        %get3A_739 = tpu.vector_load %arg6[%get3A_737, %get3A_738] {strides = array<i32>} : memref<196x128xf32, #tpu.memory_space<vmem>>, vector<1x16xf32>,
        %get3A_740 = vector.shape_cast %get3A_739 : vector<1x16xf32> to vector<16xf32>
        %add3A_741 = arith.addf %add3A_697, %get3A_740 : vector<16xf32>
        %get3A_742 = arith.index_cast %add3A_731 : i32 to index
        %get3A_743 = arith.constant 32 : index
        %get3A_744 = tpu.vector_load %arg6[%get3A_742, %get3A_743] {strides = array<i32>} : memref<196x128xf32, #tpu.memory_space<vmem>>, vector<1x16xf32>,
        %get3A_745 = vector.shape_cast %get3A_744 : vector<1x16xf32> to vector<16xf32>
        %add3A_746 = arith.addf %add3A_702, %get3A_745 : vector<16xf32>
        %get3A_747 = arith.index_cast %add3A_731 : i32 to index
        %get3A_748 = arith.constant 48 : index
        %get3A_749 = tpu.vector_load %arg6[%get3A_747, %get3A_748] {strides = array<i32>} : memref<196x128xf32, #tpu.memory_space<vmem>>, vector<1x16xf32>,
        %get3A_750 = vector.shape_cast %get3A_749 : vector<1x16xf32> to vector<16xf32>
        %add3A_751 = arith.addf %add3A_707, %get3A_750 : vector<16xf32>
        %get3A_752 = arith.index_cast %add3A_731 : i32 to index
        %get3A_753 = arith.constant 64 : index
        %get3A_754 = tpu.vector_load %arg6[%get3A_752, %get3A_753] {strides = array<i32>} : memref<196x128xf32, #tpu.memory_space<vmem>>, vector<1x16xf32>,
        %get3A_755 = vector.shape_cast %get3A_754 : vector<1x16xf32> to vector<16xf32>
        %add3A_756 = arith.addf %add3A_712, %get3A_755 : vector<16xf32>
        %get3A_757 = arith.index_cast %add3A_731 : i32 to index
        %get3A_758 = arith.constant 80 : index
        %get3A_759 = tpu.vector_load %arg6[%get3A_757, %get3A_758] {strides = array<i32>} : memref<196x128xf32, #tpu.memory_space<vmem>>, vector<1x16xf32>,
        %get3A_760 = vector.shape_cast %get3A_759 : vector<1x16xf32> to vector<16xf32>
        %add3A_761 = arith.addf %add3A_717, %get3A_760 : vector<16xf32>
        %get3A_762 = arith.index_cast %add3A_731 : i32 to index
        %get3A_763 = arith.constant 96 : index
        %get3A_764 = tpu.vector_load %arg6[%get3A_762, %get3A_763] {strides = array<i32>} : memref<196x128xf32, #tpu.memory_space<vmem>>, vector<1x16xf32>,
        %get3A_765 = vector.shape_cast %get3A_764 : vector<1x16xf32> to vector<16xf32>
        %add3A_766 = arith.addf %add3A_722, %get3A_765 : vector<16xf32>
        %get3A_767 = arith.index_cast %add3A_731 : i32 to index
        %get3A_768 = arith.constant 112 : index
        %get3A_769 = tpu.vector_load %arg6[%get3A_767, %get3A_768] {strides = array<i32>} : memref<196x128xf32, #tpu.memory_space<vmem>>, vector<1x16xf32>,
        %get3A_770 = vector.shape_cast %get3A_769 : vector<1x16xf32> to vector<16xf32>
        %add3A_771 = arith.addf %add3A_727, %get3A_770 : vector<16xf32>
        %mul3A_772 = arith.constant 7 : i32
        %mul3A_773 = arith.muli %scan3A_588, %mul3A_772 : i32
        %add3A_774 = arith.constant 4 : i32
        %add3A_775 = arith.addi %mul3A_773, %add3A_774 : i32
        %get3A_776 = arith.index_cast %add3A_775 : i32 to index
        %get3A_777 = arith.constant 0 : index
        %get3A_778 = tpu.vector_load %arg6[%get3A_776, %get3A_777] {strides = array<i32>} : memref<196x128xf32, #tpu.memory_space<vmem>>, vector<1x16xf32>,
        %get3A_779 = vector.shape_cast %get3A_778 : vector<1x16xf32> to vector<16xf32>
        %add3A_780 = arith.addf %add3A_736, %get3A_779 : vector<16xf32>
        %get3A_781 = arith.index_cast %add3A_775 : i32 to index
        %get3A_782 = arith.constant 16 : index
        %get3A_783 = tpu.vector_load %arg6[%get3A_781, %get3A_782] {strides = array<i32>} : memref<196x128xf32, #tpu.memory_space<vmem>>, vector<1x16xf32>,
        %get3A_784 = vector.shape_cast %get3A_783 : vector<1x16xf32> to vector<16xf32>
        %add3A_785 = arith.addf %add3A_741, %get3A_784 : vector<16xf32>
        %get3A_786 = arith.index_cast %add3A_775 : i32 to index
        %get3A_787 = arith.constant 32 : index
        %get3A_788 = tpu.vector_load %arg6[%get3A_786, %get3A_787] {strides = array<i32>} : memref<196x128xf32, #tpu.memory_space<vmem>>, vector<1x16xf32>,
        %get3A_789 = vector.shape_cast %get3A_788 : vector<1x16xf32> to vector<16xf32>
        %add3A_790 = arith.addf %add3A_746, %get3A_789 : vector<16xf32>
        %get3A_791 = arith.index_cast %add3A_775 : i32 to index
        %get3A_792 = arith.constant 48 : index
        %get3A_793 = tpu.vector_load %arg6[%get3A_791, %get3A_792] {strides = array<i32>} : memref<196x128xf32, #tpu.memory_space<vmem>>, vector<1x16xf32>,
        %get3A_794 = vector.shape_cast %get3A_793 : vector<1x16xf32> to vector<16xf32>
        %add3A_795 = arith.addf %add3A_751, %get3A_794 : vector<16xf32>
        %get3A_796 = arith.index_cast %add3A_775 : i32 to index
        %get3A_797 = arith.constant 64 : index
        %get3A_798 = tpu.vector_load %arg6[%get3A_796, %get3A_797] {strides = array<i32>} : memref<196x128xf32, #tpu.memory_space<vmem>>, vector<1x16xf32>,
        %get3A_799 = vector.shape_cast %get3A_798 : vector<1x16xf32> to vector<16xf32>
        %add3A_800 = arith.addf %add3A_756, %get3A_799 : vector<16xf32>
        %get3A_801 = arith.index_cast %add3A_775 : i32 to index
        %get3A_802 = arith.constant 80 : index
        %get3A_803 = tpu.vector_load %arg6[%get3A_801, %get3A_802] {strides = array<i32>} : memref<196x128xf32, #tpu.memory_space<vmem>>, vector<1x16xf32>,
        %get3A_804 = vector.shape_cast %get3A_803 : vector<1x16xf32> to vector<16xf32>
        %add3A_805 = arith.addf %add3A_761, %get3A_804 : vector<16xf32>
        %get3A_806 = arith.index_cast %add3A_775 : i32 to index
        %get3A_807 = arith.constant 96 : index
        %get3A_808 = tpu.vector_load %arg6[%get3A_806, %get3A_807] {strides = array<i32>} : memref<196x128xf32, #tpu.memory_space<vmem>>, vector<1x16xf32>,
        %get3A_809 = vector.shape_cast %get3A_808 : vector<1x16xf32> to vector<16xf32>
        %add3A_810 = arith.addf %add3A_766, %get3A_809 : vector<16xf32>
        %get3A_811 = arith.index_cast %add3A_775 : i32 to index
        %get3A_812 = arith.constant 112 : index
        %get3A_813 = tpu.vector_load %arg6[%get3A_811, %get3A_812] {strides = array<i32>} : memref<196x128xf32, #tpu.memory_space<vmem>>, vector<1x16xf32>,
        %get3A_814 = vector.shape_cast %get3A_813 : vector<1x16xf32> to vector<16xf32>
        %add3A_815 = arith.addf %add3A_771, %get3A_814 : vector<16xf32>
        %mul3A_816 = arith.constant 7 : i32
        %mul3A_817 = arith.muli %scan3A_588, %mul3A_816 : i32
        %add3A_818 = arith.constant 5 : i32
        %add3A_819 = arith.addi %mul3A_817, %add3A_818 : i32
        %get3A_820 = arith.index_cast %add3A_819 : i32 to index
        %get3A_821 = arith.constant 0 : index
        %get3A_822 = tpu.vector_load %arg6[%get3A_820, %get3A_821] {strides = array<i32>} : memref<196x128xf32, #tpu.memory_space<vmem>>, vector<1x16xf32>,
        %get3A_823 = vector.shape_cast %get3A_822 : vector<1x16xf32> to vector<16xf32>
        %add3A_824 = arith.addf %add3A_780, %get3A_823 : vector<16xf32>
        %get3A_825 = arith.index_cast %add3A_819 : i32 to index
        %get3A_826 = arith.constant 16 : index
        %get3A_827 = tpu.vector_load %arg6[%get3A_825, %get3A_826] {strides = array<i32>} : memref<196x128xf32, #tpu.memory_space<vmem>>, vector<1x16xf32>,
        %get3A_828 = vector.shape_cast %get3A_827 : vector<1x16xf32> to vector<16xf32>
        %add3A_829 = arith.addf %add3A_785, %get3A_828 : vector<16xf32>
        %get3A_830 = arith.index_cast %add3A_819 : i32 to index
        %get3A_831 = arith.constant 32 : index
        %get3A_832 = tpu.vector_load %arg6[%get3A_830, %get3A_831] {strides = array<i32>} : memref<196x128xf32, #tpu.memory_space<vmem>>, vector<1x16xf32>,
        %get3A_833 = vector.shape_cast %get3A_832 : vector<1x16xf32> to vector<16xf32>
        %add3A_834 = arith.addf %add3A_790, %get3A_833 : vector<16xf32>
        %get3A_835 = arith.index_cast %add3A_819 : i32 to index
        %get3A_836 = arith.constant 48 : index
        %get3A_837 = tpu.vector_load %arg6[%get3A_835, %get3A_836] {strides = array<i32>} : memref<196x128xf32, #tpu.memory_space<vmem>>, vector<1x16xf32>,
        %get3A_838 = vector.shape_cast %get3A_837 : vector<1x16xf32> to vector<16xf32>
        %add3A_839 = arith.addf %add3A_795, %get3A_838 : vector<16xf32>
        %get3A_840 = arith.index_cast %add3A_819 : i32 to index
        %get3A_841 = arith.constant 64 : index
        %get3A_842 = tpu.vector_load %arg6[%get3A_840, %get3A_841] {strides = array<i32>} : memref<196x128xf32, #tpu.memory_space<vmem>>, vector<1x16xf32>,
        %get3A_843 = vector.shape_cast %get3A_842 : vector<1x16xf32> to vector<16xf32>
        %add3A_844 = arith.addf %add3A_800, %get3A_843 : vector<16xf32>
        %get3A_845 = arith.index_cast %add3A_819 : i32 to index
        %get3A_846 = arith.constant 80 : index
        %get3A_847 = tpu.vector_load %arg6[%get3A_845, %get3A_846] {strides = array<i32>} : memref<196x128xf32, #tpu.memory_space<vmem>>, vector<1x16xf32>,
        %get3A_848 = vector.shape_cast %get3A_847 : vector<1x16xf32> to vector<16xf32>
        %add3A_849 = arith.addf %add3A_805, %get3A_848 : vector<16xf32>
        %get3A_850 = arith.index_cast %add3A_819 : i32 to index
        %get3A_851 = arith.constant 96 : index
        %get3A_852 = tpu.vector_load %arg6[%get3A_850, %get3A_851] {strides = array<i32>} : memref<196x128xf32, #tpu.memory_space<vmem>>, vector<1x16xf32>,
        %get3A_853 = vector.shape_cast %get3A_852 : vector<1x16xf32> to vector<16xf32>
        %add3A_854 = arith.addf %add3A_810, %get3A_853 : vector<16xf32>
        %get3A_855 = arith.index_cast %add3A_819 : i32 to index
        %get3A_856 = arith.constant 112 : index
        %get3A_857 = tpu.vector_load %arg6[%get3A_855, %get3A_856] {strides = array<i32>} : memref<196x128xf32, #tpu.memory_space<vmem>>, vector<1x16xf32>,
        %get3A_858 = vector.shape_cast %get3A_857 : vector<1x16xf32> to vector<16xf32>
        %add3A_859 = arith.addf %add3A_815, %get3A_858 : vector<16xf32>
        %mul3A_860 = arith.constant 7 : i32
        %mul3A_861 = arith.muli %scan3A_588, %mul3A_860 : i32
        %add3A_862 = arith.constant 6 : i32
        %add3A_863 = arith.addi %mul3A_861, %add3A_862 : i32
        %get3A_864 = arith.index_cast %add3A_863 : i32 to index
        %get3A_865 = arith.constant 0 : index
        %get3A_866 = tpu.vector_load %arg6[%get3A_864, %get3A_865] {strides = array<i32>} : memref<196x128xf32, #tpu.memory_space<vmem>>, vector<1x16xf32>,
        %get3A_867 = vector.shape_cast %get3A_866 : vector<1x16xf32> to vector<16xf32>
        %add3A_868 = arith.addf %add3A_824, %get3A_867 : vector<16xf32>
        %get3A_869 = arith.index_cast %add3A_863 : i32 to index
        %get3A_870 = arith.constant 16 : index
        %get3A_871 = tpu.vector_load %arg6[%get3A_869, %get3A_870] {strides = array<i32>} : memref<196x128xf32, #tpu.memory_space<vmem>>, vector<1x16xf32>,
        %get3A_872 = vector.shape_cast %get3A_871 : vector<1x16xf32> to vector<16xf32>
        %add3A_873 = arith.addf %add3A_829, %get3A_872 : vector<16xf32>
        %get3A_874 = arith.index_cast %add3A_863 : i32 to index
        %get3A_875 = arith.constant 32 : index
        %get3A_876 = tpu.vector_load %arg6[%get3A_874, %get3A_875] {strides = array<i32>} : memref<196x128xf32, #tpu.memory_space<vmem>>, vector<1x16xf32>,
        %get3A_877 = vector.shape_cast %get3A_876 : vector<1x16xf32> to vector<16xf32>
        %add3A_878 = arith.addf %add3A_834, %get3A_877 : vector<16xf32>
        %get3A_879 = arith.index_cast %add3A_863 : i32 to index
        %get3A_880 = arith.constant 48 : index
        %get3A_881 = tpu.vector_load %arg6[%get3A_879, %get3A_880] {strides = array<i32>} : memref<196x128xf32, #tpu.memory_space<vmem>>, vector<1x16xf32>,
        %get3A_882 = vector.shape_cast %get3A_881 : vector<1x16xf32> to vector<16xf32>
        %add3A_883 = arith.addf %add3A_839, %get3A_882 : vector<16xf32>
        %get3A_884 = arith.index_cast %add3A_863 : i32 to index
        %get3A_885 = arith.constant 64 : index
        %get3A_886 = tpu.vector_load %arg6[%get3A_884, %get3A_885] {strides = array<i32>} : memref<196x128xf32, #tpu.memory_space<vmem>>, vector<1x16xf32>,
        %get3A_887 = vector.shape_cast %get3A_886 : vector<1x16xf32> to vector<16xf32>
        %add3A_888 = arith.addf %add3A_844, %get3A_887 : vector<16xf32>
        %get3A_889 = arith.index_cast %add3A_863 : i32 to index
        %get3A_890 = arith.constant 80 : index
        %get3A_891 = tpu.vector_load %arg6[%get3A_889, %get3A_890] {strides = array<i32>} : memref<196x128xf32, #tpu.memory_space<vmem>>, vector<1x16xf32>,
        %get3A_892 = vector.shape_cast %get3A_891 : vector<1x16xf32> to vector<16xf32>
        %add3A_893 = arith.addf %add3A_849, %get3A_892 : vector<16xf32>
        %get3A_894 = arith.index_cast %add3A_863 : i32 to index
        %get3A_895 = arith.constant 96 : index
        %get3A_896 = tpu.vector_load %arg6[%get3A_894, %get3A_895] {strides = array<i32>} : memref<196x128xf32, #tpu.memory_space<vmem>>, vector<1x16xf32>,
        %get3A_897 = vector.shape_cast %get3A_896 : vector<1x16xf32> to vector<16xf32>
        %add3A_898 = arith.addf %add3A_854, %get3A_897 : vector<16xf32>
        %get3A_899 = arith.index_cast %add3A_863 : i32 to index
        %get3A_900 = arith.constant 112 : index
        %get3A_901 = tpu.vector_load %arg6[%get3A_899, %get3A_900] {strides = array<i32>} : memref<196x128xf32, #tpu.memory_space<vmem>>, vector<1x16xf32>,
        %get3A_902 = vector.shape_cast %get3A_901 : vector<1x16xf32> to vector<16xf32>
        %add3A_903 = arith.addf %add3A_859, %get3A_902 : vector<16xf32>
        scf.yield %add3A_868, %add3A_873, %add3A_878, %add3A_883, %add3A_888, %add3A_893, %add3A_898, %add3A_903 : vector<16xf32>, vector<16xf32>, vector<16xf32>, vector<16xf32>, vector<16xf32>, vector<16xf32>, vector<16xf32>, vector<16xf32>
      }
      %scan3A_440 = arith.constant 28 : i32
      %mul3A_441 = arith.constant 0.00510204071 : f32
      %mul3A_442 = vector.broadcast %mul3A_441 : f32 to vector<16xf32>
      %mul3A_443 = arith.mulf %scan3A_439#0, %mul3A_442 : vector<16xf32>
      %swap3A_444 = arith.constant 512 : index
      %swap3A_445 = tpu.vector_load %arg8[%swap3A_444] {strides = array<i32>} : memref<768xf32, #tpu.memory_space<vmem>>, vector<16xf32>,
      %swap3A_446 = vector.shape_cast %swap3A_445 : vector<16xf32> to vector<16xf32>
      %swap3A_447 = vector.shape_cast %mul3A_443 : vector<16xf32> to vector<16xf32>
      tpu.vector_store %arg8[%swap3A_444], %swap3A_447 {strides = array<i32>} : memref<768xf32, #tpu.memory_space<vmem>>, vector<16xf32>,
      %mul3A_448 = arith.constant 0.00510204071 : f32
      %mul3A_449 = vector.broadcast %mul3A_448 : f32 to vector<16xf32>
      %mul3A_450 = arith.mulf %scan3A_439#1, %mul3A_449 : vector<16xf32>
      %swap3A_451 = arith.constant 528 : index
      %swap3A_452 = tpu.vector_load %arg8[%swap3A_451] {strides = array<i32>} : memref<768xf32, #tpu.memory_space<vmem>>, vector<16xf32>,
      %swap3A_453 = vector.shape_cast %swap3A_452 : vector<16xf32> to vector<16xf32>
      %swap3A_454 = vector.shape_cast %mul3A_450 : vector<16xf32> to vector<16xf32>
      tpu.vector_store %arg8[%swap3A_451], %swap3A_454 {strides = array<i32>} : memref<768xf32, #tpu.memory_space<vmem>>, vector<16xf32>,
      %mul3A_455 = arith.constant 0.00510204071 : f32
      %mul3A_456 = vector.broadcast %mul3A_455 : f32 to vector<16xf32>
      %mul3A_457 = arith.mulf %scan3A_439#2, %mul3A_456 : vector<16xf32>
      %swap3A_458 = arith.constant 544 : index
      %swap3A_459 = tpu.vector_load %arg8[%swap3A_458] {strides = array<i32>} : memref<768xf32, #tpu.memory_space<vmem>>, vector<16xf32>,
      %swap3A_460 = vector.shape_cast %swap3A_459 : vector<16xf32> to vector<16xf32>
      %swap3A_461 = vector.shape_cast %mul3A_457 : vector<16xf32> to vector<16xf32>
      tpu.vector_store %arg8[%swap3A_458], %swap3A_461 {strides = array<i32>} : memref<768xf32, #tpu.memory_space<vmem>>, vector<16xf32>,
      %mul3A_462 = arith.constant 0.00510204071 : f32
      %mul3A_463 = vector.broadcast %mul3A_462 : f32 to vector<16xf32>
      %mul3A_464 = arith.mulf %scan3A_439#3, %mul3A_463 : vector<16xf32>
      %swap3A_465 = arith.constant 560 : index
      %swap3A_466 = tpu.vector_load %arg8[%swap3A_465] {strides = array<i32>} : memref<768xf32, #tpu.memory_space<vmem>>, vector<16xf32>,
      %swap3A_467 = vector.shape_cast %swap3A_466 : vector<16xf32> to vector<16xf32>
      %swap3A_468 = vector.shape_cast %mul3A_464 : vector<16xf32> to vector<16xf32>
      tpu.vector_store %arg8[%swap3A_465], %swap3A_468 {strides = array<i32>} : memref<768xf32, #tpu.memory_space<vmem>>, vector<16xf32>,
      %mul3A_469 = arith.constant 0.00510204071 : f32
      %mul3A_470 = vector.broadcast %mul3A_469 : f32 to vector<16xf32>
      %mul3A_471 = arith.mulf %scan3A_439#4, %mul3A_470 : vector<16xf32>
      %swap3A_472 = arith.constant 576 : index
      %swap3A_473 = tpu.vector_load %arg8[%swap3A_472] {strides = array<i32>} : memref<768xf32, #tpu.memory_space<vmem>>, vector<16xf32>,
      %swap3A_474 = vector.shape_cast %swap3A_473 : vector<16xf32> to vector<16xf32>
      %swap3A_475 = vector.shape_cast %mul3A_471 : vector<16xf32> to vector<16xf32>
      tpu.vector_store %arg8[%swap3A_472], %swap3A_475 {strides = array<i32>} : memref<768xf32, #tpu.memory_space<vmem>>, vector<16xf32>,
      %mul3A_476 = arith.constant 0.00510204071 : f32
      %mul3A_477 = vector.broadcast %mul3A_476 : f32 to vector<16xf32>
      %mul3A_478 = arith.mulf %scan3A_439#5, %mul3A_477 : vector<16xf32>
      %swap3A_479 = arith.constant 592 : index
      %swap3A_480 = tpu.vector_load %arg8[%swap3A_479] {strides = array<i32>} : memref<768xf32, #tpu.memory_space<vmem>>, vector<16xf32>,
      %swap3A_481 = vector.shape_cast %swap3A_480 : vector<16xf32> to vector<16xf32>
      %swap3A_482 = vector.shape_cast %mul3A_478 : vector<16xf32> to vector<16xf32>
      tpu.vector_store %arg8[%swap3A_479], %swap3A_482 {strides = array<i32>} : memref<768xf32, #tpu.memory_space<vmem>>, vector<16xf32>,
      %mul3A_483 = arith.constant 0.00510204071 : f32
      %mul3A_484 = vector.broadcast %mul3A_483 : f32 to vector<16xf32>
      %mul3A_485 = arith.mulf %scan3A_439#6, %mul3A_484 : vector<16xf32>
      %swap3A_486 = arith.constant 608 : index
      %swap3A_487 = tpu.vector_load %arg8[%swap3A_486] {strides = array<i32>} : memref<768xf32, #tpu.memory_space<vmem>>, vector<16xf32>,
      %swap3A_488 = vector.shape_cast %swap3A_487 : vector<16xf32> to vector<16xf32>
      %swap3A_489 = vector.shape_cast %mul3A_485 : vector<16xf32> to vector<16xf32>
      tpu.vector_store %arg8[%swap3A_486], %swap3A_489 {strides = array<i32>} : memref<768xf32, #tpu.memory_space<vmem>>, vector<16xf32>,
      %mul3A_490 = arith.constant 0.00510204071 : f32
      %mul3A_491 = vector.broadcast %mul3A_490 : f32 to vector<16xf32>
      %mul3A_492 = arith.mulf %scan3A_439#7, %mul3A_491 : vector<16xf32>
      %swap3A_493 = arith.constant 624 : index
      %swap3A_494 = tpu.vector_load %arg8[%swap3A_493] {strides = array<i32>} : memref<768xf32, #tpu.memory_space<vmem>>, vector<16xf32>,
      %swap3A_495 = vector.shape_cast %swap3A_494 : vector<16xf32> to vector<16xf32>
      %swap3A_496 = vector.shape_cast %mul3A_492 : vector<16xf32> to vector<16xf32>
      tpu.vector_store %arg8[%swap3A_493], %swap3A_496 {strides = array<i32>} : memref<768xf32, #tpu.memory_space<vmem>>, vector<16xf32>,
      %add3A_497 = arith.addi %mul3A_2, %scan3A_18 : i32
      %dma_wait3A_498 = arith.constant 0 : i32
      %dma_wait3A_499 = arith.constant 640 : i32
      %dma_wait3A_500 = tpu.memref_slice %arg2[%add3A_497, %dma_wait3A_498, %dma_wait3A_499] : memref<512x196x768xf32, #tpu.memory_space<hbm>> -> memref<1x196x128xf32, #tpu.memory_space<hbm>>
      %dma_wait3A_501 = tpu.memref_squeeze %dma_wait3A_500 : memref<1x196x128xf32, #tpu.memory_space<hbm>> -> memref<196x128xf32, #tpu.memory_space<hbm>>
      %dma_wait3A_502 = arith.constant 0 : i32
      %dma_wait3A_503 = arith.constant 640 : i32
      %dma_wait3A_504 = tpu.memref_slice %arg2[%add3A_497, %dma_wait3A_502, %dma_wait3A_503] : memref<512x196x768xf32, #tpu.memory_space<hbm>> -> memref<1x196x128xf32, #tpu.memory_space<hbm>>
      %dma_wait3A_505 = tpu.memref_squeeze %dma_wait3A_504 : memref<1x196x128xf32, #tpu.memory_space<hbm>> -> memref<196x128xf32, #tpu.memory_space<hbm>>
      tpu.wait_dma2 semaphore(%arg11 : memref<!tpu.dma_semaphore, #tpu.memory_space<semaphore_mem>>) src(%dma_wait3A_505 : memref<196x128xf32, #tpu.memory_space<hbm>>) dst(%arg7 : memref<196x128xf32, #tpu.memory_space<vmem>>)
      %lt3A = arith.constant 15 : i32
      %lt3A_506 = arith.cmpi slt, %scan3A_18, %lt3A : i32
      %convert_element_type3A = arith.extui %lt3A_506 : i1 to i32
      %cond3A = arith.constant 0 : i32
      %cond3A_507 = arith.cmpi ne, %convert_element_type3A, %cond3A : i32
      scf.if %cond3A_507 {
        %add3A_588 = arith.constant 1 : i32
        %add3A_589 = arith.addi %scan3A_18, %add3A_588 : i32
        %add3A_590 = arith.addi %mul3A_2, %add3A_589 : i32
        %dma_start3A_591 = arith.constant 0 : i32
        %dma_start3A_592 = arith.constant 0 : i32
        %dma_start3A_593 = tpu.memref_slice %arg2[%add3A_590, %dma_start3A_591, %dma_start3A_592] : memref<512x196x768xf32, #tpu.memory_space<hbm>> -> memref<1x196x128xf32, #tpu.memory_space<hbm>>
        %dma_start3A_594 = tpu.memref_squeeze %dma_start3A_593 : memref<1x196x128xf32, #tpu.memory_space<hbm>> -> memref<196x128xf32, #tpu.memory_space<hbm>>
        %dma_start3A_595 = arith.constant 0 : i32
        %dma_start3A_596 = arith.constant 0 : i32
        %dma_start3A_597 = tpu.memref_slice %arg2[%add3A_590, %dma_start3A_595, %dma_start3A_596] : memref<512x196x768xf32, #tpu.memory_space<hbm>> -> memref<1x196x128xf32, #tpu.memory_space<hbm>>
        %dma_start3A_598 = tpu.memref_squeeze %dma_start3A_597 : memref<1x196x128xf32, #tpu.memory_space<hbm>> -> memref<196x128xf32, #tpu.memory_space<hbm>>
        tpu.enqueue_dma source(%dma_start3A_598 : memref<196x128xf32, #tpu.memory_space<hbm>>) target(%arg6 : memref<196x128xf32, #tpu.memory_space<vmem>>) target_semaphore(%arg10 : memref<!tpu.dma_semaphore, #tpu.memory_space<semaphore_mem>>)
      } else {
      }
      %broadcast_in_dim3A_508 = arith.constant 0.000000e+00 : f32
      %broadcast_in_dim3A_509 = vector.broadcast %broadcast_in_dim3A_508 : f32 to vector<16xf32>
      %broadcast_in_dim3A_510 = arith.constant 0.000000e+00 : f32
      %broadcast_in_dim3A_511 = vector.broadcast %broadcast_in_dim3A_510 : f32 to vector<16xf32>
      %broadcast_in_dim3A_512 = arith.constant 0.000000e+00 : f32
      %broadcast_in_dim3A_513 = vector.broadcast %broadcast_in_dim3A_512 : f32 to vector<16xf32>
      %broadcast_in_dim3A_514 = arith.constant 0.000000e+00 : f32
      %broadcast_in_dim3A_515 = vector.broadcast %broadcast_in_dim3A_514 : f32 to vector<16xf32>
      %broadcast_in_dim3A_516 = arith.constant 0.000000e+00 : f32
      %broadcast_in_dim3A_517 = vector.broadcast %broadcast_in_dim3A_516 : f32 to vector<16xf32>
      %broadcast_in_dim3A_518 = arith.constant 0.000000e+00 : f32
      %broadcast_in_dim3A_519 = vector.broadcast %broadcast_in_dim3A_518 : f32 to vector<16xf32>
      %broadcast_in_dim3A_520 = arith.constant 0.000000e+00 : f32
      %broadcast_in_dim3A_521 = vector.broadcast %broadcast_in_dim3A_520 : f32 to vector<16xf32>
      %broadcast_in_dim3A_522 = arith.constant 0.000000e+00 : f32
      %broadcast_in_dim3A_523 = vector.broadcast %broadcast_in_dim3A_522 : f32 to vector<16xf32>
      %scan3A_524 = arith.constant 0 : i32
      %scan3A_525 = arith.constant 28 : i32
      %scan3A_526 = arith.addi %scan3A_524, %scan3A_525 : i32
      %scan3A_527 = arith.constant 1 : i32
      %scan3A_528:8 = scf.for %scan3A_588 = %scan3A_524 to %scan3A_526 step %scan3A_527 iter_args(%scan3A_589 = %broadcast_in_dim3A_509, %scan3A_590 = %broadcast_in_dim3A_511, %scan3A_591 = %broadcast_in_dim3A_513, %scan3A_592 = %broadcast_in_dim3A_515, %scan3A_593 = %broadcast_in_dim3A_517, %scan3A_594 = %broadcast_in_dim3A_519, %scan3A_595 = %broadcast_in_dim3A_521, %scan3A_596 = %broadcast_in_dim3A_523) -> (vector<16xf32>, vector<16xf32>, vector<16xf32>, vector<16xf32>, vector<16xf32>, vector<16xf32>, vector<16xf32>, vector<16xf32>)  : i32 {
        %mul3A_597 = arith.constant 7 : i32
        %mul3A_598 = arith.muli %scan3A_588, %mul3A_597 : i32
        %add3A_599 = arith.constant 0 : i32
        %add3A_600 = arith.addi %mul3A_598, %add3A_599 : i32
        %get3A = arith.index_cast %add3A_600 : i32 to index
        %get3A_601 = arith.constant 0 : index
        %get3A_602 = tpu.vector_load %arg7[%get3A, %get3A_601] {strides = array<i32>} : memref<196x128xf32, #tpu.memory_space<vmem>>, vector<1x16xf32>,
        %get3A_603 = vector.shape_cast %get3A_602 : vector<1x16xf32> to vector<16xf32>
        %add3A_604 = arith.addf %scan3A_589, %get3A_603 : vector<16xf32>
        %get3A_605 = arith.index_cast %add3A_600 : i32 to index
        %get3A_606 = arith.constant 16 : index
        %get3A_607 = tpu.vector_load %arg7[%get3A_605, %get3A_606] {strides = array<i32>} : memref<196x128xf32, #tpu.memory_space<vmem>>, vector<1x16xf32>,
        %get3A_608 = vector.shape_cast %get3A_607 : vector<1x16xf32> to vector<16xf32>
        %add3A_609 = arith.addf %scan3A_590, %get3A_608 : vector<16xf32>
        %get3A_610 = arith.index_cast %add3A_600 : i32 to index
        %get3A_611 = arith.constant 32 : index
        %get3A_612 = tpu.vector_load %arg7[%get3A_610, %get3A_611] {strides = array<i32>} : memref<196x128xf32, #tpu.memory_space<vmem>>, vector<1x16xf32>,
        %get3A_613 = vector.shape_cast %get3A_612 : vector<1x16xf32> to vector<16xf32>
        %add3A_614 = arith.addf %scan3A_591, %get3A_613 : vector<16xf32>
        %get3A_615 = arith.index_cast %add3A_600 : i32 to index
        %get3A_616 = arith.constant 48 : index
        %get3A_617 = tpu.vector_load %arg7[%get3A_615, %get3A_616] {strides = array<i32>} : memref<196x128xf32, #tpu.memory_space<vmem>>, vector<1x16xf32>,
        %get3A_618 = vector.shape_cast %get3A_617 : vector<1x16xf32> to vector<16xf32>
        %add3A_619 = arith.addf %scan3A_592, %get3A_618 : vector<16xf32>
        %get3A_620 = arith.index_cast %add3A_600 : i32 to index
        %get3A_621 = arith.constant 64 : index
        %get3A_622 = tpu.vector_load %arg7[%get3A_620, %get3A_621] {strides = array<i32>} : memref<196x128xf32, #tpu.memory_space<vmem>>, vector<1x16xf32>,
        %get3A_623 = vector.shape_cast %get3A_622 : vector<1x16xf32> to vector<16xf32>
        %add3A_624 = arith.addf %scan3A_593, %get3A_623 : vector<16xf32>
        %get3A_625 = arith.index_cast %add3A_600 : i32 to index
        %get3A_626 = arith.constant 80 : index
        %get3A_627 = tpu.vector_load %arg7[%get3A_625, %get3A_626] {strides = array<i32>} : memref<196x128xf32, #tpu.memory_space<vmem>>, vector<1x16xf32>,
        %get3A_628 = vector.shape_cast %get3A_627 : vector<1x16xf32> to vector<16xf32>
        %add3A_629 = arith.addf %scan3A_594, %get3A_628 : vector<16xf32>
        %get3A_630 = arith.index_cast %add3A_600 : i32 to index
        %get3A_631 = arith.constant 96 : index
        %get3A_632 = tpu.vector_load %arg7[%get3A_630, %get3A_631] {strides = array<i32>} : memref<196x128xf32, #tpu.memory_space<vmem>>, vector<1x16xf32>,
        %get3A_633 = vector.shape_cast %get3A_632 : vector<1x16xf32> to vector<16xf32>
        %add3A_634 = arith.addf %scan3A_595, %get3A_633 : vector<16xf32>
        %get3A_635 = arith.index_cast %add3A_600 : i32 to index
        %get3A_636 = arith.constant 112 : index
        %get3A_637 = tpu.vector_load %arg7[%get3A_635, %get3A_636] {strides = array<i32>} : memref<196x128xf32, #tpu.memory_space<vmem>>, vector<1x16xf32>,
        %get3A_638 = vector.shape_cast %get3A_637 : vector<1x16xf32> to vector<16xf32>
        %add3A_639 = arith.addf %scan3A_596, %get3A_638 : vector<16xf32>
        %mul3A_640 = arith.constant 7 : i32
        %mul3A_641 = arith.muli %scan3A_588, %mul3A_640 : i32
        %add3A_642 = arith.constant 1 : i32
        %add3A_643 = arith.addi %mul3A_641, %add3A_642 : i32
        %get3A_644 = arith.index_cast %add3A_643 : i32 to index
        %get3A_645 = arith.constant 0 : index
        %get3A_646 = tpu.vector_load %arg7[%get3A_644, %get3A_645] {strides = array<i32>} : memref<196x128xf32, #tpu.memory_space<vmem>>, vector<1x16xf32>,
        %get3A_647 = vector.shape_cast %get3A_646 : vector<1x16xf32> to vector<16xf32>
        %add3A_648 = arith.addf %add3A_604, %get3A_647 : vector<16xf32>
        %get3A_649 = arith.index_cast %add3A_643 : i32 to index
        %get3A_650 = arith.constant 16 : index
        %get3A_651 = tpu.vector_load %arg7[%get3A_649, %get3A_650] {strides = array<i32>} : memref<196x128xf32, #tpu.memory_space<vmem>>, vector<1x16xf32>,
        %get3A_652 = vector.shape_cast %get3A_651 : vector<1x16xf32> to vector<16xf32>
        %add3A_653 = arith.addf %add3A_609, %get3A_652 : vector<16xf32>
        %get3A_654 = arith.index_cast %add3A_643 : i32 to index
        %get3A_655 = arith.constant 32 : index
        %get3A_656 = tpu.vector_load %arg7[%get3A_654, %get3A_655] {strides = array<i32>} : memref<196x128xf32, #tpu.memory_space<vmem>>, vector<1x16xf32>,
        %get3A_657 = vector.shape_cast %get3A_656 : vector<1x16xf32> to vector<16xf32>
        %add3A_658 = arith.addf %add3A_614, %get3A_657 : vector<16xf32>
        %get3A_659 = arith.index_cast %add3A_643 : i32 to index
        %get3A_660 = arith.constant 48 : index
        %get3A_661 = tpu.vector_load %arg7[%get3A_659, %get3A_660] {strides = array<i32>} : memref<196x128xf32, #tpu.memory_space<vmem>>, vector<1x16xf32>,
        %get3A_662 = vector.shape_cast %get3A_661 : vector<1x16xf32> to vector<16xf32>
        %add3A_663 = arith.addf %add3A_619, %get3A_662 : vector<16xf32>
        %get3A_664 = arith.index_cast %add3A_643 : i32 to index
        %get3A_665 = arith.constant 64 : index
        %get3A_666 = tpu.vector_load %arg7[%get3A_664, %get3A_665] {strides = array<i32>} : memref<196x128xf32, #tpu.memory_space<vmem>>, vector<1x16xf32>,
        %get3A_667 = vector.shape_cast %get3A_666 : vector<1x16xf32> to vector<16xf32>
        %add3A_668 = arith.addf %add3A_624, %get3A_667 : vector<16xf32>
        %get3A_669 = arith.index_cast %add3A_643 : i32 to index
        %get3A_670 = arith.constant 80 : index
        %get3A_671 = tpu.vector_load %arg7[%get3A_669, %get3A_670] {strides = array<i32>} : memref<196x128xf32, #tpu.memory_space<vmem>>, vector<1x16xf32>,
        %get3A_672 = vector.shape_cast %get3A_671 : vector<1x16xf32> to vector<16xf32>
        %add3A_673 = arith.addf %add3A_629, %get3A_672 : vector<16xf32>
        %get3A_674 = arith.index_cast %add3A_643 : i32 to index
        %get3A_675 = arith.constant 96 : index
        %get3A_676 = tpu.vector_load %arg7[%get3A_674, %get3A_675] {strides = array<i32>} : memref<196x128xf32, #tpu.memory_space<vmem>>, vector<1x16xf32>,
        %get3A_677 = vector.shape_cast %get3A_676 : vector<1x16xf32> to vector<16xf32>
        %add3A_678 = arith.addf %add3A_634, %get3A_677 : vector<16xf32>
        %get3A_679 = arith.index_cast %add3A_643 : i32 to index
        %get3A_680 = arith.constant 112 : index
        %get3A_681 = tpu.vector_load %arg7[%get3A_679, %get3A_680] {strides = array<i32>} : memref<196x128xf32, #tpu.memory_space<vmem>>, vector<1x16xf32>,
        %get3A_682 = vector.shape_cast %get3A_681 : vector<1x16xf32> to vector<16xf32>
        %add3A_683 = arith.addf %add3A_639, %get3A_682 : vector<16xf32>
        %mul3A_684 = arith.constant 7 : i32
        %mul3A_685 = arith.muli %scan3A_588, %mul3A_684 : i32
        %add3A_686 = arith.constant 2 : i32
        %add3A_687 = arith.addi %mul3A_685, %add3A_686 : i32
        %get3A_688 = arith.index_cast %add3A_687 : i32 to index
        %get3A_689 = arith.constant 0 : index
        %get3A_690 = tpu.vector_load %arg7[%get3A_688, %get3A_689] {strides = array<i32>} : memref<196x128xf32, #tpu.memory_space<vmem>>, vector<1x16xf32>,
        %get3A_691 = vector.shape_cast %get3A_690 : vector<1x16xf32> to vector<16xf32>
        %add3A_692 = arith.addf %add3A_648, %get3A_691 : vector<16xf32>
        %get3A_693 = arith.index_cast %add3A_687 : i32 to index
        %get3A_694 = arith.constant 16 : index
        %get3A_695 = tpu.vector_load %arg7[%get3A_693, %get3A_694] {strides = array<i32>} : memref<196x128xf32, #tpu.memory_space<vmem>>, vector<1x16xf32>,
        %get3A_696 = vector.shape_cast %get3A_695 : vector<1x16xf32> to vector<16xf32>
        %add3A_697 = arith.addf %add3A_653, %get3A_696 : vector<16xf32>
        %get3A_698 = arith.index_cast %add3A_687 : i32 to index
        %get3A_699 = arith.constant 32 : index
        %get3A_700 = tpu.vector_load %arg7[%get3A_698, %get3A_699] {strides = array<i32>} : memref<196x128xf32, #tpu.memory_space<vmem>>, vector<1x16xf32>,
        %get3A_701 = vector.shape_cast %get3A_700 : vector<1x16xf32> to vector<16xf32>
        %add3A_702 = arith.addf %add3A_658, %get3A_701 : vector<16xf32>
        %get3A_703 = arith.index_cast %add3A_687 : i32 to index
        %get3A_704 = arith.constant 48 : index
        %get3A_705 = tpu.vector_load %arg7[%get3A_703, %get3A_704] {strides = array<i32>} : memref<196x128xf32, #tpu.memory_space<vmem>>, vector<1x16xf32>,
        %get3A_706 = vector.shape_cast %get3A_705 : vector<1x16xf32> to vector<16xf32>
        %add3A_707 = arith.addf %add3A_663, %get3A_706 : vector<16xf32>
        %get3A_708 = arith.index_cast %add3A_687 : i32 to index
        %get3A_709 = arith.constant 64 : index
        %get3A_710 = tpu.vector_load %arg7[%get3A_708, %get3A_709] {strides = array<i32>} : memref<196x128xf32, #tpu.memory_space<vmem>>, vector<1x16xf32>,
        %get3A_711 = vector.shape_cast %get3A_710 : vector<1x16xf32> to vector<16xf32>
        %add3A_712 = arith.addf %add3A_668, %get3A_711 : vector<16xf32>
        %get3A_713 = arith.index_cast %add3A_687 : i32 to index
        %get3A_714 = arith.constant 80 : index
        %get3A_715 = tpu.vector_load %arg7[%get3A_713, %get3A_714] {strides = array<i32>} : memref<196x128xf32, #tpu.memory_space<vmem>>, vector<1x16xf32>,
        %get3A_716 = vector.shape_cast %get3A_715 : vector<1x16xf32> to vector<16xf32>
        %add3A_717 = arith.addf %add3A_673, %get3A_716 : vector<16xf32>
        %get3A_718 = arith.index_cast %add3A_687 : i32 to index
        %get3A_719 = arith.constant 96 : index
        %get3A_720 = tpu.vector_load %arg7[%get3A_718, %get3A_719] {strides = array<i32>} : memref<196x128xf32, #tpu.memory_space<vmem>>, vector<1x16xf32>,
        %get3A_721 = vector.shape_cast %get3A_720 : vector<1x16xf32> to vector<16xf32>
        %add3A_722 = arith.addf %add3A_678, %get3A_721 : vector<16xf32>
        %get3A_723 = arith.index_cast %add3A_687 : i32 to index
        %get3A_724 = arith.constant 112 : index
        %get3A_725 = tpu.vector_load %arg7[%get3A_723, %get3A_724] {strides = array<i32>} : memref<196x128xf32, #tpu.memory_space<vmem>>, vector<1x16xf32>,
        %get3A_726 = vector.shape_cast %get3A_725 : vector<1x16xf32> to vector<16xf32>
        %add3A_727 = arith.addf %add3A_683, %get3A_726 : vector<16xf32>
        %mul3A_728 = arith.constant 7 : i32
        %mul3A_729 = arith.muli %scan3A_588, %mul3A_728 : i32
        %add3A_730 = arith.constant 3 : i32
        %add3A_731 = arith.addi %mul3A_729, %add3A_730 : i32
        %get3A_732 = arith.index_cast %add3A_731 : i32 to index
        %get3A_733 = arith.constant 0 : index
        %get3A_734 = tpu.vector_load %arg7[%get3A_732, %get3A_733] {strides = array<i32>} : memref<196x128xf32, #tpu.memory_space<vmem>>, vector<1x16xf32>,
        %get3A_735 = vector.shape_cast %get3A_734 : vector<1x16xf32> to vector<16xf32>
        %add3A_736 = arith.addf %add3A_692, %get3A_735 : vector<16xf32>
        %get3A_737 = arith.index_cast %add3A_731 : i32 to index
        %get3A_738 = arith.constant 16 : index
        %get3A_739 = tpu.vector_load %arg7[%get3A_737, %get3A_738] {strides = array<i32>} : memref<196x128xf32, #tpu.memory_space<vmem>>, vector<1x16xf32>,
        %get3A_740 = vector.shape_cast %get3A_739 : vector<1x16xf32> to vector<16xf32>
        %add3A_741 = arith.addf %add3A_697, %get3A_740 : vector<16xf32>
        %get3A_742 = arith.index_cast %add3A_731 : i32 to index
        %get3A_743 = arith.constant 32 : index
        %get3A_744 = tpu.vector_load %arg7[%get3A_742, %get3A_743] {strides = array<i32>} : memref<196x128xf32, #tpu.memory_space<vmem>>, vector<1x16xf32>,
        %get3A_745 = vector.shape_cast %get3A_744 : vector<1x16xf32> to vector<16xf32>
        %add3A_746 = arith.addf %add3A_702, %get3A_745 : vector<16xf32>
        %get3A_747 = arith.index_cast %add3A_731 : i32 to index
        %get3A_748 = arith.constant 48 : index
        %get3A_749 = tpu.vector_load %arg7[%get3A_747, %get3A_748] {strides = array<i32>} : memref<196x128xf32, #tpu.memory_space<vmem>>, vector<1x16xf32>,
        %get3A_750 = vector.shape_cast %get3A_749 : vector<1x16xf32> to vector<16xf32>
        %add3A_751 = arith.addf %add3A_707, %get3A_750 : vector<16xf32>
        %get3A_752 = arith.index_cast %add3A_731 : i32 to index
        %get3A_753 = arith.constant 64 : index
        %get3A_754 = tpu.vector_load %arg7[%get3A_752, %get3A_753] {strides = array<i32>} : memref<196x128xf32, #tpu.memory_space<vmem>>, vector<1x16xf32>,
        %get3A_755 = vector.shape_cast %get3A_754 : vector<1x16xf32> to vector<16xf32>
        %add3A_756 = arith.addf %add3A_712, %get3A_755 : vector<16xf32>
        %get3A_757 = arith.index_cast %add3A_731 : i32 to index
        %get3A_758 = arith.constant 80 : index
        %get3A_759 = tpu.vector_load %arg7[%get3A_757, %get3A_758] {strides = array<i32>} : memref<196x128xf32, #tpu.memory_space<vmem>>, vector<1x16xf32>,
        %get3A_760 = vector.shape_cast %get3A_759 : vector<1x16xf32> to vector<16xf32>
        %add3A_761 = arith.addf %add3A_717, %get3A_760 : vector<16xf32>
        %get3A_762 = arith.index_cast %add3A_731 : i32 to index
        %get3A_763 = arith.constant 96 : index
        %get3A_764 = tpu.vector_load %arg7[%get3A_762, %get3A_763] {strides = array<i32>} : memref<196x128xf32, #tpu.memory_space<vmem>>, vector<1x16xf32>,
        %get3A_765 = vector.shape_cast %get3A_764 : vector<1x16xf32> to vector<16xf32>
        %add3A_766 = arith.addf %add3A_722, %get3A_765 : vector<16xf32>
        %get3A_767 = arith.index_cast %add3A_731 : i32 to index
        %get3A_768 = arith.constant 112 : index
        %get3A_769 = tpu.vector_load %arg7[%get3A_767, %get3A_768] {strides = array<i32>} : memref<196x128xf32, #tpu.memory_space<vmem>>, vector<1x16xf32>,
        %get3A_770 = vector.shape_cast %get3A_769 : vector<1x16xf32> to vector<16xf32>
        %add3A_771 = arith.addf %add3A_727, %get3A_770 : vector<16xf32>
        %mul3A_772 = arith.constant 7 : i32
        %mul3A_773 = arith.muli %scan3A_588, %mul3A_772 : i32
        %add3A_774 = arith.constant 4 : i32
        %add3A_775 = arith.addi %mul3A_773, %add3A_774 : i32
        %get3A_776 = arith.index_cast %add3A_775 : i32 to index
        %get3A_777 = arith.constant 0 : index
        %get3A_778 = tpu.vector_load %arg7[%get3A_776, %get3A_777] {strides = array<i32>} : memref<196x128xf32, #tpu.memory_space<vmem>>, vector<1x16xf32>,
        %get3A_779 = vector.shape_cast %get3A_778 : vector<1x16xf32> to vector<16xf32>
        %add3A_780 = arith.addf %add3A_736, %get3A_779 : vector<16xf32>
        %get3A_781 = arith.index_cast %add3A_775 : i32 to index
        %get3A_782 = arith.constant 16 : index
        %get3A_783 = tpu.vector_load %arg7[%get3A_781, %get3A_782] {strides = array<i32>} : memref<196x128xf32, #tpu.memory_space<vmem>>, vector<1x16xf32>,
        %get3A_784 = vector.shape_cast %get3A_783 : vector<1x16xf32> to vector<16xf32>
        %add3A_785 = arith.addf %add3A_741, %get3A_784 : vector<16xf32>
        %get3A_786 = arith.index_cast %add3A_775 : i32 to index
        %get3A_787 = arith.constant 32 : index
        %get3A_788 = tpu.vector_load %arg7[%get3A_786, %get3A_787] {strides = array<i32>} : memref<196x128xf32, #tpu.memory_space<vmem>>, vector<1x16xf32>,
        %get3A_789 = vector.shape_cast %get3A_788 : vector<1x16xf32> to vector<16xf32>
        %add3A_790 = arith.addf %add3A_746, %get3A_789 : vector<16xf32>
        %get3A_791 = arith.index_cast %add3A_775 : i32 to index
        %get3A_792 = arith.constant 48 : index
        %get3A_793 = tpu.vector_load %arg7[%get3A_791, %get3A_792] {strides = array<i32>} : memref<196x128xf32, #tpu.memory_space<vmem>>, vector<1x16xf32>,
        %get3A_794 = vector.shape_cast %get3A_793 : vector<1x16xf32> to vector<16xf32>
        %add3A_795 = arith.addf %add3A_751, %get3A_794 : vector<16xf32>
        %get3A_796 = arith.index_cast %add3A_775 : i32 to index
        %get3A_797 = arith.constant 64 : index
        %get3A_798 = tpu.vector_load %arg7[%get3A_796, %get3A_797] {strides = array<i32>} : memref<196x128xf32, #tpu.memory_space<vmem>>, vector<1x16xf32>,
        %get3A_799 = vector.shape_cast %get3A_798 : vector<1x16xf32> to vector<16xf32>
        %add3A_800 = arith.addf %add3A_756, %get3A_799 : vector<16xf32>
        %get3A_801 = arith.index_cast %add3A_775 : i32 to index
        %get3A_802 = arith.constant 80 : index
        %get3A_803 = tpu.vector_load %arg7[%get3A_801, %get3A_802] {strides = array<i32>} : memref<196x128xf32, #tpu.memory_space<vmem>>, vector<1x16xf32>,
        %get3A_804 = vector.shape_cast %get3A_803 : vector<1x16xf32> to vector<16xf32>
        %add3A_805 = arith.addf %add3A_761, %get3A_804 : vector<16xf32>
        %get3A_806 = arith.index_cast %add3A_775 : i32 to index
        %get3A_807 = arith.constant 96 : index
        %get3A_808 = tpu.vector_load %arg7[%get3A_806, %get3A_807] {strides = array<i32>} : memref<196x128xf32, #tpu.memory_space<vmem>>, vector<1x16xf32>,
        %get3A_809 = vector.shape_cast %get3A_808 : vector<1x16xf32> to vector<16xf32>
        %add3A_810 = arith.addf %add3A_766, %get3A_809 : vector<16xf32>
        %get3A_811 = arith.index_cast %add3A_775 : i32 to index
        %get3A_812 = arith.constant 112 : index
        %get3A_813 = tpu.vector_load %arg7[%get3A_811, %get3A_812] {strides = array<i32>} : memref<196x128xf32, #tpu.memory_space<vmem>>, vector<1x16xf32>,
        %get3A_814 = vector.shape_cast %get3A_813 : vector<1x16xf32> to vector<16xf32>
        %add3A_815 = arith.addf %add3A_771, %get3A_814 : vector<16xf32>
        %mul3A_816 = arith.constant 7 : i32
        %mul3A_817 = arith.muli %scan3A_588, %mul3A_816 : i32
        %add3A_818 = arith.constant 5 : i32
        %add3A_819 = arith.addi %mul3A_817, %add3A_818 : i32
        %get3A_820 = arith.index_cast %add3A_819 : i32 to index
        %get3A_821 = arith.constant 0 : index
        %get3A_822 = tpu.vector_load %arg7[%get3A_820, %get3A_821] {strides = array<i32>} : memref<196x128xf32, #tpu.memory_space<vmem>>, vector<1x16xf32>,
        %get3A_823 = vector.shape_cast %get3A_822 : vector<1x16xf32> to vector<16xf32>
        %add3A_824 = arith.addf %add3A_780, %get3A_823 : vector<16xf32>
        %get3A_825 = arith.index_cast %add3A_819 : i32 to index
        %get3A_826 = arith.constant 16 : index
        %get3A_827 = tpu.vector_load %arg7[%get3A_825, %get3A_826] {strides = array<i32>} : memref<196x128xf32, #tpu.memory_space<vmem>>, vector<1x16xf32>,
        %get3A_828 = vector.shape_cast %get3A_827 : vector<1x16xf32> to vector<16xf32>
        %add3A_829 = arith.addf %add3A_785, %get3A_828 : vector<16xf32>
        %get3A_830 = arith.index_cast %add3A_819 : i32 to index
        %get3A_831 = arith.constant 32 : index
        %get3A_832 = tpu.vector_load %arg7[%get3A_830, %get3A_831] {strides = array<i32>} : memref<196x128xf32, #tpu.memory_space<vmem>>, vector<1x16xf32>,
        %get3A_833 = vector.shape_cast %get3A_832 : vector<1x16xf32> to vector<16xf32>
        %add3A_834 = arith.addf %add3A_790, %get3A_833 : vector<16xf32>
        %get3A_835 = arith.index_cast %add3A_819 : i32 to index
        %get3A_836 = arith.constant 48 : index
        %get3A_837 = tpu.vector_load %arg7[%get3A_835, %get3A_836] {strides = array<i32>} : memref<196x128xf32, #tpu.memory_space<vmem>>, vector<1x16xf32>,
        %get3A_838 = vector.shape_cast %get3A_837 : vector<1x16xf32> to vector<16xf32>
        %add3A_839 = arith.addf %add3A_795, %get3A_838 : vector<16xf32>
        %get3A_840 = arith.index_cast %add3A_819 : i32 to index
        %get3A_841 = arith.constant 64 : index
        %get3A_842 = tpu.vector_load %arg7[%get3A_840, %get3A_841] {strides = array<i32>} : memref<196x128xf32, #tpu.memory_space<vmem>>, vector<1x16xf32>,
        %get3A_843 = vector.shape_cast %get3A_842 : vector<1x16xf32> to vector<16xf32>
        %add3A_844 = arith.addf %add3A_800, %get3A_843 : vector<16xf32>
        %get3A_845 = arith.index_cast %add3A_819 : i32 to index
        %get3A_846 = arith.constant 80 : index
        %get3A_847 = tpu.vector_load %arg7[%get3A_845, %get3A_846] {strides = array<i32>} : memref<196x128xf32, #tpu.memory_space<vmem>>, vector<1x16xf32>,
        %get3A_848 = vector.shape_cast %get3A_847 : vector<1x16xf32> to vector<16xf32>
        %add3A_849 = arith.addf %add3A_805, %get3A_848 : vector<16xf32>
        %get3A_850 = arith.index_cast %add3A_819 : i32 to index
        %get3A_851 = arith.constant 96 : index
        %get3A_852 = tpu.vector_load %arg7[%get3A_850, %get3A_851] {strides = array<i32>} : memref<196x128xf32, #tpu.memory_space<vmem>>, vector<1x16xf32>,
        %get3A_853 = vector.shape_cast %get3A_852 : vector<1x16xf32> to vector<16xf32>
        %add3A_854 = arith.addf %add3A_810, %get3A_853 : vector<16xf32>
        %get3A_855 = arith.index_cast %add3A_819 : i32 to index
        %get3A_856 = arith.constant 112 : index
        %get3A_857 = tpu.vector_load %arg7[%get3A_855, %get3A_856] {strides = array<i32>} : memref<196x128xf32, #tpu.memory_space<vmem>>, vector<1x16xf32>,
        %get3A_858 = vector.shape_cast %get3A_857 : vector<1x16xf32> to vector<16xf32>
        %add3A_859 = arith.addf %add3A_815, %get3A_858 : vector<16xf32>
        %mul3A_860 = arith.constant 7 : i32
        %mul3A_861 = arith.muli %scan3A_588, %mul3A_860 : i32
        %add3A_862 = arith.constant 6 : i32
        %add3A_863 = arith.addi %mul3A_861, %add3A_862 : i32
        %get3A_864 = arith.index_cast %add3A_863 : i32 to index
        %get3A_865 = arith.constant 0 : index
        %get3A_866 = tpu.vector_load %arg7[%get3A_864, %get3A_865] {strides = array<i32>} : memref<196x128xf32, #tpu.memory_space<vmem>>, vector<1x16xf32>,
        %get3A_867 = vector.shape_cast %get3A_866 : vector<1x16xf32> to vector<16xf32>
        %add3A_868 = arith.addf %add3A_824, %get3A_867 : vector<16xf32>
        %get3A_869 = arith.index_cast %add3A_863 : i32 to index
        %get3A_870 = arith.constant 16 : index
        %get3A_871 = tpu.vector_load %arg7[%get3A_869, %get3A_870] {strides = array<i32>} : memref<196x128xf32, #tpu.memory_space<vmem>>, vector<1x16xf32>,
        %get3A_872 = vector.shape_cast %get3A_871 : vector<1x16xf32> to vector<16xf32>
        %add3A_873 = arith.addf %add3A_829, %get3A_872 : vector<16xf32>
        %get3A_874 = arith.index_cast %add3A_863 : i32 to index
        %get3A_875 = arith.constant 32 : index
        %get3A_876 = tpu.vector_load %arg7[%get3A_874, %get3A_875] {strides = array<i32>} : memref<196x128xf32, #tpu.memory_space<vmem>>, vector<1x16xf32>,
        %get3A_877 = vector.shape_cast %get3A_876 : vector<1x16xf32> to vector<16xf32>
        %add3A_878 = arith.addf %add3A_834, %get3A_877 : vector<16xf32>
        %get3A_879 = arith.index_cast %add3A_863 : i32 to index
        %get3A_880 = arith.constant 48 : index
        %get3A_881 = tpu.vector_load %arg7[%get3A_879, %get3A_880] {strides = array<i32>} : memref<196x128xf32, #tpu.memory_space<vmem>>, vector<1x16xf32>,
        %get3A_882 = vector.shape_cast %get3A_881 : vector<1x16xf32> to vector<16xf32>
        %add3A_883 = arith.addf %add3A_839, %get3A_882 : vector<16xf32>
        %get3A_884 = arith.index_cast %add3A_863 : i32 to index
        %get3A_885 = arith.constant 64 : index
        %get3A_886 = tpu.vector_load %arg7[%get3A_884, %get3A_885] {strides = array<i32>} : memref<196x128xf32, #tpu.memory_space<vmem>>, vector<1x16xf32>,
        %get3A_887 = vector.shape_cast %get3A_886 : vector<1x16xf32> to vector<16xf32>
        %add3A_888 = arith.addf %add3A_844, %get3A_887 : vector<16xf32>
        %get3A_889 = arith.index_cast %add3A_863 : i32 to index
        %get3A_890 = arith.constant 80 : index
        %get3A_891 = tpu.vector_load %arg7[%get3A_889, %get3A_890] {strides = array<i32>} : memref<196x128xf32, #tpu.memory_space<vmem>>, vector<1x16xf32>,
        %get3A_892 = vector.shape_cast %get3A_891 : vector<1x16xf32> to vector<16xf32>
        %add3A_893 = arith.addf %add3A_849, %get3A_892 : vector<16xf32>
        %get3A_894 = arith.index_cast %add3A_863 : i32 to index
        %get3A_895 = arith.constant 96 : index
        %get3A_896 = tpu.vector_load %arg7[%get3A_894, %get3A_895] {strides = array<i32>} : memref<196x128xf32, #tpu.memory_space<vmem>>, vector<1x16xf32>,
        %get3A_897 = vector.shape_cast %get3A_896 : vector<1x16xf32> to vector<16xf32>
        %add3A_898 = arith.addf %add3A_854, %get3A_897 : vector<16xf32>
        %get3A_899 = arith.index_cast %add3A_863 : i32 to index
        %get3A_900 = arith.constant 112 : index
        %get3A_901 = tpu.vector_load %arg7[%get3A_899, %get3A_900] {strides = array<i32>} : memref<196x128xf32, #tpu.memory_space<vmem>>, vector<1x16xf32>,
        %get3A_902 = vector.shape_cast %get3A_901 : vector<1x16xf32> to vector<16xf32>
        %add3A_903 = arith.addf %add3A_859, %get3A_902 : vector<16xf32>
        scf.yield %add3A_868, %add3A_873, %add3A_878, %add3A_883, %add3A_888, %add3A_893, %add3A_898, %add3A_903 : vector<16xf32>, vector<16xf32>, vector<16xf32>, vector<16xf32>, vector<16xf32>, vector<16xf32>, vector<16xf32>, vector<16xf32>
      }
      %scan3A_529 = arith.constant 28 : i32
      %mul3A_530 = arith.constant 0.00510204071 : f32
      %mul3A_531 = vector.broadcast %mul3A_530 : f32 to vector<16xf32>
      %mul3A_532 = arith.mulf %scan3A_528#0, %mul3A_531 : vector<16xf32>
      %swap3A_533 = arith.constant 640 : index
      %swap3A_534 = tpu.vector_load %arg8[%swap3A_533] {strides = array<i32>} : memref<768xf32, #tpu.memory_space<vmem>>, vector<16xf32>,
      %swap3A_535 = vector.shape_cast %swap3A_534 : vector<16xf32> to vector<16xf32>
      %swap3A_536 = vector.shape_cast %mul3A_532 : vector<16xf32> to vector<16xf32>
      tpu.vector_store %arg8[%swap3A_533], %swap3A_536 {strides = array<i32>} : memref<768xf32, #tpu.memory_space<vmem>>, vector<16xf32>,
      %mul3A_537 = arith.constant 0.00510204071 : f32
      %mul3A_538 = vector.broadcast %mul3A_537 : f32 to vector<16xf32>
      %mul3A_539 = arith.mulf %scan3A_528#1, %mul3A_538 : vector<16xf32>
      %swap3A_540 = arith.constant 656 : index
      %swap3A_541 = tpu.vector_load %arg8[%swap3A_540] {strides = array<i32>} : memref<768xf32, #tpu.memory_space<vmem>>, vector<16xf32>,
      %swap3A_542 = vector.shape_cast %swap3A_541 : vector<16xf32> to vector<16xf32>
      %swap3A_543 = vector.shape_cast %mul3A_539 : vector<16xf32> to vector<16xf32>
      tpu.vector_store %arg8[%swap3A_540], %swap3A_543 {strides = array<i32>} : memref<768xf32, #tpu.memory_space<vmem>>, vector<16xf32>,
      %mul3A_544 = arith.constant 0.00510204071 : f32
      %mul3A_545 = vector.broadcast %mul3A_544 : f32 to vector<16xf32>
      %mul3A_546 = arith.mulf %scan3A_528#2, %mul3A_545 : vector<16xf32>
      %swap3A_547 = arith.constant 672 : index
      %swap3A_548 = tpu.vector_load %arg8[%swap3A_547] {strides = array<i32>} : memref<768xf32, #tpu.memory_space<vmem>>, vector<16xf32>,
      %swap3A_549 = vector.shape_cast %swap3A_548 : vector<16xf32> to vector<16xf32>
      %swap3A_550 = vector.shape_cast %mul3A_546 : vector<16xf32> to vector<16xf32>
      tpu.vector_store %arg8[%swap3A_547], %swap3A_550 {strides = array<i32>} : memref<768xf32, #tpu.memory_space<vmem>>, vector<16xf32>,
      %mul3A_551 = arith.constant 0.00510204071 : f32
      %mul3A_552 = vector.broadcast %mul3A_551 : f32 to vector<16xf32>
      %mul3A_553 = arith.mulf %scan3A_528#3, %mul3A_552 : vector<16xf32>
      %swap3A_554 = arith.constant 688 : index
      %swap3A_555 = tpu.vector_load %arg8[%swap3A_554] {strides = array<i32>} : memref<768xf32, #tpu.memory_space<vmem>>, vector<16xf32>,
      %swap3A_556 = vector.shape_cast %swap3A_555 : vector<16xf32> to vector<16xf32>
      %swap3A_557 = vector.shape_cast %mul3A_553 : vector<16xf32> to vector<16xf32>
      tpu.vector_store %arg8[%swap3A_554], %swap3A_557 {strides = array<i32>} : memref<768xf32, #tpu.memory_space<vmem>>, vector<16xf32>,
      %mul3A_558 = arith.constant 0.00510204071 : f32
      %mul3A_559 = vector.broadcast %mul3A_558 : f32 to vector<16xf32>
      %mul3A_560 = arith.mulf %scan3A_528#4, %mul3A_559 : vector<16xf32>
      %swap3A_561 = arith.constant 704 : index
      %swap3A_562 = tpu.vector_load %arg8[%swap3A_561] {strides = array<i32>} : memref<768xf32, #tpu.memory_space<vmem>>, vector<16xf32>,
      %swap3A_563 = vector.shape_cast %swap3A_562 : vector<16xf32> to vector<16xf32>
      %swap3A_564 = vector.shape_cast %mul3A_560 : vector<16xf32> to vector<16xf32>
      tpu.vector_store %arg8[%swap3A_561], %swap3A_564 {strides = array<i32>} : memref<768xf32, #tpu.memory_space<vmem>>, vector<16xf32>,
      %mul3A_565 = arith.constant 0.00510204071 : f32
      %mul3A_566 = vector.broadcast %mul3A_565 : f32 to vector<16xf32>
      %mul3A_567 = arith.mulf %scan3A_528#5, %mul3A_566 : vector<16xf32>
      %swap3A_568 = arith.constant 720 : index
      %swap3A_569 = tpu.vector_load %arg8[%swap3A_568] {strides = array<i32>} : memref<768xf32, #tpu.memory_space<vmem>>, vector<16xf32>,
      %swap3A_570 = vector.shape_cast %swap3A_569 : vector<16xf32> to vector<16xf32>
      %swap3A_571 = vector.shape_cast %mul3A_567 : vector<16xf32> to vector<16xf32>
      tpu.vector_store %arg8[%swap3A_568], %swap3A_571 {strides = array<i32>} : memref<768xf32, #tpu.memory_space<vmem>>, vector<16xf32>,
      %mul3A_572 = arith.constant 0.00510204071 : f32
      %mul3A_573 = vector.broadcast %mul3A_572 : f32 to vector<16xf32>
      %mul3A_574 = arith.mulf %scan3A_528#6, %mul3A_573 : vector<16xf32>
      %swap3A_575 = arith.constant 736 : index
      %swap3A_576 = tpu.vector_load %arg8[%swap3A_575] {strides = array<i32>} : memref<768xf32, #tpu.memory_space<vmem>>, vector<16xf32>,
      %swap3A_577 = vector.shape_cast %swap3A_576 : vector<16xf32> to vector<16xf32>
      %swap3A_578 = vector.shape_cast %mul3A_574 : vector<16xf32> to vector<16xf32>
      tpu.vector_store %arg8[%swap3A_575], %swap3A_578 {strides = array<i32>} : memref<768xf32, #tpu.memory_space<vmem>>, vector<16xf32>,
      %mul3A_579 = arith.constant 0.00510204071 : f32
      %mul3A_580 = vector.broadcast %mul3A_579 : f32 to vector<16xf32>
      %mul3A_581 = arith.mulf %scan3A_528#7, %mul3A_580 : vector<16xf32>
      %swap3A_582 = arith.constant 752 : index
      %swap3A_583 = tpu.vector_load %arg8[%swap3A_582] {strides = array<i32>} : memref<768xf32, #tpu.memory_space<vmem>>, vector<16xf32>,
      %swap3A_584 = vector.shape_cast %swap3A_583 : vector<16xf32> to vector<16xf32>
      %swap3A_585 = vector.shape_cast %mul3A_581 : vector<16xf32> to vector<16xf32>
      tpu.vector_store %arg8[%swap3A_582], %swap3A_585 {strides = array<i32>} : memref<768xf32, #tpu.memory_space<vmem>>, vector<16xf32>,
      %add3A_586 = arith.addi %mul3A_2, %scan3A_18 : i32
      "tpu.region"() ({
        %run_scoped3A = tpu.sem_alloc : memref<!tpu.dma_semaphore, #tpu.memory_space<semaphore_mem>>
        %dma_start3A_588 = arith.constant 0 : i32
        %dma_start3A_589 = tpu.memref_slice %arg4[%add3A_586, %dma_start3A_588] : memref<512x768xf32, #tpu.memory_space<hbm>> -> memref<1x768xf32, #tpu.memory_space<hbm>>
        %dma_start3A_590 = tpu.memref_squeeze %dma_start3A_589 : memref<1x768xf32, #tpu.memory_space<hbm>> -> memref<768xf32, #tpu.memory_space<hbm>>
        %dma_start3A_591 = arith.constant 0 : i32
        %dma_start3A_592 = tpu.memref_slice %arg4[%add3A_586, %dma_start3A_591] : memref<512x768xf32, #tpu.memory_space<hbm>> -> memref<1x768xf32, #tpu.memory_space<hbm>>
        %dma_start3A_593 = tpu.memref_squeeze %dma_start3A_592 : memref<1x768xf32, #tpu.memory_space<hbm>> -> memref<768xf32, #tpu.memory_space<hbm>>
        tpu.enqueue_dma source(%arg8 : memref<768xf32, #tpu.memory_space<vmem>>) target(%dma_start3A_593 : memref<768xf32, #tpu.memory_space<hbm>>) target_semaphore(%run_scoped3A : memref<!tpu.dma_semaphore, #tpu.memory_space<semaphore_mem>>)
        %dma_wait3A_594 = arith.constant 0 : i32
        %dma_wait3A_595 = tpu.memref_slice %arg4[%add3A_586, %dma_wait3A_594] : memref<512x768xf32, #tpu.memory_space<hbm>> -> memref<1x768xf32, #tpu.memory_space<hbm>>
        %dma_wait3A_596 = tpu.memref_squeeze %dma_wait3A_595 : memref<1x768xf32, #tpu.memory_space<hbm>> -> memref<768xf32, #tpu.memory_space<hbm>>
        %dma_wait3A_597 = arith.constant 0 : i32
        %dma_wait3A_598 = tpu.memref_slice %arg4[%add3A_586, %dma_wait3A_597] : memref<512x768xf32, #tpu.memory_space<hbm>> -> memref<1x768xf32, #tpu.memory_space<hbm>>
        %dma_wait3A_599 = tpu.memref_squeeze %dma_wait3A_598 : memref<1x768xf32, #tpu.memory_space<hbm>> -> memref<768xf32, #tpu.memory_space<hbm>>
        tpu.wait_dma2 semaphore(%run_scoped3A : memref<!tpu.dma_semaphore, #tpu.memory_space<semaphore_mem>>) src(%arg8 : memref<768xf32, #tpu.memory_space<vmem>>) dst(%dma_wait3A_599 : memref<768xf32, #tpu.memory_space<hbm>>)
        tpu.yield
      }) : () -> ()
      %scan3A_587 = arith.constant 0 : i32
      scf.yield %scan3A_587 : i32
    }
    %scan3A_17 = arith.constant 16 : i32
    return
  }
}

</mosaic_0001>

<sc_bundles>
// kernel: kernel.3.cloned.1.call-start
scs
__scs_entry_jumppad:
0x0: {  	(pc) =	sbr.rel $0x88, $3  }
0x1: {  	(tag) =	ssettag $0x0;
	lr =	simm.s32 $0x1  }
0x2: {  	[smem:$0x3F9F] =	sst lr;
	_ =	strace $0xD0000000  }
0x3: {  	_ = 	snop  }
0x4: {  	_ = 	snop  }
0x5: {  	_ = 	snop  }
0x6: {  	_ = 	snop  }
0x7: {  	_ = 	snop  }
__scs_overlays_trampoline_lowered:
0x8: {  	[smem:$0x3FAE] =	sst s0  }
0x9: {  	[smem:$0x3FAF] =	sst s1  }
0xa: {  	[smem:$0x3FB0] =	sst s2  }
0xb: {  	[smem:$0x3FB1] =	sst s3  }
0xc: {  	[smem:$0x3FB2] =	sst s4  }
0xd: {  	[smem:$0x3FB3] =	sst s5  }
0xe: {  	[smem:$0x3FB4] =	sst s6  }
0xf: {  	[smem:$0x3FB5] =	sst s7  }
0x10: {  	[smem:$0x3FB6] =	sst s8  }
0x11: {  	[smem:$0x3FB7] =	sst s9;
	s0 =	simm.s32 @!p0 $0x0  }
0x12: {  	s1 =	sld [smem:$0x3F9D];
	s0 =	simm.s32 @p0 $0x1  }
0x13: {  	[smem:$0x3FB8] =	sst s0;
	s0 =	simm.s32 @!p1 $0x0  }
0x14: {  	s2 =	sld [smem:$0x3F9C];
	s0 =	simm.s32 @p1 $0x1  }
0x15: {  	[smem:$0x3FB9] =	sst s0;
	s0 =	simm.s32 @!p2 $0x0  }
0x16: {  	s3 =	sld [smem:$0x3FDB];
	s0 =	simm.s32 @p2 $0x1  }
0x17: {  	s4 =	simm.s32 $0x1BF5;
	[smem:$0x3FBB] =	sst s0  }
0x18: {  	s0 =	sld [smem:$0x3F9E];
	_ =	swait.ge [sflag:s4], $0x0  }
0x19: {  	s7 =	sld [smem:$0x3F9F]  }
0x1a: {  	s8 =	sadd.s32 $0xFFFFE003, lr  }
0x1b: {  	s9 =	sadd.s32 $0xFFFFFEF7, lr;
	s5 =	simm.s32 $0xFFFFFFFF;
	p2 =	slt.u32 s8, $0xFFFFF086  }
0x1c: {  	p1 =	slt.u32 s9, $0xF7A;
	s5 =	simm.s32 @!p2 $0x0  }
0x1d: {  	s5 =	simm.s32 @p1 $0x1;
	p0 =	seq.s32 s7, s2  }
0x1e: {  	s7 =	smul.u32 @!p0 $0xF7A, s2;
	p2 =	seq.s32 @!p0 s5, $0x0  }
0x1f: {  	s9 =	smul.u32 $0xF7A, s1;
	s8 =	simm.s32 @!p0 $0x1BF5;
	p2 =	por !p2, p0  }
0x20: {  	[sflag:s8] =	ssyncset.s32 @!p0 $0xFFFFF086;
	s6 =	sadd.s32 @!p0 s3, s7;
	s7 =	simm.s32 @!p0 $0x108  }
0x21: {  	s3 =	sadd.s32 s3, s9;
	s6 =	sadd.s32 @!p0 $0x88, s6;
	s7 =	simm.s32 @p2 $0x1082  }
0x22: {  	[simem:s7], [sflag:s8] =	dma.local @!p0 [hbm:s6], $0xF7A  }
0x23: {  	s9 =	sor.u32 $0xD0000000, s2;
	s6 =	simm.s32 $0x108;
	_ =	swait.ge @!p0 [sflag:s8], $0x0  }
0x24: {  	s3 =	sadd.s32 $0x88, s3;
	s6 =	simm.s32 @!p1 $0x1082;
	[sflag:s4] =	ssyncset.s32 $0xFFFFF086  }
0x25: {  	[simem:s6], [sflag:s4] =	dma.local [hbm:s3], $0xF7A  }
0x26: {  	[smem:$0x3F9F] =	sst s1;
	(tag) =	ssettag s2;
	_ =	strace s9  }
0x27: {  	s1 =	sld [smem:$0x3FAF]  }
0x28: {  	s2 =	sld [smem:$0x3FB0]  }
0x29: {  	s4 =	sld [smem:$0x3FB2]  }
0x2a: {  	p0 =	seq.s32 s5, $0x0;
	s5 =	sld [smem:$0x3FB3]  }
0x2b: {  	s6 =	sld [smem:$0x3FB4]  }
0x2c: {  	s7 =	sld [smem:$0x3FB5]  }
0x2d: {  	s3 =	simm.s32 $0x108;
	s8 =	sld [smem:$0x3FB6]  }
0x2e: {  	s3 =	simm.s32 @!p0 $0x1082;
	s9 =	sld [smem:$0x3FB7]  }
0x2f: {  	lr =	sadd.s32 s0, s3;
	s0 =	sld [smem:$0x3FAE]  }
0x30: {  	s3 =	sld [smem:$0x3FB1]  }
0x31: {  	[smem:$0x3FBA] =	sst s10  }
0x32: {  	s10 =	sld [smem:$0x3FB8];
	_ =	sdelay $0x3  }
0x33: {  	p0 =	seq.s32 s10, $0x1;
	s10 =	sld [smem:$0x3FBA];
	_ =	sdelay $0x3  }
0x34: {  	[smem:$0x3FBA] =	sst s10  }
0x35: {  	s10 =	sld [smem:$0x3FB9];
	_ =	sdelay $0x3  }
0x36: {  	p1 =	seq.s32 s10, $0x1;
	s10 =	sld [smem:$0x3FBA];
	_ =	sdelay $0x3  }
0x37: {  	[smem:$0x3FBA] =	sst s10  }
0x38: {  	s10 =	sld [smem:$0x3FBB]  }
0x39: {  	_ = 	snop;
	(pc) =	sbr.ind lr, $3  }
0x3a: {  	_ = 	snop  }
0x3b: {  	_ = 	snop  }
0x3c: {  	p2 =	seq.s32 s10, $0x1;
	s10 =	sld [smem:$0x3FBA]  }
0x3d: {  	_ =	shalt  }
0x3e: {  	_ =	shalt  }
0x3f: {  	_ =	shalt  }
0x40: {  	_ =	shalt  }
0x41: {  	_ =	shalt  }
0x42: {  	_ =	shalt  }
0x43: {  	_ =	shalt  }
0x44: {  	_ =	shalt  }
0x45: {  	_ =	shalt  }
0x46: {  	_ =	shalt  }
0x47: {  	_ =	shalt  }
0x48: {  	_ =	shalt  }
0x49: {  	_ =	shalt  }
0x4a: {  	_ =	shalt  }
0x4b: {  	_ =	shalt  }
0x4c: {  	_ =	shalt  }
0x4d: {  	_ =	shalt  }
0x4e: {  	_ =	shalt  }
0x4f: {  	_ =	shalt  }
0x50: {  	_ =	shalt  }
0x51: {  	_ =	shalt  }
0x52: {  	_ =	shalt  }
0x53: {  	_ =	shalt  }
0x54: {  	_ =	shalt  }
0x55: {  	_ =	shalt  }
0x56: {  	_ =	shalt  }
0x57: {  	_ =	shalt  }
0x58: {  	_ =	shalt  }
0x59: {  	_ =	shalt  }
0x5a: {  	_ =	shalt  }
0x5b: {  	_ =	shalt  }
0x5c: {  	_ =	shalt  }
0x5d: {  	_ =	shalt  }
0x5e: {  	_ =	shalt  }
0x5f: {  	_ =	shalt  }
0x60: {  	_ =	shalt  }
0x61: {  	_ =	shalt  }
0x62: {  	_ =	shalt  }
0x63: {  	_ =	shalt  }
0x64: {  	_ =	shalt  }
0x65: {  	_ =	shalt  }
0x66: {  	_ =	shalt  }
0x67: {  	_ =	shalt  }
0x68: {  	_ =	shalt  }
0x69: {  	_ =	shalt  }
0x6a: {  	_ =	shalt  }
0x6b: {  	_ =	shalt  }
0x6c: {  	_ =	shalt  }
0x6d: {  	_ =	shalt  }
0x6e: {  	_ =	shalt  }
0x6f: {  	_ =	shalt  }
0x70: {  	_ =	shalt  }
0x71: {  	_ =	shalt  }
0x72: {  	_ =	shalt  }
0x73: {  	_ =	shalt  }
0x74: {  	_ =	shalt  }
0x75: {  	_ =	shalt  }
0x76: {  	_ =	shalt  }
0x77: {  	_ =	shalt  }
0x78: {  	_ =	shalt  }
0x79: {  	_ =	shalt  }
0x7a: {  	_ =	shalt  }
0x7b: {  	_ =	shalt  }
0x7c: {  	_ =	shalt  }
0x7d: {  	_ =	shalt  }
0x7e: {  	_ =	shalt  }
0x7f: {  	_ =	shalt  }
0x80: {  	_ =	shalt  }
0x81: {  	_ =	shalt  }
0x82: {  	_ =	shalt  }
0x83: {  	_ =	shalt  }
0x84: {  	_ =	shalt  }
0x85: {  	_ =	shalt  }
0x86: {  	_ =	shalt  }
0x87: {  	_ =	shalt  }
.Lfunc_end0:
.L_simem_size_0:
called_computation_lowered:
.L_overlay_start_0:
0x88: {  	s2 =	sld [smem:$0x3FD9]  }
0x89: {  	s3 =	sld [smem:$0x3FFE];
	_ =	sdelay $0x1  }
0x8a: {  	s1 =	srdreg.scid  }
0x8b: {  	s0 =	sand.u32 $0x1, s1  }
0x8c: {  	s14 =	sshll.u32 s0, $0xA;
	s2 =	sadd.s32 s3, s2  }
0x8d: {  	s2 =	sadd.s32 s2, s14  }
0x8e: {  	[smem:$0x3FC6] =	sst s2  }
0x8f: {  	_ = 	snop  }
0x90: {  	s2 =	sld [smem:$0x3FD0];
	_ =	sdelay $0x2  }
0x91: {  	s4 =	simm.s32 $0xA;
	s5 =	simm.s32 $0x10;
	s15 =	sld [smem:$0x3FC8]  }
0x92: {  	[smem:s5], [sflag:s4] =	dma.local [hbm:s2], $0x1  }
0x93: {  	_ =	swait.eq [sflag:s4], $0x1  }
0x94: {  	[sflag:s4] =	ssyncset.done $0x0  }
0x95: {  	s16 =	sld [smem:$0x10];
	[sflag:s4] =	ssyncadd.s32 $0xFFFFFFFF  }
0x96: {  	s17 =	sld [smem:$0x11];
	(tm) =	ssettm $0x1  }
0x97: {  	s18 =	sld [smem:$0x3FFB];
	_ =	sdelay $0x3  }
0x98: {  	_ =	strace s18  }
0x99: {  	s5 =	sld [smem:$0x3FFC];
	_ =	sdelay $0x3  }
0x9a: {  	_ =	strace s5  }
0x9b: {  	s5 =	sld [smem:$0x3FFD];
	_ =	sdelay $0x3  }
0x9c: {  	_ =	strace s5  }
0x9d: {  	_ =	strace $0x8FFFFFFF  }
0x9e: {  	s19 =	sld [smem:$0x3FDB];
	_ =	sdelay $0x1  }
0x9f: {  	s6 =	simm.s32 $_scs_section_size  }
0xa0: {  	s7 =	simm.s32 $_size__tile_overlayer_lowered;
	s8 =	simm.s32 $_tile_overlayer_lowered  }
0xa1: {  	s22 =	simm.s32 $0x1BFF;
	s21 =	sshll.u32 s8, $0x1;
	s5 =	sadd.s32 s6, s19  }
0xa2: {  	s9 =	simm.s32 $0x0;
	s20 =	sshll.u32 s7, $0x1;
	s7 =	sadd.s32 s21, s5  }
0xa3: {  	[timem:s9], [sflag:s22] =	dma.local [hbm:s7], s20  }
0xa4: {  	_ =	swait.ge [sflag:s22], s20  }
0xa5: {  	s6 =	ssub.s32 $0x0, s20;
	[sflag:s22] =	ssyncset.done $0x0  }
0xa6: {  	[sflag:s22] =	ssyncadd.s32 s6;
	_ =	sdelay $0x1  }
0xa7: {  	s23 =	simm.s32 $0x1B8B  }
0xa8: {  	_ =	swait.ge [sflag:s23], $0x1  }
0xa9: {  	[sflag:s23] =	ssyncset.done $0x0  }
0xaa: {  	s25 =	simm.s32 $0x1B8E;
	s24 =	sld [smem:$0x3FFE];
	[sflag:s23] =	ssyncadd.s32 $0xFFFFFFFF  }
0xab: {  	s26 =	simm.s32 $execute0_lowered;
	[smem:$0x3FD2] =	sst s25  }
0xac: {  	s7 =	sshll.u32 s26, $0x1;
	_ =	strace $0x80000046;
	[dreg:$0x1] =	wrdreg $0xFFFFFFFF  }
0xad: {  	s28 =	simm.s32 $_size_execute0_lowered;
	s5 =	sadd.s32 s5, s7;
	[dreg:$0x0] =	wrdreg $0x0  }
0xae: {  	s7 =	sshll.u32 s28, $0x1;
	[dreg:$0x2] =	wrdreg s5  }
0xaf: {  	[dreg:$0x3] =	wrdreg s7  }
0xb0: {  	[dreg:$0x4] =	wrdreg $0xC0  }
0xb1: {  	_ =	task [dreg:s9], $0x5FFFF  }
0xb2: {  	[dreg:$0x1] =	wrdreg $0xFFFFFFFF  }
0xb3: {  	[dreg:$0x0] =	wrdreg $0x60  }
0xb4: {  	[dreg:$0x2] =	wrdreg s24  }
0xb5: {  	[dreg:$0x3] =	wrdreg s15  }
0xb6: {  	[dreg:$0x4] =	wrdreg s16  }
0xb7: {  	[dreg:$0x5] =	wrdreg s17  }
0xb8: {  	[dreg:$0x6] =	wrdreg $0x9  }
0xb9: {  	_ =	task.clear_ibuf [dreg:s9], $0x7FFFF;
	_ =	strace $0x90000046  }
0xba: {  	s29 =	simm.s32 $0x9;
	_ =	strace $0x80000048  }
0xbb: {  	_ =	swait.ge [sflag:s29], $0x1  }
0xbc: {  	[sflag:s29] =	ssyncadd.s32 $0xFFFFFFFF  }
0xbd: {  	_ =	strace $0x90000048  }
0xbe: {  	_ =	sfence  }
0xbf: {  	s30 =	sld [smem:$0x0];
	_ =	sdelay $0x2  }
0xc0: {  	s31 =	sshll.u32 s1, $0xD;
	s1 =	sshrl.u32 s1, $0x2  }
0xc1: {  	s3 =	sand.u32 $0x4000, s31;
	s1 =	sadd.s32 s1, s30  }
0xc2: {  	s0 =	sor.u32 s3, s0;
	s1 =	sshll.u32 s1, $0x11  }
0xc3: {  	s0 =	sor.u32 s1, s0  }
0xc4: {  	s0 =	sadd.s32 $0x8F2B, s0  }
0xc5: {  	[sflag:s0] =	ssyncadd.remote.s32 $0x1  }
0xc6: {  	_ =	sfence.sel $0xFFFF  }
0xc7: {  	[dreg:$0x0] =	wrdreg $0xFFFFFFFF;
	(pc) =	sbr.abs _section_cstart, $3  }
0xc8: {  	[dreg:$0x1] =	wrdreg $0xFFFFFFFF  }
0xc9: {  	_ =	task.clear_ibuf [dreg:s9], $0x2FFFF;
	_ =	strace $0x9FFFFFFF  }
0xca: {  	(tm) =	ssettm $0x7FFFFFFF  }
0xcb: {  	_ =	shalt  }
tec
execute0_lowered:
.L_overlay_start_1:
0x0: {  	(tag) =	ssettag $0x1  }
0x1: {  	s9 =	rddreg [dreg:$0x0]  }
0x2: {  	s6 =	rddreg [dreg:$0x1]  }
0x3: {  	s1 =	rddreg [dreg:$0x2]  }
0x4: {  	s7 =	rddreg [dreg:$0x3]  }
0x5: {  	s0 =	rddreg [dreg:$0x4];
	s4 =	srdreg.scid  }
0x6: {  	s3 =	simm.s32 $0x0;
	s2 =	stileid.u32;
	s14 =	simm.s32 $0x400  }
0x7: {  	s15 =	simm.s32 $0x1800;
	s17 =	simm.s32 $0x6000;
	s18 =	simm.s32 $0x1  }
0x8: {  	s19 =	simm.s32 $0x6400;
	s20 =	simm.s32 $0xC400;
	s21 =	simm.s32 $0x2  }
0x9: {  	s22 =	simm.s32 $0x80;
	s23 =	simm.s32 $0xC800;
	s24 =	simm.s32 $0x0  }
0xa: {  	s4 =	sand.u32 $0x1, s4;
	[smem:$0x7FF] =	sst s3;
	s5 =	sshll.u32 s2, $0x5  }
0xb: {  	s8 =	sshll.u32 s4, $0x4;
	_ =	strace $0x80000047;
	s10 =	ssub.s32 $0x2, s4  }
0xc: {  	s4 =	sor.u32 s8, s5;
	s31 =	sshrl.u32 s10, $0x1;
	s5 =	sadd.s32 $0x800, s9  }
0xd: {  	s9 =	sadd.s32 $0x880, s9;
	s11 =	sshrl.u32 s4, $0x3;
	s12 =	smul.u32 $0x4B00, s4  }
0xe: {  	s13 =	ssub.s32 s10, s31;
	s10 =	sor.u32 $0x1, s4;
	s6 =	sadd.s32 s6, s11  }
0xf: {  	s7 =	sadd.s32 s7, s11;
	s11 =	smax.u32 s13, $0x1;
	s8 =	sadd.s32 s5, s12  }
0x10: {  	s13 =	simm.s32 $0x3;
	s12 =	simm.s32 $0xCB00;
	s16 =	sadd.s32 $0x4800, s8  }
.LBB2_1:
0x11: {  	[tilespmem:s12], [sflag:$0x3] =	stream.linear.gather [hbm4b:s6+s3], $0x10, $0x38;
	[tilespmem:$0xCB80] =	vst v63  }
0x12: {  	_ =	swait.ge [sflag:s13], $0x10  }
0x13: {  	[sflag:s13] =	ssyncset.done $0x0  }
0x14: {  	[sflag:s13] =	ssyncadd.s32 $0xFFFFFFF0  }
0x15: {  	[hbm4b:s7+s3] =	stream.linear.scatter [tilespmem:s12], [sflag:$0x3], $0x10, $0x38;
	[tilespmem:$0xCB80] =	vst v63  }
0x16: {  	_ =	swait.ge [sflag:s13], $0x10  }
0x17: {  	[sflag:s13] =	ssyncset.done $0x0  }
0x18: {  	[sflag:s13] =	ssyncadd.s32 $0xFFFFFFF0  }
0x19: {  	[tilespmem:s3], [sflag:$0x1] =	stream.strided.gather [hbm4b:s8+s14], $0x6000, s15, s14, $0x38;
	[tilespmem:$0xCB80] =	vst v63  }
0x1a: {  	s25 =	simm.s32 $0x0  }
0x1b: {  	[tilespmem:s17], [sflag:$0x1] =	stream.linear.gather [hbm4b:s16+s3], $0x200, $0x38;
	[tilespmem:$0xCB80] =	vst v63  }
.LBB2_2:
0x1c: {  	s26 =	sor.u32 s4, s25  }
0x1d: {  	s28 =	smul.u32 $0x25800, s26  }
0x1e: {  	_ =	swait.ge [sflag:s18], $0x6200  }
0x1f: {  	[sflag:s18] =	ssyncset.done $0x0;
	s28 =	sshrl.u32 s28, $0x3  }
0x20: {  	[sflag:s18] =	ssyncadd.s32 $0xFFFF9E00;
	s29 =	sadd.s32 s28, s9  }
0x21: {  	[tilespmem:s19], [sflag:$0x2] =	stream.strided.gather [hbm4b:s29+s14], $0x6000, s15, s14, $0x38;
	[tilespmem:$0xCB80] =	vst v63  }
0x22: {  	s30 =	simm.s32 $0x0;
	s29 =	sadd.s32 $0x4800, s29  }
0x23: {  	[tilespmem:s20], [sflag:$0x2] =	stream.linear.gather [hbm4b:s29+s30], $0x200, $0x38;
	[tilespmem:$0xCB80] =	vst v63  }
0x24: {  	s29 =	simm.s32 $0x0  }
0x25: {  	v6 =	vld [tilespmem:s29+$0x300]  }
0x26: {  	v7 =	vld [tilespmem:s29+$0x310]  }
0x27: {  	v8 =	vld [tilespmem:s29+$0x320]  }
0x28: {  	v9 =	vld [tilespmem:s29+$0x330]  }
0x29: {  	v0 =	vld [tilespmem:s29+$0x340]  }
0x2a: {  	v1 =	vld [tilespmem:s29+$0x350]  }
0x2b: {  	v12 =	vld [tilespmem:s29+$0x280]  }
0x2c: {  	v14 =	vld [tilespmem:s29+$0x290]  }
0x2d: {  	v11 =	vld [tilespmem:s29+$0x2A0]  }
0x2e: {  	v13 =	vld [tilespmem:s29+$0x2B0]  }
0x2f: {  	v3 =	vld [tilespmem:s29+$0x2C0]  }
0x30: {  	v2 =	vld [tilespmem:s29+$0x2D0]  }
0x31: {  	v15 =	vld [tilespmem:s29+$0x200]  }
0x32: {  	v16 =	vld [tilespmem:s29+$0x210]  }
0x33: {  	v17 =	vld [tilespmem:s29+$0x220]  }
0x34: {  	v26 =	vld [tilespmem:s29+$0x230]  }
0x35: {  	v5 =	vld [tilespmem:s29+$0x240]  }
0x36: {  	v4 =	vld [tilespmem:s29+$0x250]  }
0x37: {  	v23 =	vld [tilespmem:s29+$0x180]  }
0x38: {  	v24 =	vld [tilespmem:s29+$0x190]  }
0x39: {  	v25 =	vld [tilespmem:s29+$0x1A0]  }
0x3a: {  	v21 =	vld [tilespmem:s29+$0x100]  }
0x3b: {  	v22 =	vld [tilespmem:s29+$0x110]  }
0x3c: {  	v19 =	vld [tilespmem:s29+$0x80]  }
0x3d: {  	v20 =	vld [tilespmem:s29+$0x90]  }
0x3e: {  	v18 =	vld [tilespmem:s29+$0x0]  }
0x3f: {  	v27 =	vld [tilespmem:s29+$0x10]  }
0x40: {  	v28 =	vld [tilespmem:s29+$0x20]  }
0x41: {  	v29 =	vld [tilespmem:s29+$0x30]  }
0x42: {  	v30 =	vld [tilespmem:s29+$0xA0]  }
0x43: {  	v31 =	vld [tilespmem:s29+$0xB0]  }
0x44: {  	v10 =	vimm.f32 $0.0e+00;
	v32 =	vld [tilespmem:s29+$0x120]  }
0x45: {  	v34 =	vld [tilespmem:s29+$0x130];
	v33 =	vadd.f32 v18, v10;
	v27 =	vadd.f32 v27, v10  }
0x46: {  	v35 =	vld [tilespmem:s29+$0x1B0];
	v28 =	vadd.f32 v28, v10;
	v29 =	vadd.f32 v29, v10  }
0x47: {  	v18 =	vld [tilespmem:s29+$0x1C0];
	v33 =	vadd.f32 v19, v33;
	v27 =	vadd.f32 v20, v27  }
0x48: {  	v19 =	vld [tilespmem:s29+$0x1D0];
	v28 =	vadd.f32 v30, v28;
	v29 =	vadd.f32 v31, v29  }
0x49: {  	v20 =	vld [tilespmem:s29+$0x140];
	v30 =	vadd.f32 v21, v33;
	v27 =	vadd.f32 v22, v27  }
0x4a: {  	v21 =	vld [tilespmem:s29+$0x150];
	v28 =	vadd.f32 v32, v28;
	v29 =	vadd.f32 v34, v29  }
0x4b: {  	v22 =	vld [tilespmem:s29+$0xC0];
	v30 =	vadd.f32 v23, v30;
	v31 =	vadd.f32 v24, v27  }
0x4c: {  	v23 =	vld [tilespmem:s29+$0xD0];
	v32 =	vadd.f32 v25, v28;
	v63 =	vadd.f32 v35, v29  }
0x4d: {  	v24 =	vld [tilespmem:s29+$0x40];
	v27 =	vadd.f32 v15, v30;
	v28 =	vadd.f32 v16, v31  }
0x4e: {  	v25 =	vld [tilespmem:s29+$0x50];
	v29 =	vadd.f32 v17, v32;
	v30 =	vadd.f32 v26, v63  }
0x4f: {  	s30 =	simm.s32 $0xE00;
	v26 =	vld [tilespmem:s29+$0x60];
	v17 =	vimm.f32 $0.0e+00;
	v16 =	vimm.f32 $0.0e+00;
	v15 =	vimm.f32 $0.0e+00  }
.LBB2_3:
0x50: {  	p0 =	sne.s32 s30, $0x17A00;
	v31 =	vld [tilespmem:s29+$0x70];
	v12 =	vadd.f32 v12, v27;
	v14 =	vadd.f32 v14, v28  }
0x51: {  	v27 =	vld [tilespmem:s29+$0xE0];
	v11 =	vadd.f32 v11, v29;
	v13 =	vadd.f32 v13, v30  }
0x52: {  	v28 =	vld [tilespmem:s29+$0xF0];
	v29 =	vadd.f32 v6, v12;
	v30 =	vadd.f32 v7, v14  }
0x53: {  	v6 =	vld [tilespmem:s29+$0x160];
	v32 =	vadd.f32 v8, v11;
	v33 =	vadd.f32 v9, v13  }
0x54: {  	v7 =	vadd.f32 v24, v10;
	v8 =	vadd.f32 v25, v17;
	v9 =	vld [tilespmem:s29+$0x170]  }
0x55: {  	v10 =	vadd.f32 v26, v16;
	v11 =	vadd.f32 v31, v15;
	v12 =	vld [tilespmem:s29+$0x1E0]  }
0x56: {  	v7 =	vadd.f32 v22, v7;
	v8 =	vadd.f32 v23, v8;
	v13 =	vld [tilespmem:s29+$0x1F0]  }
0x57: {  	v10 =	vadd.f32 v27, v10;
	v11 =	vadd.f32 v28, v11;
	v14 =	vld [tilespmem:s29+$0x260]  }
0x58: {  	v7 =	vadd.f32 v20, v7;
	v8 =	vadd.f32 v21, v8;
	v15 =	vld [tilespmem:s29+$0x270]  }
0x59: {  	v6 =	vadd.f32 v6, v10;
	v9 =	vadd.f32 v9, v11;
	v10 =	vld [tilespmem:s29+$0x2E0]  }
0x5a: {  	v7 =	vadd.f32 v18, v7;
	v8 =	vadd.f32 v19, v8;
	v11 =	vld [tilespmem:s29+$0x2F0]  }
0x5b: {  	v12 =	vadd.f32 v12, v6;
	v9 =	vadd.f32 v13, v9;
	v13 =	vld [tilespmem:s29+$0x360]  }
0x5c: {  	v5 =	vadd.f32 v5, v7;
	v4 =	vadd.f32 v4, v8;
	v18 =	vld [tilespmem:s29+$0x370];
	s29 =	sshra.s32 s30, $0x2  }
0x5d: {  	v12 =	vadd.f32 v14, v12;
	v6 =	vld [tilespmem:s29+$0x300];
	v9 =	vadd.f32 v15, v9  }
0x5e: {  	v3 =	vadd.f32 v3, v5;
	v2 =	vadd.f32 v2, v4;
	v7 =	vld [tilespmem:s29+$0x310]  }
0x5f: {  	v4 =	vadd.f32 v10, v12;
	v8 =	vld [tilespmem:s29+$0x320];
	v5 =	vadd.f32 v11, v9  }
0x60: {  	v10 =	vadd.f32 v0, v3;
	v17 =	vadd.f32 v1, v2;
	v9 =	vld [tilespmem:s29+$0x330]  }
0x61: {  	v16 =	vadd.f32 v13, v4;
	v0 =	vld [tilespmem:s29+$0x340];
	v15 =	vadd.f32 v18, v5  }
0x62: {  	v1 =	vld [tilespmem:s29+$0x350]  }
0x63: {  	v12 =	vld [tilespmem:s29+$0x280]  }
0x64: {  	v14 =	vld [tilespmem:s29+$0x290]  }
0x65: {  	v11 =	vld [tilespmem:s29+$0x2A0]  }
0x66: {  	v13 =	vld [tilespmem:s29+$0x2B0]  }
0x67: {  	v3 =	vld [tilespmem:s29+$0x2C0]  }
0x68: {  	v2 =	vld [tilespmem:s29+$0x2D0]  }
0x69: {  	v26 =	vld [tilespmem:s29+$0x200]  }
0x6a: {  	v28 =	vld [tilespmem:s29+$0x210]  }
0x6b: {  	v31 =	vld [tilespmem:s29+$0x220]  }
0x6c: {  	v34 =	vld [tilespmem:s29+$0x230]  }
0x6d: {  	v5 =	vld [tilespmem:s29+$0x240]  }
0x6e: {  	v4 =	vld [tilespmem:s29+$0x250]  }
0x6f: {  	v24 =	vld [tilespmem:s29+$0x180]  }
0x70: {  	v25 =	vld [tilespmem:s29+$0x190]  }
0x71: {  	v27 =	vld [tilespmem:s29+$0x1A0]  }
0x72: {  	v35 =	vld [tilespmem:s29+$0x1B0]  }
0x73: {  	v21 =	vld [tilespmem:s29+$0x100]  }
0x74: {  	v22 =	vld [tilespmem:s29+$0x110]  }
0x75: {  	v19 =	vld [tilespmem:s29+$0x80]  }
0x76: {  	v20 =	vld [tilespmem:s29+$0x90]  }
0x77: {  	v18 =	vld [tilespmem:s29+$0x0]  }
0x78: {  	v23 =	vld [tilespmem:s29+$0x10]  }
0x79: {  	v36 =	vld [tilespmem:s29+$0x20]  }
0x7a: {  	v37 =	vld [tilespmem:s29+$0x30]  }
0x7b: {  	v38 =	vld [tilespmem:s29+$0xA0]  }
0x7c: {  	v39 =	vld [tilespmem:s29+$0xB0]  }
0x7d: {  	v40 =	vld [tilespmem:s29+$0x120]  }
0x7e: {  	v29 =	vadd.f32 v18, v29;
	v23 =	vadd.f32 v23, v30;
	v30 =	vld [tilespmem:s29+$0x130]  }
0x7f: {  	v32 =	vadd.f32 v36, v32;
	v33 =	vadd.f32 v37, v33;
	v18 =	vld [tilespmem:s29+$0x1C0]  }
0x80: {  	v29 =	vadd.f32 v19, v29;
	v23 =	vadd.f32 v20, v23;
	v19 =	vld [tilespmem:s29+$0x1D0]  }
0x81: {  	v32 =	vadd.f32 v38, v32;
	v33 =	vadd.f32 v39, v33;
	v20 =	vld [tilespmem:s29+$0x140]  }
0x82: {  	v29 =	vadd.f32 v21, v29;
	v36 =	vadd.f32 v22, v23;
	v21 =	vld [tilespmem:s29+$0x150]  }
.Ltmp0:
0x83: {  	v32 =	vadd.f32 v40, v32;
	v22 =	vld [tilespmem:s29+$0xC0];
	v30 =	vadd.f32 v30, v33;
	(pc) =	sbr.rel @p0 .LBB2_3-.Ltmp0, $4  }
0x84: {  	v29 =	vadd.f32 v24, v29;
	v33 =	vadd.f32 v25, v36;
	v23 =	vld [tilespmem:s29+$0xD0]  }
0x85: {  	v32 =	vadd.f32 v27, v32;
	v24 =	vld [tilespmem:s29+$0x40];
	v30 =	vadd.f32 v35, v30  }
0x86: {  	v27 =	vadd.f32 v26, v29;
	v28 =	vadd.f32 v28, v33;
	v25 =	vld [tilespmem:s29+$0x50]  }
0x87: {  	s30 =	sadd.s32 $0xE00, s30;
	v29 =	vadd.f32 v31, v32;
	v26 =	vld [tilespmem:s29+$0x60];
	v30 =	vadd.f32 v34, v30  }
0x88: {  	v12 =	vadd.f32 v12, v27;
	v14 =	vadd.f32 v14, v28  }
0x89: {  	v27 =	vld [tilespmem:s29+$0x70];
	v11 =	vadd.f32 v11, v29;
	v13 =	vadd.f32 v13, v30  }
0x8a: {  	v28 =	vld [tilespmem:s29+$0xE0];
	v6 =	vadd.f32 v6, v12;
	v7 =	vadd.f32 v7, v14  }
0x8b: {  	v12 =	vld [tilespmem:s29+$0xF0];
	v10 =	vadd.f32 v24, v10;
	v8 =	vadd.f32 v8, v11  }
0x8c: {  	v11 =	vld [tilespmem:s29+$0x160];
	v9 =	vadd.f32 v9, v13;
	v13 =	vadd.f32 v25, v17  }
0x8d: {  	v14 =	vld [tilespmem:s29+$0x170];
	v16 =	vadd.f32 v26, v16;
	v10 =	vadd.f32 v22, v10  }
0x8e: {  	v17 =	vld [tilespmem:s29+$0x1E0];
	v15 =	vadd.f32 v27, v15;
	v13 =	vadd.f32 v23, v13  }
0x8f: {  	v22 =	vld [tilespmem:s29+$0x1F0];
	v16 =	vadd.f32 v28, v16;
	v10 =	vadd.f32 v20, v10  }
0x90: {  	v12 =	vadd.f32 v12, v15;
	v15 =	vld [tilespmem:s29+$0x260];
	v13 =	vadd.f32 v21, v13  }
0x91: {  	v20 =	vld [tilespmem:s29+$0x270];
	v11 =	vadd.f32 v11, v16;
	v10 =	vadd.f32 v18, v10  }
0x92: {  	v12 =	vadd.f32 v14, v12;
	v14 =	vld [tilespmem:s29+$0x2E0];
	v13 =	vadd.f32 v19, v13  }
0x93: {  	v16 =	vld [tilespmem:s29+$0x2F0];
	v11 =	vadd.f32 v17, v11;
	v5 =	vadd.f32 v5, v10  }
0x94: {  	v10 =	vadd.f32 v22, v12;
	v12 =	vld [tilespmem:s29+$0x360];
	v4 =	vadd.f32 v4, v13  }
0x95: {  	v13 =	vld [tilespmem:s29+$0x370];
	v11 =	vadd.f32 v15, v11;
	v3 =	vadd.f32 v3, v5;
	v5 =	vmul.f32 $5.102040710e-03, v6  }
0x96: {  	v6 =	vadd.f32 v20, v10;
	v2 =	vadd.f32 v2, v4;
	v4 =	vmul.f32 $5.102040710e-03, v7  }
0x97: {  	v7 =	vadd.f32 v14, v11;
	v0 =	vadd.f32 v0, v3;
	[tilespmem:$0xC800] =	vst v5;
	v3 =	vmul.f32 $5.102040710e-03, v8  }
0x98: {  	v5 =	vadd.f32 v16, v6;
	v1 =	vadd.f32 v1, v2;
	[tilespmem:$0xC810] =	vst v4;
	v2 =	vmul.f32 $5.102040710e-03, v9  }
0x99: {  	v4 =	vadd.f32 v12, v7;
	[tilespmem:$0xC820] =	vst v3;
	v0 =	vmul.f32 $5.102040710e-03, v0  }
0x9a: {  	v3 =	vadd.f32 v13, v5;
	[tilespmem:$0xC830] =	vst v2;
	v1 =	vmul.f32 $5.102040710e-03, v1  }
0x9b: {  	[tilespmem:$0xC840] =	vst v0;
	v0 =	vmul.f32 $5.102040710e-03, v4  }
0x9c: {  	[tilespmem:$0xC850] =	vst v1;
	v1 =	vmul.f32 $5.102040710e-03, v3  }
0x9d: {  	[tilespmem:$0xC860] =	vst v0  }
0x9e: {  	[tilespmem:$0xC870] =	vst v1  }
0x9f: {  	_ =	swait.ge [sflag:s21], $0x6200  }
0xa0: {  	s28 =	sadd.s32 s5, s28;
	[sflag:s21] =	ssyncset.done $0x0  }
0xa1: {  	s30 =	simm.s32 $0x0;
	s29 =	sadd.s32 $0x100, s28;
	[sflag:s21] =	ssyncadd.s32 $0xFFFF9E00  }
0xa2: {  	[tilespmem:s30], [sflag:$0x1] =	stream.strided.gather [hbm4b:s29+s14], $0x6000, s15, s14, $0x38;
	[tilespmem:$0xCB80] =	vst v63  }
0xa3: {  	s29 =	sadd.s32 $0x4900, s28  }
0xa4: {  	[tilespmem:s17], [sflag:$0x1] =	stream.linear.gather [hbm4b:s29+s30], $0x200, $0x38;
	[tilespmem:$0xCB80] =	vst v63  }
0xa5: {  	s29 =	simm.s32 $0x0  }
0xa6: {  	v6 =	vld [tilespmem:s29+$0x6700]  }
0xa7: {  	v7 =	vld [tilespmem:s29+$0x6710]  }
0xa8: {  	v8 =	vld [tilespmem:s29+$0x6720]  }
0xa9: {  	v9 =	vld [tilespmem:s29+$0x6730]  }
0xaa: {  	v0 =	vld [tilespmem:s29+$0x6740]  }
0xab: {  	v1 =	vld [tilespmem:s29+$0x6750]  }
0xac: {  	v12 =	vld [tilespmem:s29+$0x6680]  }
0xad: {  	v14 =	vld [tilespmem:s29+$0x6690]  }
0xae: {  	v11 =	vld [tilespmem:s29+$0x66A0]  }
0xaf: {  	v13 =	vld [tilespmem:s29+$0x66B0]  }
0xb0: {  	v3 =	vld [tilespmem:s29+$0x66C0]  }
0xb1: {  	v2 =	vld [tilespmem:s29+$0x66D0]  }
0xb2: {  	v15 =	vld [tilespmem:s29+$0x6600]  }
0xb3: {  	v16 =	vld [tilespmem:s29+$0x6610]  }
0xb4: {  	v17 =	vld [tilespmem:s29+$0x6620]  }
0xb5: {  	v26 =	vld [tilespmem:s29+$0x6630]  }
0xb6: {  	v5 =	vld [tilespmem:s29+$0x6640]  }
0xb7: {  	v4 =	vld [tilespmem:s29+$0x6650]  }
0xb8: {  	v23 =	vld [tilespmem:s29+$0x6580]  }
0xb9: {  	v24 =	vld [tilespmem:s29+$0x6590]  }
0xba: {  	v25 =	vld [tilespmem:s29+$0x65A0]  }
0xbb: {  	v21 =	vld [tilespmem:s29+$0x6500]  }
0xbc: {  	v22 =	vld [tilespmem:s29+$0x6510]  }
0xbd: {  	v19 =	vld [tilespmem:s29+$0x6480]  }
0xbe: {  	v20 =	vld [tilespmem:s29+$0x6490]  }
0xbf: {  	v18 =	vld [tilespmem:s29+$0x6400]  }
0xc0: {  	v27 =	vld [tilespmem:s29+$0x6410]  }
0xc1: {  	v28 =	vld [tilespmem:s29+$0x6420]  }
0xc2: {  	v29 =	vld [tilespmem:s29+$0x6430]  }
0xc3: {  	v30 =	vld [tilespmem:s29+$0x64A0]  }
0xc4: {  	v31 =	vld [tilespmem:s29+$0x64B0]  }
0xc5: {  	v10 =	vimm.f32 $0.0e+00;
	v32 =	vld [tilespmem:s29+$0x6520]  }
0xc6: {  	v34 =	vld [tilespmem:s29+$0x6530];
	v33 =	vadd.f32 v18, v10;
	v27 =	vadd.f32 v27, v10  }
0xc7: {  	v35 =	vld [tilespmem:s29+$0x65B0];
	v28 =	vadd.f32 v28, v10;
	v29 =	vadd.f32 v29, v10  }
0xc8: {  	v18 =	vld [tilespmem:s29+$0x65C0];
	v33 =	vadd.f32 v19, v33;
	v27 =	vadd.f32 v20, v27  }
0xc9: {  	v19 =	vld [tilespmem:s29+$0x65D0];
	v28 =	vadd.f32 v30, v28;
	v29 =	vadd.f32 v31, v29  }
0xca: {  	v20 =	vld [tilespmem:s29+$0x6540];
	v30 =	vadd.f32 v21, v33;
	v27 =	vadd.f32 v22, v27  }
0xcb: {  	v21 =	vld [tilespmem:s29+$0x6550];
	v28 =	vadd.f32 v32, v28;
	v29 =	vadd.f32 v34, v29  }
0xcc: {  	v22 =	vld [tilespmem:s29+$0x64C0];
	v30 =	vadd.f32 v23, v30;
	v31 =	vadd.f32 v24, v27  }
0xcd: {  	v23 =	vld [tilespmem:s29+$0x64D0];
	v32 =	vadd.f32 v25, v28;
	v63 =	vadd.f32 v35, v29  }
0xce: {  	v24 =	vld [tilespmem:s29+$0x6440];
	v27 =	vadd.f32 v15, v30;
	v28 =	vadd.f32 v16, v31  }
0xcf: {  	v25 =	vld [tilespmem:s29+$0x6450];
	v29 =	vadd.f32 v17, v32;
	v30 =	vadd.f32 v26, v63  }
0xd0: {  	s30 =	simm.s32 $0xE00;
	v26 =	vld [tilespmem:s29+$0x6460];
	v17 =	vimm.f32 $0.0e+00;
	v16 =	vimm.f32 $0.0e+00;
	v15 =	vimm.f32 $0.0e+00  }
.LBB2_5:
0xd1: {  	p0 =	sne.s32 s30, $0x17A00;
	v31 =	vld [tilespmem:s29+$0x6470];
	v12 =	vadd.f32 v12, v27;
	v14 =	vadd.f32 v14, v28  }
0xd2: {  	v27 =	vld [tilespmem:s29+$0x64E0];
	v11 =	vadd.f32 v11, v29;
	v13 =	vadd.f32 v13, v30  }
0xd3: {  	v28 =	vld [tilespmem:s29+$0x64F0];
	v29 =	vadd.f32 v6, v12;
	v30 =	vadd.f32 v7, v14  }
0xd4: {  	v6 =	vld [tilespmem:s29+$0x6560];
	v32 =	vadd.f32 v8, v11;
	v33 =	vadd.f32 v9, v13  }
0xd5: {  	v7 =	vadd.f32 v24, v10;
	v8 =	vadd.f32 v25, v17;
	v9 =	vld [tilespmem:s29+$0x6570]  }
0xd6: {  	v10 =	vadd.f32 v26, v16;
	v11 =	vadd.f32 v31, v15;
	v12 =	vld [tilespmem:s29+$0x65E0]  }
0xd7: {  	v7 =	vadd.f32 v22, v7;
	v8 =	vadd.f32 v23, v8;
	v13 =	vld [tilespmem:s29+$0x65F0]  }
0xd8: {  	v10 =	vadd.f32 v27, v10;
	v11 =	vadd.f32 v28, v11;
	v14 =	vld [tilespmem:s29+$0x6660]  }
0xd9: {  	v7 =	vadd.f32 v20, v7;
	v8 =	vadd.f32 v21, v8;
	v15 =	vld [tilespmem:s29+$0x6670]  }
0xda: {  	v6 =	vadd.f32 v6, v10;
	v9 =	vadd.f32 v9, v11;
	v10 =	vld [tilespmem:s29+$0x66E0]  }
0xdb: {  	v7 =	vadd.f32 v18, v7;
	v8 =	vadd.f32 v19, v8;
	v11 =	vld [tilespmem:s29+$0x66F0]  }
0xdc: {  	v12 =	vadd.f32 v12, v6;
	v9 =	vadd.f32 v13, v9;
	v13 =	vld [tilespmem:s29+$0x6760]  }
0xdd: {  	v5 =	vadd.f32 v5, v7;
	v4 =	vadd.f32 v4, v8;
	v18 =	vld [tilespmem:s29+$0x6770];
	s29 =	sshra.s32 s30, $0x2  }
0xde: {  	v12 =	vadd.f32 v14, v12;
	v6 =	vld [tilespmem:s29+$0x6700];
	v9 =	vadd.f32 v15, v9  }
0xdf: {  	v3 =	vadd.f32 v3, v5;
	v2 =	vadd.f32 v2, v4;
	v7 =	vld [tilespmem:s29+$0x6710]  }
0xe0: {  	v4 =	vadd.f32 v10, v12;
	v8 =	vld [tilespmem:s29+$0x6720];
	v5 =	vadd.f32 v11, v9  }
0xe1: {  	v10 =	vadd.f32 v0, v3;
	v17 =	vadd.f32 v1, v2;
	v9 =	vld [tilespmem:s29+$0x6730]  }
0xe2: {  	v16 =	vadd.f32 v13, v4;
	v0 =	vld [tilespmem:s29+$0x6740];
	v15 =	vadd.f32 v18, v5  }
0xe3: {  	v1 =	vld [tilespmem:s29+$0x6750]  }
0xe4: {  	v12 =	vld [tilespmem:s29+$0x6680]  }
0xe5: {  	v14 =	vld [tilespmem:s29+$0x6690]  }
0xe6: {  	v11 =	vld [tilespmem:s29+$0x66A0]  }
0xe7: {  	v13 =	vld [tilespmem:s29+$0x66B0]  }
0xe8: {  	v3 =	vld [tilespmem:s29+$0x66C0]  }
0xe9: {  	v2 =	vld [tilespmem:s29+$0x66D0]  }
0xea: {  	v26 =	vld [tilespmem:s29+$0x6600]  }
0xeb: {  	v28 =	vld [tilespmem:s29+$0x6610]  }
0xec: {  	v31 =	vld [tilespmem:s29+$0x6620]  }
0xed: {  	v34 =	vld [tilespmem:s29+$0x6630]  }
0xee: {  	v5 =	vld [tilespmem:s29+$0x6640]  }
0xef: {  	v4 =	vld [tilespmem:s29+$0x6650]  }
0xf0: {  	v24 =	vld [tilespmem:s29+$0x6580]  }
0xf1: {  	v25 =	vld [tilespmem:s29+$0x6590]  }
0xf2: {  	v27 =	vld [tilespmem:s29+$0x65A0]  }
0xf3: {  	v35 =	vld [tilespmem:s29+$0x65B0]  }
0xf4: {  	v21 =	vld [tilespmem:s29+$0x6500]  }
0xf5: {  	v22 =	vld [tilespmem:s29+$0x6510]  }
0xf6: {  	v19 =	vld [tilespmem:s29+$0x6480]  }
0xf7: {  	v20 =	vld [tilespmem:s29+$0x6490]  }
0xf8: {  	v18 =	vld [tilespmem:s29+$0x6400]  }
0xf9: {  	v23 =	vld [tilespmem:s29+$0x6410]  }
0xfa: {  	v36 =	vld [tilespmem:s29+$0x6420]  }
0xfb: {  	v37 =	vld [tilespmem:s29+$0x6430]  }
0xfc: {  	v38 =	vld [tilespmem:s29+$0x64A0]  }
0xfd: {  	v39 =	vld [tilespmem:s29+$0x64B0]  }
0xfe: {  	v40 =	vld [tilespmem:s29+$0x6520]  }
0xff: {  	v29 =	vadd.f32 v18, v29;
	v23 =	vadd.f32 v23, v30;
	v30 =	vld [tilespmem:s29+$0x6530]  }
0x100: {  	v32 =	vadd.f32 v36, v32;
	v33 =	vadd.f32 v37, v33;
	v18 =	vld [tilespmem:s29+$0x65C0]  }
0x101: {  	v29 =	vadd.f32 v19, v29;
	v23 =	vadd.f32 v20, v23;
	v19 =	vld [tilespmem:s29+$0x65D0]  }
0x102: {  	v32 =	vadd.f32 v38, v32;
	v33 =	vadd.f32 v39, v33;
	v20 =	vld [tilespmem:s29+$0x6540]  }
0x103: {  	v29 =	vadd.f32 v21, v29;
	v36 =	vadd.f32 v22, v23;
	v21 =	vld [tilespmem:s29+$0x6550]  }
.Ltmp1:
0x104: {  	v32 =	vadd.f32 v40, v32;
	v22 =	vld [tilespmem:s29+$0x64C0];
	v30 =	vadd.f32 v30, v33;
	(pc) =	sbr.rel @p0 .LBB2_5-.Ltmp1, $4  }
0x105: {  	v29 =	vadd.f32 v24, v29;
	v33 =	vadd.f32 v25, v36;
	v23 =	vld [tilespmem:s29+$0x64D0]  }
0x106: {  	v32 =	vadd.f32 v27, v32;
	v24 =	vld [tilespmem:s29+$0x6440];
	v30 =	vadd.f32 v35, v30  }
0x107: {  	v27 =	vadd.f32 v26, v29;
	v28 =	vadd.f32 v28, v33;
	v25 =	vld [tilespmem:s29+$0x6450]  }
0x108: {  	s30 =	sadd.s32 $0xE00, s30;
	v29 =	vadd.f32 v31, v32;
	v26 =	vld [tilespmem:s29+$0x6460];
	v30 =	vadd.f32 v34, v30  }
0x109: {  	v12 =	vadd.f32 v12, v27;
	v14 =	vadd.f32 v14, v28  }
0x10a: {  	v27 =	vld [tilespmem:s29+$0x6470];
	v11 =	vadd.f32 v11, v29;
	v13 =	vadd.f32 v13, v30  }
0x10b: {  	v28 =	vld [tilespmem:s29+$0x64E0];
	v6 =	vadd.f32 v6, v12;
	v7 =	vadd.f32 v7, v14  }
0x10c: {  	v12 =	vld [tilespmem:s29+$0x64F0];
	v10 =	vadd.f32 v24, v10;
	v8 =	vadd.f32 v8, v11  }
0x10d: {  	v11 =	vld [tilespmem:s29+$0x6560];
	v9 =	vadd.f32 v9, v13;
	v13 =	vadd.f32 v25, v17  }
0x10e: {  	v14 =	vld [tilespmem:s29+$0x6570];
	v16 =	vadd.f32 v26, v16;
	v10 =	vadd.f32 v22, v10  }
0x10f: {  	v17 =	vld [tilespmem:s29+$0x65E0];
	v15 =	vadd.f32 v27, v15;
	v13 =	vadd.f32 v23, v13  }
0x110: {  	v22 =	vld [tilespmem:s29+$0x65F0];
	v16 =	vadd.f32 v28, v16;
	v10 =	vadd.f32 v20, v10  }
0x111: {  	v12 =	vadd.f32 v12, v15;
	v15 =	vld [tilespmem:s29+$0x6660];
	v13 =	vadd.f32 v21, v13  }
0x112: {  	v20 =	vld [tilespmem:s29+$0x6670];
	v11 =	vadd.f32 v11, v16;
	v10 =	vadd.f32 v18, v10  }
0x113: {  	v12 =	vadd.f32 v14, v12;
	v14 =	vld [tilespmem:s29+$0x66E0];
	v13 =	vadd.f32 v19, v13  }
0x114: {  	v16 =	vld [tilespmem:s29+$0x66F0];
	v11 =	vadd.f32 v17, v11;
	v5 =	vadd.f32 v5, v10  }
0x115: {  	v10 =	vadd.f32 v22, v12;
	v12 =	vld [tilespmem:s29+$0x6760];
	v4 =	vadd.f32 v4, v13  }
0x116: {  	v13 =	vld [tilespmem:s29+$0x6770];
	v11 =	vadd.f32 v15, v11;
	v3 =	vadd.f32 v3, v5;
	v5 =	vmul.f32 $5.102040710e-03, v6  }
0x117: {  	v6 =	vadd.f32 v20, v10;
	v2 =	vadd.f32 v2, v4;
	v4 =	vmul.f32 $5.102040710e-03, v7  }
0x118: {  	v7 =	vadd.f32 v14, v11;
	v0 =	vadd.f32 v0, v3;
	[tilespmem:$0xC880] =	vst v5;
	v3 =	vmul.f32 $5.102040710e-03, v8  }
0x119: {  	v5 =	vadd.f32 v16, v6;
	v1 =	vadd.f32 v1, v2;
	[tilespmem:$0xC890] =	vst v4;
	v2 =	vmul.f32 $5.102040710e-03, v9  }
0x11a: {  	v4 =	vadd.f32 v12, v7;
	[tilespmem:$0xC8A0] =	vst v3;
	v0 =	vmul.f32 $5.102040710e-03, v0  }
0x11b: {  	v3 =	vadd.f32 v13, v5;
	[tilespmem:$0xC8B0] =	vst v2;
	v1 =	vmul.f32 $5.102040710e-03, v1  }
0x11c: {  	[tilespmem:$0xC8C0] =	vst v0;
	v0 =	vmul.f32 $5.102040710e-03, v4  }
0x11d: {  	[tilespmem:$0xC8D0] =	vst v1;
	v1 =	vmul.f32 $5.102040710e-03, v3  }
0x11e: {  	[tilespmem:$0xC8E0] =	vst v0  }
0x11f: {  	[tilespmem:$0xC8F0] =	vst v1  }
0x120: {  	_ =	swait.ge [sflag:s18], $0x6200  }
0x121: {  	[sflag:s18] =	ssyncset.done $0x0  }
0x122: {  	s29 =	sadd.s32 $0x180, s28;
	[sflag:s18] =	ssyncadd.s32 $0xFFFF9E00  }
0x123: {  	[tilespmem:s19], [sflag:$0x2] =	stream.strided.gather [hbm4b:s29+s14], $0x6000, s15, s14, $0x38;
	[tilespmem:$0xCB80] =	vst v63  }
0x124: {  	s30 =	simm.s32 $0x0;
	s29 =	sadd.s32 $0x4980, s28  }
0x125: {  	[tilespmem:s20], [sflag:$0x2] =	stream.linear.gather [hbm4b:s29+s30], $0x200, $0x38;
	[tilespmem:$0xCB80] =	vst v63  }
0x126: {  	s29 =	simm.s32 $0x0  }
0x127: {  	v6 =	vld [tilespmem:s29+$0x300]  }
0x128: {  	v7 =	vld [tilespmem:s29+$0x310]  }
0x129: {  	v8 =	vld [tilespmem:s29+$0x320]  }
0x12a: {  	v9 =	vld [tilespmem:s29+$0x330]  }
0x12b: {  	v0 =	vld [tilespmem:s29+$0x340]  }
0x12c: {  	v1 =	vld [tilespmem:s29+$0x350]  }
0x12d: {  	v12 =	vld [tilespmem:s29+$0x280]  }
0x12e: {  	v14 =	vld [tilespmem:s29+$0x290]  }
0x12f: {  	v11 =	vld [tilespmem:s29+$0x2A0]  }
0x130: {  	v13 =	vld [tilespmem:s29+$0x2B0]  }
0x131: {  	v3 =	vld [tilespmem:s29+$0x2C0]  }
0x132: {  	v2 =	vld [tilespmem:s29+$0x2D0]  }
0x133: {  	v15 =	vld [tilespmem:s29+$0x200]  }
0x134: {  	v16 =	vld [tilespmem:s29+$0x210]  }
0x135: {  	v17 =	vld [tilespmem:s29+$0x220]  }
0x136: {  	v26 =	vld [tilespmem:s29+$0x230]  }
0x137: {  	v5 =	vld [tilespmem:s29+$0x240]  }
0x138: {  	v4 =	vld [tilespmem:s29+$0x250]  }
0x139: {  	v23 =	vld [tilespmem:s29+$0x180]  }
0x13a: {  	v24 =	vld [tilespmem:s29+$0x190]  }
0x13b: {  	v25 =	vld [tilespmem:s29+$0x1A0]  }
0x13c: {  	v21 =	vld [tilespmem:s29+$0x100]  }
0x13d: {  	v22 =	vld [tilespmem:s29+$0x110]  }
0x13e: {  	v19 =	vld [tilespmem:s29+$0x80]  }
0x13f: {  	v20 =	vld [tilespmem:s29+$0x90]  }
0x140: {  	v18 =	vld [tilespmem:s29+$0x0]  }
0x141: {  	v27 =	vld [tilespmem:s29+$0x10]  }
0x142: {  	v28 =	vld [tilespmem:s29+$0x20]  }
0x143: {  	v29 =	vld [tilespmem:s29+$0x30]  }
0x144: {  	v30 =	vld [tilespmem:s29+$0xA0]  }
0x145: {  	v31 =	vld [tilespmem:s29+$0xB0]  }
0x146: {  	v10 =	vimm.f32 $0.0e+00;
	v32 =	vld [tilespmem:s29+$0x120]  }
0x147: {  	v34 =	vld [tilespmem:s29+$0x130];
	v33 =	vadd.f32 v18, v10;
	v27 =	vadd.f32 v27, v10  }
0x148: {  	v35 =	vld [tilespmem:s29+$0x1B0];
	v28 =	vadd.f32 v28, v10;
	v29 =	vadd.f32 v29, v10  }
0x149: {  	v18 =	vld [tilespmem:s29+$0x1C0];
	v33 =	vadd.f32 v19, v33;
	v27 =	vadd.f32 v20, v27  }
0x14a: {  	v19 =	vld [tilespmem:s29+$0x1D0];
	v28 =	vadd.f32 v30, v28;
	v29 =	vadd.f32 v31, v29  }
0x14b: {  	v20 =	vld [tilespmem:s29+$0x140];
	v30 =	vadd.f32 v21, v33;
	v27 =	vadd.f32 v22, v27  }
0x14c: {  	v21 =	vld [tilespmem:s29+$0x150];
	v28 =	vadd.f32 v32, v28;
	v29 =	vadd.f32 v34, v29  }
0x14d: {  	v22 =	vld [tilespmem:s29+$0xC0];
	v30 =	vadd.f32 v23, v30;
	v31 =	vadd.f32 v24, v27  }
0x14e: {  	v23 =	vld [tilespmem:s29+$0xD0];
	v32 =	vadd.f32 v25, v28;
	v63 =	vadd.f32 v35, v29  }
0x14f: {  	v24 =	vld [tilespmem:s29+$0x40];
	v27 =	vadd.f32 v15, v30;
	v28 =	vadd.f32 v16, v31  }
0x150: {  	v25 =	vld [tilespmem:s29+$0x50];
	v29 =	vadd.f32 v17, v32;
	v30 =	vadd.f32 v26, v63  }
0x151: {  	s30 =	simm.s32 $0xE00;
	v26 =	vld [tilespmem:s29+$0x60];
	v17 =	vimm.f32 $0.0e+00;
	v16 =	vimm.f32 $0.0e+00;
	v15 =	vimm.f32 $0.0e+00  }
.LBB2_7:
0x152: {  	p0 =	sne.s32 s30, $0x17A00;
	v31 =	vld [tilespmem:s29+$0x70];
	v12 =	vadd.f32 v12, v27;
	v14 =	vadd.f32 v14, v28  }
0x153: {  	v27 =	vld [tilespmem:s29+$0xE0];
	v11 =	vadd.f32 v11, v29;
	v13 =	vadd.f32 v13, v30  }
0x154: {  	v28 =	vld [tilespmem:s29+$0xF0];
	v29 =	vadd.f32 v6, v12;
	v30 =	vadd.f32 v7, v14  }
0x155: {  	v6 =	vld [tilespmem:s29+$0x160];
	v32 =	vadd.f32 v8, v11;
	v33 =	vadd.f32 v9, v13  }
0x156: {  	v7 =	vadd.f32 v24, v10;
	v8 =	vadd.f32 v25, v17;
	v9 =	vld [tilespmem:s29+$0x170]  }
0x157: {  	v10 =	vadd.f32 v26, v16;
	v11 =	vadd.f32 v31, v15;
	v12 =	vld [tilespmem:s29+$0x1E0]  }
0x158: {  	v7 =	vadd.f32 v22, v7;
	v8 =	vadd.f32 v23, v8;
	v13 =	vld [tilespmem:s29+$0x1F0]  }
0x159: {  	v10 =	vadd.f32 v27, v10;
	v11 =	vadd.f32 v28, v11;
	v14 =	vld [tilespmem:s29+$0x260]  }
0x15a: {  	v7 =	vadd.f32 v20, v7;
	v8 =	vadd.f32 v21, v8;
	v15 =	vld [tilespmem:s29+$0x270]  }
0x15b: {  	v6 =	vadd.f32 v6, v10;
	v9 =	vadd.f32 v9, v11;
	v10 =	vld [tilespmem:s29+$0x2E0]  }
0x15c: {  	v7 =	vadd.f32 v18, v7;
	v8 =	vadd.f32 v19, v8;
	v11 =	vld [tilespmem:s29+$0x2F0]  }
0x15d: {  	v12 =	vadd.f32 v12, v6;
	v9 =	vadd.f32 v13, v9;
	v13 =	vld [tilespmem:s29+$0x360]  }
0x15e: {  	v5 =	vadd.f32 v5, v7;
	v4 =	vadd.f32 v4, v8;
	v18 =	vld [tilespmem:s29+$0x370];
	s29 =	sshra.s32 s30, $0x2  }
0x15f: {  	v12 =	vadd.f32 v14, v12;
	v6 =	vld [tilespmem:s29+$0x300];
	v9 =	vadd.f32 v15, v9  }
0x160: {  	v3 =	vadd.f32 v3, v5;
	v2 =	vadd.f32 v2, v4;
	v7 =	vld [tilespmem:s29+$0x310]  }
0x161: {  	v4 =	vadd.f32 v10, v12;
	v8 =	vld [tilespmem:s29+$0x320];
	v5 =	vadd.f32 v11, v9  }
0x162: {  	v10 =	vadd.f32 v0, v3;
	v17 =	vadd.f32 v1, v2;
	v9 =	vld [tilespmem:s29+$0x330]  }
0x163: {  	v16 =	vadd.f32 v13, v4;
	v0 =	vld [tilespmem:s29+$0x340];
	v15 =	vadd.f32 v18, v5  }
0x164: {  	v1 =	vld [tilespmem:s29+$0x350]  }
0x165: {  	v12 =	vld [tilespmem:s29+$0x280]  }
0x166: {  	v14 =	vld [tilespmem:s29+$0x290]  }
0x167: {  	v11 =	vld [tilespmem:s29+$0x2A0]  }
0x168: {  	v13 =	vld [tilespmem:s29+$0x2B0]  }
0x169: {  	v3 =	vld [tilespmem:s29+$0x2C0]  }
0x16a: {  	v2 =	vld [tilespmem:s29+$0x2D0]  }
0x16b: {  	v26 =	vld [tilespmem:s29+$0x200]  }
0x16c: {  	v28 =	vld [tilespmem:s29+$0x210]  }
0x16d: {  	v31 =	vld [tilespmem:s29+$0x220]  }
0x16e: {  	v34 =	vld [tilespmem:s29+$0x230]  }
0x16f: {  	v5 =	vld [tilespmem:s29+$0x240]  }
0x170: {  	v4 =	vld [tilespmem:s29+$0x250]  }
0x171: {  	v24 =	vld [tilespmem:s29+$0x180]  }
0x172: {  	v25 =	vld [tilespmem:s29+$0x190]  }
0x173: {  	v27 =	vld [tilespmem:s29+$0x1A0]  }
0x174: {  	v35 =	vld [tilespmem:s29+$0x1B0]  }
0x175: {  	v21 =	vld [tilespmem:s29+$0x100]  }
0x176: {  	v22 =	vld [tilespmem:s29+$0x110]  }
0x177: {  	v19 =	vld [tilespmem:s29+$0x80]  }
0x178: {  	v20 =	vld [tilespmem:s29+$0x90]  }
0x179: {  	v18 =	vld [tilespmem:s29+$0x0]  }
0x17a: {  	v23 =	vld [tilespmem:s29+$0x10]  }
0x17b: {  	v36 =	vld [tilespmem:s29+$0x20]  }
0x17c: {  	v37 =	vld [tilespmem:s29+$0x30]  }
0x17d: {  	v38 =	vld [tilespmem:s29+$0xA0]  }
0x17e: {  	v39 =	vld [tilespmem:s29+$0xB0]  }
0x17f: {  	v40 =	vld [tilespmem:s29+$0x120]  }
0x180: {  	v29 =	vadd.f32 v18, v29;
	v23 =	vadd.f32 v23, v30;
	v30 =	vld [tilespmem:s29+$0x130]  }
0x181: {  	v32 =	vadd.f32 v36, v32;
	v33 =	vadd.f32 v37, v33;
	v18 =	vld [tilespmem:s29+$0x1C0]  }
0x182: {  	v29 =	vadd.f32 v19, v29;
	v23 =	vadd.f32 v20, v23;
	v19 =	vld [tilespmem:s29+$0x1D0]  }
0x183: {  	v32 =	vadd.f32 v38, v32;
	v33 =	vadd.f32 v39, v33;
	v20 =	vld [tilespmem:s29+$0x140]  }
0x184: {  	v29 =	vadd.f32 v21, v29;
	v36 =	vadd.f32 v22, v23;
	v21 =	vld [tilespmem:s29+$0x150]  }
.Ltmp2:
0x185: {  	v32 =	vadd.f32 v40, v32;
	v22 =	vld [tilespmem:s29+$0xC0];
	v30 =	vadd.f32 v30, v33;
	(pc) =	sbr.rel @p0 .LBB2_7-.Ltmp2, $4  }
0x186: {  	v29 =	vadd.f32 v24, v29;
	v33 =	vadd.f32 v25, v36;
	v23 =	vld [tilespmem:s29+$0xD0]  }
0x187: {  	v32 =	vadd.f32 v27, v32;
	v24 =	vld [tilespmem:s29+$0x40];
	v30 =	vadd.f32 v35, v30  }
0x188: {  	v27 =	vadd.f32 v26, v29;
	v28 =	vadd.f32 v28, v33;
	v25 =	vld [tilespmem:s29+$0x50]  }
0x189: {  	s30 =	sadd.s32 $0xE00, s30;
	v29 =	vadd.f32 v31, v32;
	v26 =	vld [tilespmem:s29+$0x60];
	v30 =	vadd.f32 v34, v30  }
0x18a: {  	v12 =	vadd.f32 v12, v27;
	v14 =	vadd.f32 v14, v28  }
0x18b: {  	v27 =	vld [tilespmem:s29+$0x70];
	v11 =	vadd.f32 v11, v29;
	v13 =	vadd.f32 v13, v30  }
0x18c: {  	v28 =	vld [tilespmem:s29+$0xE0];
	v6 =	vadd.f32 v6, v12;
	v7 =	vadd.f32 v7, v14  }
0x18d: {  	v12 =	vld [tilespmem:s29+$0xF0];
	v10 =	vadd.f32 v24, v10;
	v8 =	vadd.f32 v8, v11  }
0x18e: {  	v11 =	vld [tilespmem:s29+$0x160];
	v9 =	vadd.f32 v9, v13;
	v13 =	vadd.f32 v25, v17  }
0x18f: {  	v14 =	vld [tilespmem:s29+$0x170];
	v16 =	vadd.f32 v26, v16;
	v10 =	vadd.f32 v22, v10  }
0x190: {  	v17 =	vld [tilespmem:s29+$0x1E0];
	v15 =	vadd.f32 v27, v15;
	v13 =	vadd.f32 v23, v13  }
0x191: {  	v22 =	vld [tilespmem:s29+$0x1F0];
	v16 =	vadd.f32 v28, v16;
	v10 =	vadd.f32 v20, v10  }
0x192: {  	v12 =	vadd.f32 v12, v15;
	v15 =	vld [tilespmem:s29+$0x260];
	v13 =	vadd.f32 v21, v13  }
0x193: {  	v20 =	vld [tilespmem:s29+$0x270];
	v11 =	vadd.f32 v11, v16;
	v10 =	vadd.f32 v18, v10  }
0x194: {  	v12 =	vadd.f32 v14, v12;
	v14 =	vld [tilespmem:s29+$0x2E0];
	v13 =	vadd.f32 v19, v13  }
0x195: {  	v16 =	vld [tilespmem:s29+$0x2F0];
	v11 =	vadd.f32 v17, v11;
	v5 =	vadd.f32 v5, v10  }
0x196: {  	v10 =	vadd.f32 v22, v12;
	v12 =	vld [tilespmem:s29+$0x360];
	v4 =	vadd.f32 v4, v13  }
0x197: {  	v13 =	vld [tilespmem:s29+$0x370];
	v11 =	vadd.f32 v15, v11;
	v3 =	vadd.f32 v3, v5;
	v5 =	vmul.f32 $5.102040710e-03, v6  }
0x198: {  	v6 =	vadd.f32 v20, v10;
	v2 =	vadd.f32 v2, v4;
	v4 =	vmul.f32 $5.102040710e-03, v7  }
0x199: {  	v7 =	vadd.f32 v14, v11;
	v0 =	vadd.f32 v0, v3;
	[tilespmem:$0xC900] =	vst v5;
	v3 =	vmul.f32 $5.102040710e-03, v8  }
0x19a: {  	v5 =	vadd.f32 v16, v6;
	v1 =	vadd.f32 v1, v2;
	[tilespmem:$0xC910] =	vst v4;
	v2 =	vmul.f32 $5.102040710e-03, v9  }
0x19b: {  	v4 =	vadd.f32 v12, v7;
	[tilespmem:$0xC920] =	vst v3;
	v0 =	vmul.f32 $5.102040710e-03, v0  }
0x19c: {  	v3 =	vadd.f32 v13, v5;
	[tilespmem:$0xC930] =	vst v2;
	v1 =	vmul.f32 $5.102040710e-03, v1  }
0x19d: {  	[tilespmem:$0xC940] =	vst v0;
	v0 =	vmul.f32 $5.102040710e-03, v4  }
0x19e: {  	[tilespmem:$0xC950] =	vst v1;
	v1 =	vmul.f32 $5.102040710e-03, v3  }
0x19f: {  	[tilespmem:$0xC960] =	vst v0  }
0x1a0: {  	[tilespmem:$0xC970] =	vst v1  }
0x1a1: {  	_ =	swait.ge [sflag:s21], $0x6200  }
0x1a2: {  	[sflag:s21] =	ssyncset.done $0x0  }
0x1a3: {  	s30 =	simm.s32 $0x0;
	s29 =	sadd.s32 $0x200, s28;
	[sflag:s21] =	ssyncadd.s32 $0xFFFF9E00  }
0x1a4: {  	[tilespmem:s30], [sflag:$0x1] =	stream.strided.gather [hbm4b:s29+s14], $0x6000, s15, s14, $0x38;
	[tilespmem:$0xCB80] =	vst v63  }
0x1a5: {  	s29 =	sadd.s32 $0x4A00, s28  }
0x1a6: {  	[tilespmem:s17], [sflag:$0x1] =	stream.linear.gather [hbm4b:s29+s30], $0x200, $0x38;
	[tilespmem:$0xCB80] =	vst v63  }
0x1a7: {  	s29 =	simm.s32 $0x0  }
0x1a8: {  	v6 =	vld [tilespmem:s29+$0x6700]  }
0x1a9: {  	v7 =	vld [tilespmem:s29+$0x6710]  }
0x1aa: {  	v8 =	vld [tilespmem:s29+$0x6720]  }
0x1ab: {  	v9 =	vld [tilespmem:s29+$0x6730]  }
0x1ac: {  	v0 =	vld [tilespmem:s29+$0x6740]  }
0x1ad: {  	v1 =	vld [tilespmem:s29+$0x6750]  }
0x1ae: {  	v12 =	vld [tilespmem:s29+$0x6680]  }
0x1af: {  	v14 =	vld [tilespmem:s29+$0x6690]  }
0x1b0: {  	v11 =	vld [tilespmem:s29+$0x66A0]  }
0x1b1: {  	v13 =	vld [tilespmem:s29+$0x66B0]  }
0x1b2: {  	v3 =	vld [tilespmem:s29+$0x66C0]  }
0x1b3: {  	v2 =	vld [tilespmem:s29+$0x66D0]  }
0x1b4: {  	v15 =	vld [tilespmem:s29+$0x6600]  }
0x1b5: {  	v16 =	vld [tilespmem:s29+$0x6610]  }
0x1b6: {  	v17 =	vld [tilespmem:s29+$0x6620]  }
0x1b7: {  	v26 =	vld [tilespmem:s29+$0x6630]  }
0x1b8: {  	v5 =	vld [tilespmem:s29+$0x6640]  }
0x1b9: {  	v4 =	vld [tilespmem:s29+$0x6650]  }
0x1ba: {  	v23 =	vld [tilespmem:s29+$0x6580]  }
0x1bb: {  	v24 =	vld [tilespmem:s29+$0x6590]  }
0x1bc: {  	v25 =	vld [tilespmem:s29+$0x65A0]  }
0x1bd: {  	v21 =	vld [tilespmem:s29+$0x6500]  }
0x1be: {  	v22 =	vld [tilespmem:s29+$0x6510]  }
0x1bf: {  	v19 =	vld [tilespmem:s29+$0x6480]  }
0x1c0: {  	v20 =	vld [tilespmem:s29+$0x6490]  }
0x1c1: {  	v18 =	vld [tilespmem:s29+$0x6400]  }
0x1c2: {  	v27 =	vld [tilespmem:s29+$0x6410]  }
0x1c3: {  	v28 =	vld [tilespmem:s29+$0x6420]  }
0x1c4: {  	v29 =	vld [tilespmem:s29+$0x6430]  }
0x1c5: {  	v30 =	vld [tilespmem:s29+$0x64A0]  }
0x1c6: {  	v31 =	vld [tilespmem:s29+$0x64B0]  }
0x1c7: {  	v10 =	vimm.f32 $0.0e+00;
	v32 =	vld [tilespmem:s29+$0x6520]  }
0x1c8: {  	v34 =	vld [tilespmem:s29+$0x6530];
	v33 =	vadd.f32 v18, v10;
	v27 =	vadd.f32 v27, v10  }
0x1c9: {  	v35 =	vld [tilespmem:s29+$0x65B0];
	v28 =	vadd.f32 v28, v10;
	v29 =	vadd.f32 v29, v10  }
0x1ca: {  	v18 =	vld [tilespmem:s29+$0x65C0];
	v33 =	vadd.f32 v19, v33;
	v27 =	vadd.f32 v20, v27  }
0x1cb: {  	v19 =	vld [tilespmem:s29+$0x65D0];
	v28 =	vadd.f32 v30, v28;
	v29 =	vadd.f32 v31, v29  }
0x1cc: {  	v20 =	vld [tilespmem:s29+$0x6540];
	v30 =	vadd.f32 v21, v33;
	v27 =	vadd.f32 v22, v27  }
0x1cd: {  	v21 =	vld [tilespmem:s29+$0x6550];
	v28 =	vadd.f32 v32, v28;
	v29 =	vadd.f32 v34, v29  }
0x1ce: {  	v22 =	vld [tilespmem:s29+$0x64C0];
	v30 =	vadd.f32 v23, v30;
	v31 =	vadd.f32 v24, v27  }
0x1cf: {  	v23 =	vld [tilespmem:s29+$0x64D0];
	v32 =	vadd.f32 v25, v28;
	v63 =	vadd.f32 v35, v29  }
0x1d0: {  	v24 =	vld [tilespmem:s29+$0x6440];
	v27 =	vadd.f32 v15, v30;
	v28 =	vadd.f32 v16, v31  }
0x1d1: {  	v25 =	vld [tilespmem:s29+$0x6450];
	v29 =	vadd.f32 v17, v32;
	v30 =	vadd.f32 v26, v63  }
0x1d2: {  	s30 =	simm.s32 $0xE00;
	v26 =	vld [tilespmem:s29+$0x6460];
	v17 =	vimm.f32 $0.0e+00;
	v16 =	vimm.f32 $0.0e+00;
	v15 =	vimm.f32 $0.0e+00  }
.LBB2_9:
0x1d3: {  	p0 =	sne.s32 s30, $0x17A00;
	v31 =	vld [tilespmem:s29+$0x6470];
	v12 =	vadd.f32 v12, v27;
	v14 =	vadd.f32 v14, v28  }
0x1d4: {  	v27 =	vld [tilespmem:s29+$0x64E0];
	v11 =	vadd.f32 v11, v29;
	v13 =	vadd.f32 v13, v30  }
0x1d5: {  	v28 =	vld [tilespmem:s29+$0x64F0];
	v29 =	vadd.f32 v6, v12;
	v30 =	vadd.f32 v7, v14  }
0x1d6: {  	v6 =	vld [tilespmem:s29+$0x6560];
	v32 =	vadd.f32 v8, v11;
	v33 =	vadd.f32 v9, v13  }
0x1d7: {  	v7 =	vadd.f32 v24, v10;
	v8 =	vadd.f32 v25, v17;
	v9 =	vld [tilespmem:s29+$0x6570]  }
0x1d8: {  	v10 =	vadd.f32 v26, v16;
	v11 =	vadd.f32 v31, v15;
	v12 =	vld [tilespmem:s29+$0x65E0]  }
0x1d9: {  	v7 =	vadd.f32 v22, v7;
	v8 =	vadd.f32 v23, v8;
	v13 =	vld [tilespmem:s29+$0x65F0]  }
0x1da: {  	v10 =	vadd.f32 v27, v10;
	v11 =	vadd.f32 v28, v11;
	v14 =	vld [tilespmem:s29+$0x6660]  }
0x1db: {  	v7 =	vadd.f32 v20, v7;
	v8 =	vadd.f32 v21, v8;
	v15 =	vld [tilespmem:s29+$0x6670]  }
0x1dc: {  	v6 =	vadd.f32 v6, v10;
	v9 =	vadd.f32 v9, v11;
	v10 =	vld [tilespmem:s29+$0x66E0]  }
0x1dd: {  	v7 =	vadd.f32 v18, v7;
	v8 =	vadd.f32 v19, v8;
	v11 =	vld [tilespmem:s29+$0x66F0]  }
0x1de: {  	v12 =	vadd.f32 v12, v6;
	v9 =	vadd.f32 v13, v9;
	v13 =	vld [tilespmem:s29+$0x6760]  }
0x1df: {  	v5 =	vadd.f32 v5, v7;
	v4 =	vadd.f32 v4, v8;
	v18 =	vld [tilespmem:s29+$0x6770];
	s29 =	sshra.s32 s30, $0x2  }
0x1e0: {  	v12 =	vadd.f32 v14, v12;
	v6 =	vld [tilespmem:s29+$0x6700];
	v9 =	vadd.f32 v15, v9  }
0x1e1: {  	v3 =	vadd.f32 v3, v5;
	v2 =	vadd.f32 v2, v4;
	v7 =	vld [tilespmem:s29+$0x6710]  }
0x1e2: {  	v4 =	vadd.f32 v10, v12;
	v8 =	vld [tilespmem:s29+$0x6720];
	v5 =	vadd.f32 v11, v9  }
0x1e3: {  	v10 =	vadd.f32 v0, v3;
	v17 =	vadd.f32 v1, v2;
	v9 =	vld [tilespmem:s29+$0x6730]  }
0x1e4: {  	v16 =	vadd.f32 v13, v4;
	v0 =	vld [tilespmem:s29+$0x6740];
	v15 =	vadd.f32 v18, v5  }
0x1e5: {  	v1 =	vld [tilespmem:s29+$0x6750]  }
0x1e6: {  	v12 =	vld [tilespmem:s29+$0x6680]  }
0x1e7: {  	v14 =	vld [tilespmem:s29+$0x6690]  }
0x1e8: {  	v11 =	vld [tilespmem:s29+$0x66A0]  }
0x1e9: {  	v13 =	vld [tilespmem:s29+$0x66B0]  }
0x1ea: {  	v3 =	vld [tilespmem:s29+$0x66C0]  }
0x1eb: {  	v2 =	vld [tilespmem:s29+$0x66D0]  }
0x1ec: {  	v26 =	vld [tilespmem:s29+$0x6600]  }
0x1ed: {  	v28 =	vld [tilespmem:s29+$0x6610]  }
0x1ee: {  	v31 =	vld [tilespmem:s29+$0x6620]  }
0x1ef: {  	v34 =	vld [tilespmem:s29+$0x6630]  }
0x1f0: {  	v5 =	vld [tilespmem:s29+$0x6640]  }
0x1f1: {  	v4 =	vld [tilespmem:s29+$0x6650]  }
0x1f2: {  	v24 =	vld [tilespmem:s29+$0x6580]  }
0x1f3: {  	v25 =	vld [tilespmem:s29+$0x6590]  }
0x1f4: {  	v27 =	vld [tilespmem:s29+$0x65A0]  }
0x1f5: {  	v35 =	vld [tilespmem:s29+$0x65B0]  }
0x1f6: {  	v21 =	vld [tilespmem:s29+$0x6500]  }
0x1f7: {  	v22 =	vld [tilespmem:s29+$0x6510]  }
0x1f8: {  	v19 =	vld [tilespmem:s29+$0x6480]  }
0x1f9: {  	v20 =	vld [tilespmem:s29+$0x6490]  }
0x1fa: {  	v18 =	vld [tilespmem:s29+$0x6400]  }
0x1fb: {  	v23 =	vld [tilespmem:s29+$0x6410]  }
0x1fc: {  	v36 =	vld [tilespmem:s29+$0x6420]  }
0x1fd: {  	v37 =	vld [tilespmem:s29+$0x6430]  }
0x1fe: {  	v38 =	vld [tilespmem:s29+$0x64A0]  }
0x1ff: {  	v39 =	vld [tilespmem:s29+$0x64B0]  }
0x200: {  	v40 =	vld [tilespmem:s29+$0x6520]  }
0x201: {  	v29 =	vadd.f32 v18, v29;
	v23 =	vadd.f32 v23, v30;
	v30 =	vld [tilespmem:s29+$0x6530]  }
0x202: {  	v32 =	vadd.f32 v36, v32;
	v33 =	vadd.f32 v37, v33;
	v18 =	vld [tilespmem:s29+$0x65C0]  }
0x203: {  	v29 =	vadd.f32 v19, v29;
	v23 =	vadd.f32 v20, v23;
	v19 =	vld [tilespmem:s29+$0x65D0]  }
0x204: {  	v32 =	vadd.f32 v38, v32;
	v33 =	vadd.f32 v39, v33;
	v20 =	vld [tilespmem:s29+$0x6540]  }
0x205: {  	v29 =	vadd.f32 v21, v29;
	v36 =	vadd.f32 v22, v23;
	v21 =	vld [tilespmem:s29+$0x6550]  }
.Ltmp3:
0x206: {  	v32 =	vadd.f32 v40, v32;
	v22 =	vld [tilespmem:s29+$0x64C0];
	v30 =	vadd.f32 v30, v33;
	(pc) =	sbr.rel @p0 .LBB2_9-.Ltmp3, $4  }
0x207: {  	v29 =	vadd.f32 v24, v29;
	v33 =	vadd.f32 v25, v36;
	v23 =	vld [tilespmem:s29+$0x64D0]  }
0x208: {  	v32 =	vadd.f32 v27, v32;
	v24 =	vld [tilespmem:s29+$0x6440];
	v30 =	vadd.f32 v35, v30  }
0x209: {  	v27 =	vadd.f32 v26, v29;
	v28 =	vadd.f32 v28, v33;
	v25 =	vld [tilespmem:s29+$0x6450]  }
0x20a: {  	s30 =	sadd.s32 $0xE00, s30;
	v29 =	vadd.f32 v31, v32;
	v26 =	vld [tilespmem:s29+$0x6460];
	v30 =	vadd.f32 v34, v30  }
0x20b: {  	v12 =	vadd.f32 v12, v27;
	v14 =	vadd.f32 v14, v28  }
0x20c: {  	v27 =	vld [tilespmem:s29+$0x6470];
	v11 =	vadd.f32 v11, v29;
	v13 =	vadd.f32 v13, v30  }
0x20d: {  	v28 =	vld [tilespmem:s29+$0x64E0];
	v6 =	vadd.f32 v6, v12;
	v7 =	vadd.f32 v7, v14  }
0x20e: {  	v12 =	vld [tilespmem:s29+$0x64F0];
	v10 =	vadd.f32 v24, v10;
	v8 =	vadd.f32 v8, v11  }
0x20f: {  	v11 =	vld [tilespmem:s29+$0x6560];
	v9 =	vadd.f32 v9, v13;
	v13 =	vadd.f32 v25, v17  }
0x210: {  	v14 =	vld [tilespmem:s29+$0x6570];
	v16 =	vadd.f32 v26, v16;
	v10 =	vadd.f32 v22, v10  }
0x211: {  	v17 =	vld [tilespmem:s29+$0x65E0];
	v15 =	vadd.f32 v27, v15;
	v13 =	vadd.f32 v23, v13  }
0x212: {  	v22 =	vld [tilespmem:s29+$0x65F0];
	v16 =	vadd.f32 v28, v16;
	v10 =	vadd.f32 v20, v10  }
0x213: {  	v12 =	vadd.f32 v12, v15;
	v15 =	vld [tilespmem:s29+$0x6660];
	v13 =	vadd.f32 v21, v13  }
0x214: {  	v20 =	vld [tilespmem:s29+$0x6670];
	v11 =	vadd.f32 v11, v16;
	v10 =	vadd.f32 v18, v10  }
0x215: {  	v12 =	vadd.f32 v14, v12;
	v14 =	vld [tilespmem:s29+$0x66E0];
	v13 =	vadd.f32 v19, v13  }
0x216: {  	v16 =	vld [tilespmem:s29+$0x66F0];
	v11 =	vadd.f32 v17, v11;
	v5 =	vadd.f32 v5, v10  }
0x217: {  	v10 =	vadd.f32 v22, v12;
	v12 =	vld [tilespmem:s29+$0x6760];
	v4 =	vadd.f32 v4, v13  }
0x218: {  	v13 =	vld [tilespmem:s29+$0x6770];
	v11 =	vadd.f32 v15, v11;
	v3 =	vadd.f32 v3, v5;
	v5 =	vmul.f32 $5.102040710e-03, v6  }
0x219: {  	v6 =	vadd.f32 v20, v10;
	v2 =	vadd.f32 v2, v4;
	v4 =	vmul.f32 $5.102040710e-03, v7  }
0x21a: {  	v7 =	vadd.f32 v14, v11;
	v0 =	vadd.f32 v0, v3;
	[tilespmem:$0xC980] =	vst v5;
	v3 =	vmul.f32 $5.102040710e-03, v8  }
0x21b: {  	v5 =	vadd.f32 v16, v6;
	v1 =	vadd.f32 v1, v2;
	[tilespmem:$0xC990] =	vst v4;
	v2 =	vmul.f32 $5.102040710e-03, v9  }
0x21c: {  	v4 =	vadd.f32 v12, v7;
	[tilespmem:$0xC9A0] =	vst v3;
	v0 =	vmul.f32 $5.102040710e-03, v0  }
0x21d: {  	v3 =	vadd.f32 v13, v5;
	[tilespmem:$0xC9B0] =	vst v2;
	v1 =	vmul.f32 $5.102040710e-03, v1  }
0x21e: {  	[tilespmem:$0xC9C0] =	vst v0;
	v0 =	vmul.f32 $5.102040710e-03, v4  }
0x21f: {  	[tilespmem:$0xC9D0] =	vst v1;
	v1 =	vmul.f32 $5.102040710e-03, v3  }
0x220: {  	[tilespmem:$0xC9E0] =	vst v0  }
0x221: {  	[tilespmem:$0xC9F0] =	vst v1  }
0x222: {  	_ =	swait.ge [sflag:s18], $0x6200  }
0x223: {  	[sflag:s18] =	ssyncset.done $0x0  }
0x224: {  	s29 =	sadd.s32 $0x280, s28;
	[sflag:s18] =	ssyncadd.s32 $0xFFFF9E00  }
0x225: {  	[tilespmem:s19], [sflag:$0x2] =	stream.strided.gather [hbm4b:s29+s14], $0x6000, s15, s14, $0x38;
	[tilespmem:$0xCB80] =	vst v63  }
0x226: {  	s28 =	sadd.s32 $0x4A80, s28;
	s29 =	simm.s32 $0x0  }
0x227: {  	[tilespmem:s20], [sflag:$0x2] =	stream.linear.gather [hbm4b:s28+s29], $0x200, $0x38;
	[tilespmem:$0xCB80] =	vst v63  }
0x228: {  	s28 =	simm.s32 $0x0  }
0x229: {  	v6 =	vld [tilespmem:s28+$0x300]  }
0x22a: {  	v7 =	vld [tilespmem:s28+$0x310]  }
0x22b: {  	v8 =	vld [tilespmem:s28+$0x320]  }
0x22c: {  	v9 =	vld [tilespmem:s28+$0x330]  }
0x22d: {  	v0 =	vld [tilespmem:s28+$0x340]  }
0x22e: {  	v1 =	vld [tilespmem:s28+$0x350]  }
0x22f: {  	v12 =	vld [tilespmem:s28+$0x280]  }
0x230: {  	v14 =	vld [tilespmem:s28+$0x290]  }
0x231: {  	v11 =	vld [tilespmem:s28+$0x2A0]  }
0x232: {  	v13 =	vld [tilespmem:s28+$0x2B0]  }
0x233: {  	v3 =	vld [tilespmem:s28+$0x2C0]  }
0x234: {  	v2 =	vld [tilespmem:s28+$0x2D0]  }
0x235: {  	v15 =	vld [tilespmem:s28+$0x200]  }
0x236: {  	v16 =	vld [tilespmem:s28+$0x210]  }
0x237: {  	v17 =	vld [tilespmem:s28+$0x220]  }
0x238: {  	v26 =	vld [tilespmem:s28+$0x230]  }
0x239: {  	v5 =	vld [tilespmem:s28+$0x240]  }
0x23a: {  	v4 =	vld [tilespmem:s28+$0x250]  }
0x23b: {  	v23 =	vld [tilespmem:s28+$0x180]  }
0x23c: {  	v24 =	vld [tilespmem:s28+$0x190]  }
0x23d: {  	v25 =	vld [tilespmem:s28+$0x1A0]  }
0x23e: {  	v21 =	vld [tilespmem:s28+$0x100]  }
0x23f: {  	v22 =	vld [tilespmem:s28+$0x110]  }
0x240: {  	v19 =	vld [tilespmem:s28+$0x80]  }
0x241: {  	v20 =	vld [tilespmem:s28+$0x90]  }
0x242: {  	v18 =	vld [tilespmem:s28+$0x0]  }
0x243: {  	v27 =	vld [tilespmem:s28+$0x10]  }
0x244: {  	v28 =	vld [tilespmem:s28+$0x20]  }
0x245: {  	v29 =	vld [tilespmem:s28+$0x30]  }
0x246: {  	v30 =	vld [tilespmem:s28+$0xA0]  }
0x247: {  	v31 =	vld [tilespmem:s28+$0xB0]  }
0x248: {  	v10 =	vimm.f32 $0.0e+00;
	v32 =	vld [tilespmem:s28+$0x120]  }
0x249: {  	v34 =	vld [tilespmem:s28+$0x130];
	v33 =	vadd.f32 v18, v10;
	v27 =	vadd.f32 v27, v10  }
0x24a: {  	v35 =	vld [tilespmem:s28+$0x1B0];
	v28 =	vadd.f32 v28, v10;
	v29 =	vadd.f32 v29, v10  }
0x24b: {  	v18 =	vld [tilespmem:s28+$0x1C0];
	v33 =	vadd.f32 v19, v33;
	v27 =	vadd.f32 v20, v27  }
0x24c: {  	v19 =	vld [tilespmem:s28+$0x1D0];
	v28 =	vadd.f32 v30, v28;
	v29 =	vadd.f32 v31, v29  }
0x24d: {  	v20 =	vld [tilespmem:s28+$0x140];
	v30 =	vadd.f32 v21, v33;
	v27 =	vadd.f32 v22, v27  }
0x24e: {  	v21 =	vld [tilespmem:s28+$0x150];
	v28 =	vadd.f32 v32, v28;
	v29 =	vadd.f32 v34, v29  }
0x24f: {  	v22 =	vld [tilespmem:s28+$0xC0];
	v30 =	vadd.f32 v23, v30;
	v31 =	vadd.f32 v24, v27  }
0x250: {  	v23 =	vld [tilespmem:s28+$0xD0];
	v32 =	vadd.f32 v25, v28;
	v63 =	vadd.f32 v35, v29  }
0x251: {  	v24 =	vld [tilespmem:s28+$0x40];
	v27 =	vadd.f32 v15, v30;
	v28 =	vadd.f32 v16, v31  }
0x252: {  	v25 =	vld [tilespmem:s28+$0x50];
	v29 =	vadd.f32 v17, v32;
	v30 =	vadd.f32 v26, v63  }
0x253: {  	s29 =	simm.s32 $0xE00;
	v26 =	vld [tilespmem:s28+$0x60];
	v17 =	vimm.f32 $0.0e+00;
	v16 =	vimm.f32 $0.0e+00;
	v15 =	vimm.f32 $0.0e+00  }
.LBB2_11:
0x254: {  	p0 =	sne.s32 s29, $0x17A00;
	v31 =	vld [tilespmem:s28+$0x70];
	v12 =	vadd.f32 v12, v27;
	v14 =	vadd.f32 v14, v28  }
0x255: {  	v27 =	vld [tilespmem:s28+$0xE0];
	v11 =	vadd.f32 v11, v29;
	v13 =	vadd.f32 v13, v30  }
0x256: {  	v28 =	vld [tilespmem:s28+$0xF0];
	v29 =	vadd.f32 v6, v12;
	v30 =	vadd.f32 v7, v14  }
0x257: {  	v6 =	vld [tilespmem:s28+$0x160];
	v32 =	vadd.f32 v8, v11;
	v33 =	vadd.f32 v9, v13  }
0x258: {  	v7 =	vadd.f32 v24, v10;
	v8 =	vadd.f32 v25, v17;
	v9 =	vld [tilespmem:s28+$0x170]  }
0x259: {  	v10 =	vadd.f32 v26, v16;
	v11 =	vadd.f32 v31, v15;
	v12 =	vld [tilespmem:s28+$0x1E0]  }
0x25a: {  	v7 =	vadd.f32 v22, v7;
	v8 =	vadd.f32 v23, v8;
	v13 =	vld [tilespmem:s28+$0x1F0]  }
0x25b: {  	v10 =	vadd.f32 v27, v10;
	v11 =	vadd.f32 v28, v11;
	v14 =	vld [tilespmem:s28+$0x260]  }
0x25c: {  	v7 =	vadd.f32 v20, v7;
	v8 =	vadd.f32 v21, v8;
	v15 =	vld [tilespmem:s28+$0x270]  }
0x25d: {  	v6 =	vadd.f32 v6, v10;
	v9 =	vadd.f32 v9, v11;
	v10 =	vld [tilespmem:s28+$0x2E0]  }
0x25e: {  	v7 =	vadd.f32 v18, v7;
	v8 =	vadd.f32 v19, v8;
	v11 =	vld [tilespmem:s28+$0x2F0]  }
0x25f: {  	v12 =	vadd.f32 v12, v6;
	v9 =	vadd.f32 v13, v9;
	v13 =	vld [tilespmem:s28+$0x360]  }
0x260: {  	v5 =	vadd.f32 v5, v7;
	v4 =	vadd.f32 v4, v8;
	v18 =	vld [tilespmem:s28+$0x370];
	s28 =	sshra.s32 s29, $0x2  }
0x261: {  	v12 =	vadd.f32 v14, v12;
	v6 =	vld [tilespmem:s28+$0x300];
	v9 =	vadd.f32 v15, v9  }
0x262: {  	v3 =	vadd.f32 v3, v5;
	v2 =	vadd.f32 v2, v4;
	v7 =	vld [tilespmem:s28+$0x310]  }
0x263: {  	v4 =	vadd.f32 v10, v12;
	v8 =	vld [tilespmem:s28+$0x320];
	v5 =	vadd.f32 v11, v9  }
0x264: {  	v10 =	vadd.f32 v0, v3;
	v17 =	vadd.f32 v1, v2;
	v9 =	vld [tilespmem:s28+$0x330]  }
0x265: {  	v16 =	vadd.f32 v13, v4;
	v0 =	vld [tilespmem:s28+$0x340];
	v15 =	vadd.f32 v18, v5  }
0x266: {  	v1 =	vld [tilespmem:s28+$0x350]  }
0x267: {  	v12 =	vld [tilespmem:s28+$0x280]  }
0x268: {  	v14 =	vld [tilespmem:s28+$0x290]  }
0x269: {  	v11 =	vld [tilespmem:s28+$0x2A0]  }
0x26a: {  	v13 =	vld [tilespmem:s28+$0x2B0]  }
0x26b: {  	v3 =	vld [tilespmem:s28+$0x2C0]  }
0x26c: {  	v2 =	vld [tilespmem:s28+$0x2D0]  }
0x26d: {  	v26 =	vld [tilespmem:s28+$0x200]  }
0x26e: {  	v28 =	vld [tilespmem:s28+$0x210]  }
0x26f: {  	v31 =	vld [tilespmem:s28+$0x220]  }
0x270: {  	v34 =	vld [tilespmem:s28+$0x230]  }
0x271: {  	v5 =	vld [tilespmem:s28+$0x240]  }
0x272: {  	v4 =	vld [tilespmem:s28+$0x250]  }
0x273: {  	v24 =	vld [tilespmem:s28+$0x180]  }
0x274: {  	v25 =	vld [tilespmem:s28+$0x190]  }
0x275: {  	v27 =	vld [tilespmem:s28+$0x1A0]  }
0x276: {  	v35 =	vld [tilespmem:s28+$0x1B0]  }
0x277: {  	v21 =	vld [tilespmem:s28+$0x100]  }
0x278: {  	v22 =	vld [tilespmem:s28+$0x110]  }
0x279: {  	v19 =	vld [tilespmem:s28+$0x80]  }
0x27a: {  	v20 =	vld [tilespmem:s28+$0x90]  }
0x27b: {  	v18 =	vld [tilespmem:s28+$0x0]  }
0x27c: {  	v23 =	vld [tilespmem:s28+$0x10]  }
0x27d: {  	v36 =	vld [tilespmem:s28+$0x20]  }
0x27e: {  	v37 =	vld [tilespmem:s28+$0x30]  }
0x27f: {  	v38 =	vld [tilespmem:s28+$0xA0]  }
0x280: {  	v39 =	vld [tilespmem:s28+$0xB0]  }
0x281: {  	v40 =	vld [tilespmem:s28+$0x120]  }
0x282: {  	v29 =	vadd.f32 v18, v29;
	v23 =	vadd.f32 v23, v30;
	v30 =	vld [tilespmem:s28+$0x130]  }
0x283: {  	v32 =	vadd.f32 v36, v32;
	v33 =	vadd.f32 v37, v33;
	v18 =	vld [tilespmem:s28+$0x1C0]  }
0x284: {  	v29 =	vadd.f32 v19, v29;
	v23 =	vadd.f32 v20, v23;
	v19 =	vld [tilespmem:s28+$0x1D0]  }
0x285: {  	v32 =	vadd.f32 v38, v32;
	v33 =	vadd.f32 v39, v33;
	v20 =	vld [tilespmem:s28+$0x140]  }
0x286: {  	v29 =	vadd.f32 v21, v29;
	v36 =	vadd.f32 v22, v23;
	v21 =	vld [tilespmem:s28+$0x150]  }
.Ltmp4:
0x287: {  	v32 =	vadd.f32 v40, v32;
	v22 =	vld [tilespmem:s28+$0xC0];
	v30 =	vadd.f32 v30, v33;
	(pc) =	sbr.rel @p0 .LBB2_11-.Ltmp4, $4  }
0x288: {  	v29 =	vadd.f32 v24, v29;
	v33 =	vadd.f32 v25, v36;
	v23 =	vld [tilespmem:s28+$0xD0]  }
0x289: {  	v32 =	vadd.f32 v27, v32;
	v24 =	vld [tilespmem:s28+$0x40];
	v30 =	vadd.f32 v35, v30  }
0x28a: {  	v27 =	vadd.f32 v26, v29;
	v28 =	vadd.f32 v28, v33;
	v25 =	vld [tilespmem:s28+$0x50]  }
0x28b: {  	s29 =	sadd.s32 $0xE00, s29;
	v29 =	vadd.f32 v31, v32;
	v26 =	vld [tilespmem:s28+$0x60];
	v30 =	vadd.f32 v34, v30  }
0x28c: {  	v12 =	vadd.f32 v12, v27;
	v14 =	vadd.f32 v14, v28  }
0x28d: {  	v27 =	vld [tilespmem:s28+$0x70];
	v11 =	vadd.f32 v11, v29;
	v13 =	vadd.f32 v13, v30  }
0x28e: {  	v28 =	vld [tilespmem:s28+$0xE0];
	v6 =	vadd.f32 v6, v12;
	v7 =	vadd.f32 v7, v14  }
0x28f: {  	v12 =	vld [tilespmem:s28+$0xF0];
	v10 =	vadd.f32 v24, v10;
	v8 =	vadd.f32 v8, v11  }
0x290: {  	v11 =	vld [tilespmem:s28+$0x160];
	v9 =	vadd.f32 v9, v13;
	v13 =	vadd.f32 v25, v17  }
0x291: {  	v14 =	vld [tilespmem:s28+$0x170];
	v16 =	vadd.f32 v26, v16;
	v10 =	vadd.f32 v22, v10  }
0x292: {  	v17 =	vld [tilespmem:s28+$0x1E0];
	v15 =	vadd.f32 v27, v15;
	v13 =	vadd.f32 v23, v13  }
0x293: {  	v22 =	vld [tilespmem:s28+$0x1F0];
	v16 =	vadd.f32 v28, v16;
	v10 =	vadd.f32 v20, v10  }
0x294: {  	v12 =	vadd.f32 v12, v15;
	v15 =	vld [tilespmem:s28+$0x260];
	v13 =	vadd.f32 v21, v13  }
0x295: {  	v20 =	vld [tilespmem:s28+$0x270];
	v11 =	vadd.f32 v11, v16;
	v10 =	vadd.f32 v18, v10  }
0x296: {  	v12 =	vadd.f32 v14, v12;
	v14 =	vld [tilespmem:s28+$0x2E0];
	v13 =	vadd.f32 v19, v13  }
0x297: {  	v16 =	vld [tilespmem:s28+$0x2F0];
	v11 =	vadd.f32 v17, v11;
	v5 =	vadd.f32 v5, v10  }
0x298: {  	v10 =	vadd.f32 v22, v12;
	v12 =	vld [tilespmem:s28+$0x360];
	v4 =	vadd.f32 v4, v13  }
0x299: {  	v13 =	vld [tilespmem:s28+$0x370];
	v11 =	vadd.f32 v15, v11;
	v3 =	vadd.f32 v3, v5;
	v5 =	vmul.f32 $5.102040710e-03, v6  }
0x29a: {  	v6 =	vadd.f32 v20, v10;
	v2 =	vadd.f32 v2, v4;
	v4 =	vmul.f32 $5.102040710e-03, v7  }
0x29b: {  	v7 =	vadd.f32 v14, v11;
	v0 =	vadd.f32 v0, v3;
	[tilespmem:$0xCA00] =	vst v5;
	v3 =	vmul.f32 $5.102040710e-03, v8  }
0x29c: {  	v5 =	vadd.f32 v16, v6;
	v1 =	vadd.f32 v1, v2;
	[tilespmem:$0xCA10] =	vst v4;
	v2 =	vmul.f32 $5.102040710e-03, v9  }
0x29d: {  	v4 =	vadd.f32 v12, v7;
	[tilespmem:$0xCA20] =	vst v3;
	v0 =	vmul.f32 $5.102040710e-03, v0  }
0x29e: {  	v3 =	vadd.f32 v13, v5;
	[tilespmem:$0xCA30] =	vst v2;
	v1 =	vmul.f32 $5.102040710e-03, v1  }
0x29f: {  	[tilespmem:$0xCA40] =	vst v0;
	v0 =	vmul.f32 $5.102040710e-03, v4  }
0x2a0: {  	[tilespmem:$0xCA50] =	vst v1;
	v1 =	vmul.f32 $5.102040710e-03, v3  }
0x2a1: {  	p0 =	seq.s32 s25, $0xF;
	[tilespmem:$0xCA60] =	vst v0  }
0x2a2: {  	s28 =	sadd.s32 @!p0 s25, s10;
	[tilespmem:$0xCA70] =	vst v1  }
0x2a3: {  	s28 =	smul.u32 @!p0 $0x4B00, s28;
	_ =	swait.ge [sflag:s21], $0x6200  }
0x2a4: {  	s29 =	simm.s32 @!p0 $0x400;
	s30 =	simm.s32 @!p0 $0x1800;
	[sflag:s21] =	ssyncset.done $0x0  }
0x2a5: {  	s31 =	simm.s32 @!p0 $0x0;
	s28 =	sadd.s32 @!p0 s5, s28;
	[sflag:s21] =	ssyncadd.s32 $0xFFFF9E00  }
0x2a6: {  	[tilespmem:s31], [sflag:$0x1] =	stream.strided.gather @!p0 [hbm4b:s28+s29], $0x6000, s30, s29, $0x38;
	[tilespmem:$0xCB80] =	vst v63  }
0x2a7: {  	s28 =	sadd.s32 @!p0 $0x4800, s28;
	s29 =	simm.s32 @!p0 $0x6000  }
0x2a8: {  	[tilespmem:s29], [sflag:$0x1] =	stream.linear.gather @!p0 [hbm4b:s28+s31], $0x200, $0x38;
	[tilespmem:$0xCB80] =	vst v63  }
0x2a9: {  	s28 =	simm.s32 $0x0  }
0x2aa: {  	v6 =	vld [tilespmem:s28+$0x6700]  }
0x2ab: {  	v7 =	vld [tilespmem:s28+$0x6710]  }
0x2ac: {  	v8 =	vld [tilespmem:s28+$0x6720]  }
0x2ad: {  	v9 =	vld [tilespmem:s28+$0x6730]  }
0x2ae: {  	v0 =	vld [tilespmem:s28+$0x6740]  }
0x2af: {  	v1 =	vld [tilespmem:s28+$0x6750]  }
0x2b0: {  	v12 =	vld [tilespmem:s28+$0x6680]  }
0x2b1: {  	v14 =	vld [tilespmem:s28+$0x6690]  }
0x2b2: {  	v11 =	vld [tilespmem:s28+$0x66A0]  }
0x2b3: {  	v13 =	vld [tilespmem:s28+$0x66B0]  }
0x2b4: {  	v3 =	vld [tilespmem:s28+$0x66C0]  }
0x2b5: {  	v2 =	vld [tilespmem:s28+$0x66D0]  }
0x2b6: {  	v15 =	vld [tilespmem:s28+$0x6600]  }
0x2b7: {  	v16 =	vld [tilespmem:s28+$0x6610]  }
0x2b8: {  	v17 =	vld [tilespmem:s28+$0x6620]  }
0x2b9: {  	v26 =	vld [tilespmem:s28+$0x6630]  }
0x2ba: {  	v5 =	vld [tilespmem:s28+$0x6640]  }
0x2bb: {  	v4 =	vld [tilespmem:s28+$0x6650]  }
0x2bc: {  	v23 =	vld [tilespmem:s28+$0x6580]  }
0x2bd: {  	v24 =	vld [tilespmem:s28+$0x6590]  }
0x2be: {  	v25 =	vld [tilespmem:s28+$0x65A0]  }
0x2bf: {  	v21 =	vld [tilespmem:s28+$0x6500]  }
0x2c0: {  	v22 =	vld [tilespmem:s28+$0x6510]  }
0x2c1: {  	v19 =	vld [tilespmem:s28+$0x6480]  }
0x2c2: {  	v20 =	vld [tilespmem:s28+$0x6490]  }
0x2c3: {  	v18 =	vld [tilespmem:s28+$0x6400]  }
0x2c4: {  	v27 =	vld [tilespmem:s28+$0x6410]  }
0x2c5: {  	v28 =	vld [tilespmem:s28+$0x6420]  }
0x2c6: {  	v29 =	vld [tilespmem:s28+$0x6430]  }
0x2c7: {  	v30 =	vld [tilespmem:s28+$0x64A0]  }
0x2c8: {  	v31 =	vld [tilespmem:s28+$0x64B0]  }
0x2c9: {  	v10 =	vimm.f32 $0.0e+00;
	v32 =	vld [tilespmem:s28+$0x6520]  }
0x2ca: {  	v34 =	vld [tilespmem:s28+$0x6530];
	v33 =	vadd.f32 v18, v10;
	v27 =	vadd.f32 v27, v10  }
0x2cb: {  	v35 =	vld [tilespmem:s28+$0x65B0];
	v28 =	vadd.f32 v28, v10;
	v29 =	vadd.f32 v29, v10  }
0x2cc: {  	v18 =	vld [tilespmem:s28+$0x65C0];
	v33 =	vadd.f32 v19, v33;
	v27 =	vadd.f32 v20, v27  }
0x2cd: {  	v19 =	vld [tilespmem:s28+$0x65D0];
	v28 =	vadd.f32 v30, v28;
	v29 =	vadd.f32 v31, v29  }
0x2ce: {  	v20 =	vld [tilespmem:s28+$0x6540];
	v30 =	vadd.f32 v21, v33;
	v27 =	vadd.f32 v22, v27  }
0x2cf: {  	v21 =	vld [tilespmem:s28+$0x6550];
	v28 =	vadd.f32 v32, v28;
	v29 =	vadd.f32 v34, v29  }
0x2d0: {  	v22 =	vld [tilespmem:s28+$0x64C0];
	v30 =	vadd.f32 v23, v30;
	v31 =	vadd.f32 v24, v27  }
0x2d1: {  	v23 =	vld [tilespmem:s28+$0x64D0];
	v32 =	vadd.f32 v25, v28;
	v63 =	vadd.f32 v35, v29  }
0x2d2: {  	v24 =	vld [tilespmem:s28+$0x6440];
	v27 =	vadd.f32 v15, v30;
	v28 =	vadd.f32 v16, v31  }
0x2d3: {  	v25 =	vld [tilespmem:s28+$0x6450];
	v29 =	vadd.f32 v17, v32;
	v30 =	vadd.f32 v26, v63  }
0x2d4: {  	s29 =	simm.s32 $0xE00;
	v26 =	vld [tilespmem:s28+$0x6460];
	v17 =	vimm.f32 $0.0e+00;
	v16 =	vimm.f32 $0.0e+00;
	v15 =	vimm.f32 $0.0e+00  }
.LBB2_13:
0x2d5: {  	p0 =	sne.s32 s29, $0x17A00;
	v31 =	vld [tilespmem:s28+$0x6470];
	v12 =	vadd.f32 v12, v27;
	v14 =	vadd.f32 v14, v28  }
0x2d6: {  	v27 =	vld [tilespmem:s28+$0x64E0];
	v11 =	vadd.f32 v11, v29;
	v13 =	vadd.f32 v13, v30  }
0x2d7: {  	v28 =	vld [tilespmem:s28+$0x64F0];
	v29 =	vadd.f32 v6, v12;
	v30 =	vadd.f32 v7, v14  }
0x2d8: {  	v6 =	vld [tilespmem:s28+$0x6560];
	v32 =	vadd.f32 v8, v11;
	v33 =	vadd.f32 v9, v13  }
0x2d9: {  	v7 =	vadd.f32 v24, v10;
	v8 =	vadd.f32 v25, v17;
	v9 =	vld [tilespmem:s28+$0x6570]  }
0x2da: {  	v10 =	vadd.f32 v26, v16;
	v11 =	vadd.f32 v31, v15;
	v12 =	vld [tilespmem:s28+$0x65E0]  }
0x2db: {  	v7 =	vadd.f32 v22, v7;
	v8 =	vadd.f32 v23, v8;
	v13 =	vld [tilespmem:s28+$0x65F0]  }
0x2dc: {  	v10 =	vadd.f32 v27, v10;
	v11 =	vadd.f32 v28, v11;
	v14 =	vld [tilespmem:s28+$0x6660]  }
0x2dd: {  	v7 =	vadd.f32 v20, v7;
	v8 =	vadd.f32 v21, v8;
	v15 =	vld [tilespmem:s28+$0x6670]  }
0x2de: {  	v6 =	vadd.f32 v6, v10;
	v9 =	vadd.f32 v9, v11;
	v10 =	vld [tilespmem:s28+$0x66E0]  }
0x2df: {  	v7 =	vadd.f32 v18, v7;
	v8 =	vadd.f32 v19, v8;
	v11 =	vld [tilespmem:s28+$0x66F0]  }
0x2e0: {  	v12 =	vadd.f32 v12, v6;
	v9 =	vadd.f32 v13, v9;
	v13 =	vld [tilespmem:s28+$0x6760]  }
0x2e1: {  	v5 =	vadd.f32 v5, v7;
	v4 =	vadd.f32 v4, v8;
	v18 =	vld [tilespmem:s28+$0x6770];
	s28 =	sshra.s32 s29, $0x2  }
0x2e2: {  	v12 =	vadd.f32 v14, v12;
	v6 =	vld [tilespmem:s28+$0x6700];
	v9 =	vadd.f32 v15, v9  }
0x2e3: {  	v3 =	vadd.f32 v3, v5;
	v2 =	vadd.f32 v2, v4;
	v7 =	vld [tilespmem:s28+$0x6710]  }
0x2e4: {  	v4 =	vadd.f32 v10, v12;
	v8 =	vld [tilespmem:s28+$0x6720];
	v5 =	vadd.f32 v11, v9  }
0x2e5: {  	v10 =	vadd.f32 v0, v3;
	v17 =	vadd.f32 v1, v2;
	v9 =	vld [tilespmem:s28+$0x6730]  }
0x2e6: {  	v16 =	vadd.f32 v13, v4;
	v0 =	vld [tilespmem:s28+$0x6740];
	v15 =	vadd.f32 v18, v5  }
0x2e7: {  	v1 =	vld [tilespmem:s28+$0x6750]  }
0x2e8: {  	v12 =	vld [tilespmem:s28+$0x6680]  }
0x2e9: {  	v14 =	vld [tilespmem:s28+$0x6690]  }
0x2ea: {  	v11 =	vld [tilespmem:s28+$0x66A0]  }
0x2eb: {  	v13 =	vld [tilespmem:s28+$0x66B0]  }
0x2ec: {  	v3 =	vld [tilespmem:s28+$0x66C0]  }
0x2ed: {  	v2 =	vld [tilespmem:s28+$0x66D0]  }
0x2ee: {  	v26 =	vld [tilespmem:s28+$0x6600]  }
0x2ef: {  	v28 =	vld [tilespmem:s28+$0x6610]  }
0x2f0: {  	v31 =	vld [tilespmem:s28+$0x6620]  }
0x2f1: {  	v34 =	vld [tilespmem:s28+$0x6630]  }
0x2f2: {  	v5 =	vld [tilespmem:s28+$0x6640]  }
0x2f3: {  	v4 =	vld [tilespmem:s28+$0x6650]  }
0x2f4: {  	v24 =	vld [tilespmem:s28+$0x6580]  }
0x2f5: {  	v25 =	vld [tilespmem:s28+$0x6590]  }
0x2f6: {  	v27 =	vld [tilespmem:s28+$0x65A0]  }
0x2f7: {  	v35 =	vld [tilespmem:s28+$0x65B0]  }
0x2f8: {  	v21 =	vld [tilespmem:s28+$0x6500]  }
0x2f9: {  	v22 =	vld [tilespmem:s28+$0x6510]  }
0x2fa: {  	v19 =	vld [tilespmem:s28+$0x6480]  }
0x2fb: {  	v20 =	vld [tilespmem:s28+$0x6490]  }
0x2fc: {  	v18 =	vld [tilespmem:s28+$0x6400]  }
0x2fd: {  	v23 =	vld [tilespmem:s28+$0x6410]  }
0x2fe: {  	v36 =	vld [tilespmem:s28+$0x6420]  }
0x2ff: {  	v37 =	vld [tilespmem:s28+$0x6430]  }
0x300: {  	v38 =	vld [tilespmem:s28+$0x64A0]  }
0x301: {  	v39 =	vld [tilespmem:s28+$0x64B0]  }
0x302: {  	v40 =	vld [tilespmem:s28+$0x6520]  }
0x303: {  	v29 =	vadd.f32 v18, v29;
	v23 =	vadd.f32 v23, v30;
	v30 =	vld [tilespmem:s28+$0x6530]  }
0x304: {  	v32 =	vadd.f32 v36, v32;
	v33 =	vadd.f32 v37, v33;
	v18 =	vld [tilespmem:s28+$0x65C0]  }
0x305: {  	v29 =	vadd.f32 v19, v29;
	v23 =	vadd.f32 v20, v23;
	v19 =	vld [tilespmem:s28+$0x65D0]  }
0x306: {  	v32 =	vadd.f32 v38, v32;
	v33 =	vadd.f32 v39, v33;
	v20 =	vld [tilespmem:s28+$0x6540]  }
0x307: {  	v29 =	vadd.f32 v21, v29;
	v36 =	vadd.f32 v22, v23;
	v21 =	vld [tilespmem:s28+$0x6550]  }
.Ltmp5:
0x308: {  	v32 =	vadd.f32 v40, v32;
	v22 =	vld [tilespmem:s28+$0x64C0];
	v30 =	vadd.f32 v30, v33;
	(pc) =	sbr.rel @p0 .LBB2_13-.Ltmp5, $4  }
0x309: {  	v29 =	vadd.f32 v24, v29;
	v33 =	vadd.f32 v25, v36;
	v23 =	vld [tilespmem:s28+$0x64D0]  }
0x30a: {  	v32 =	vadd.f32 v27, v32;
	v24 =	vld [tilespmem:s28+$0x6440];
	v30 =	vadd.f32 v35, v30  }
0x30b: {  	v27 =	vadd.f32 v26, v29;
	v28 =	vadd.f32 v28, v33;
	v25 =	vld [tilespmem:s28+$0x6450]  }
0x30c: {  	s29 =	sadd.s32 $0xE00, s29;
	v29 =	vadd.f32 v31, v32;
	v26 =	vld [tilespmem:s28+$0x6460];
	v30 =	vadd.f32 v34, v30  }
0x30d: {  	v12 =	vadd.f32 v12, v27;
	v14 =	vadd.f32 v14, v28  }
0x30e: {  	v38 =	vld [tilespmem:s28+$0x6470];
	v11 =	vadd.f32 v11, v29;
	v13 =	vadd.f32 v13, v30  }
0x30f: {  	v39 =	vld [tilespmem:s28+$0x64E0];
	v6 =	vadd.f32 v6, v12;
	v7 =	vadd.f32 v7, v14  }
0x310: {  	v40 =	vld [tilespmem:s28+$0x64F0];
	v10 =	vadd.f32 v24, v10;
	v8 =	vadd.f32 v8, v11  }
0x311: {  	v41 =	vld [tilespmem:s28+$0x6560];
	v9 =	vadd.f32 v9, v13;
	v42 =	vadd.f32 v25, v17  }
0x312: {  	v43 =	vld [tilespmem:s28+$0x6570];
	v16 =	vadd.f32 v26, v16;
	v10 =	vadd.f32 v22, v10  }
0x313: {  	v44 =	vld [tilespmem:s28+$0x65E0];
	v15 =	vadd.f32 v38, v15;
	v13 =	vadd.f32 v23, v42  }
0x314: {  	v45 =	vld [tilespmem:s28+$0x65F0];
	v16 =	vadd.f32 v39, v16;
	v10 =	vadd.f32 v20, v10  }
0x315: {  	v46 =	vld [tilespmem:s28+$0x6660];
	v12 =	vadd.f32 v40, v15;
	v13 =	vadd.f32 v21, v13  }
0x316: {  	v47 =	vld [tilespmem:s28+$0x6670];
	v11 =	vadd.f32 v41, v16;
	v10 =	vadd.f32 v18, v10  }
0x317: {  	v48 =	vld [tilespmem:s28+$0x66E0];
	v12 =	vadd.f32 v43, v12;
	v13 =	vadd.f32 v19, v13  }
0x318: {  	v49 =	vld [tilespmem:s28+$0x66F0];
	v11 =	vadd.f32 v44, v11;
	v5 =	vadd.f32 v5, v10  }
0x319: {  	v51 =	vld [tilespmem:s28+$0x6760];
	v50 =	vadd.f32 v45, v12;
	v4 =	vadd.f32 v4, v13  }
0x31a: {  	v52 =	vld [tilespmem:s28+$0x6770];
	v53 =	vmul.f32 $5.102040710e-03, v6;
	v11 =	vadd.f32 v46, v11;
	v3 =	vadd.f32 v3, v5  }
0x31b: {  	v55 =	vmul.f32 $5.102040710e-03, v7;
	v54 =	vadd.f32 v47, v50;
	v2 =	vadd.f32 v2, v4  }
0x31c: {  	v57 =	vmul.f32 $5.102040710e-03, v8;
	[tilespmem:$0xCA80] =	vst v53;
	v56 =	vadd.f32 v48, v11;
	v0 =	vadd.f32 v0, v3  }
0x31d: {  	v59 =	vmul.f32 $5.102040710e-03, v9;
	[tilespmem:$0xCA90] =	vst v55;
	v58 =	vadd.f32 v49, v54;
	v1 =	vadd.f32 v1, v2  }
0x31e: {  	s26 =	sshrl.u32 s26, $0x3;
	[tilespmem:$0xCAA0] =	vst v57;
	v60 =	vadd.f32 v51, v56;
	v0 =	vmul.f32 $5.102040710e-03, v0  }
0x31f: {  	s31 =	sshll.u32 s25, $0x7;
	s26 =	smul.u32 $0x1800, s26;
	[tilespmem:$0xCAB0] =	vst v59;
	v61 =	vadd.f32 v52, v58;
	v1 =	vmul.f32 $5.102040710e-03, v1  }
0x320: {  	s28 =	sand.u32 $0x380, s31;
	[tilespmem:$0xCAC0] =	vst v0;
	v62 =	vmul.f32 $5.102040710e-03, v60  }
0x321: {  	s25 =	sadd.s32 $0x1, s25;
	s26 =	sor.u32 s28, s26;
	[tilespmem:$0xCAD0] =	vst v1;
	v63 =	vmul.f32 $5.102040710e-03, v61  }
0x322: {  	p0 =	sne.s32 s25, $0x10;
	s26 =	sshrl.u32 s26, $0x3;
	[tilespmem:$0xCAE0] =	vst v62  }
.Ltmp6:
0x323: {  	s26 =	sadd.s32 s1, s26;
	[tilespmem:$0xCAF0] =	vst v63;
	(pc) =	sbr.rel @p0 .LBB2_2-.Ltmp6, $4  }
0x324: {  	[hbm4b:s26+s22] =	stream.strided.scatter [tilespmem:s23], [sflag:$0x3], $0x300, s14, s22, $0x38;
	[tilespmem:$0xCB80] =	vst v63  }
0x325: {  	_ =	swait.ge [sflag:s13], $0x300  }
0x326: {  	[sflag:s13] =	ssyncset.done $0x0  }
0x327: {  	[sflag:s13] =	ssyncadd.s32 $0xFFFFFD00  }
0x328: {  	s24 =	sadd.s32 $0x1, s24  }
0x329: {  	p0 =	sne.s32 s24, s11  }
.Ltmp7:
0x32a: {  	_ = 	snop;
	(pc) =	sbr.rel @p0 .LBB2_1-.Ltmp7, $1  }
0x32b: {  	_ =	sdelay $0x3  }
0x32c: {  	_ =	sfence.sel $0x180000  }
0x32d: {  	[bflag:$0x0] =	sbarrier.arrive $0xFFFF  }
0x32e: {  	p0 =	sne.s32 s2, $0x0;
	_ =	strace $0x90000047  }
0x32f: {  	s0 =	sadd.s32 @!p0 $0x100000, s0;
	[bflag:$0x2] =	sbarrier.arrive $0xFFFF  }
0x330: {  	[sflag:s0] =	ssyncadd.tile.s32 @!p0 $0x1;
	_ =	shalt  }
.Lfunc_end2:
_tile_overlayer_lowered:
.L_overlay_start_2:
0x331: {  	(tag) =	ssettag $0x2  }
0x332: {  	s0 =	rddreg [dreg:$0x0];
	s2 =	stileid.u32  }
0x333: {  	s1 =	rddreg [dreg:$0x1];
	p0 =	sne.s32 s2, $0x0  }
0x334: {  	s3 =	rddreg [dreg:$0x2];
	[bflag:$0x3] =	sbarrier.arrive $0xFFFF;
	s2 =	simm.s32 @!p0 $0x1C03  }
0x335: {  	[timem:s3], [sflag:s2] =	dma.local @!p0 [hbm:s0], s1  }
0x336: {  	s0 =	simm.s32 @!p0 $0x3  }
0x337: {  	_ =	swait.ge @!p0 [sflag:s0], s1  }
0x338: {  	s1 =	ssub.s32 @!p0 $0x0, s1;
	[sflag:s0] =	ssyncset.done @!p0 $0x0  }
0x339: {  	[sflag:s0] =	ssyncadd.s32 @!p0 s1  }
0x33a: {  	[bflag:$0x3] =	sbarrier.arrive $0xFFFF  }
0x33b: {  	_ =	shalt  }

</sc_bundles>
